<compile_context>
chip_gen: v7x
topology: tpu7x:2x2x1
jax: 0.10.2.dev20260603
libtpu: 0.0.44.dev20260713+nightly
codegen_flags: <defaults>
</compile_context>

<pallas_src>
import functools

import jax
import jax.numpy as jnp
from jax import lax
from jax.experimental import pallas as pl
from jax.experimental.pallas import tpu as pltpu
from jax.experimental.pallas import tpu_sc as plsc

TOKEN_SELF_ATTN_VALUE = -50000.0
N_HASHES = 8
BUCKET_SIZE = 64

B, S, D = 16, 2048, 64
NB = S // BUCKET_SIZE
NP = B * N_HASHES
CPB = 16
TPB = CPB * BUCKET_SIZE
JBLK = (N_HASHES * S) // TPB


def _hash_sort_kernel(qk_ref, rot_ref, dest_ref):
    qk = qk_ref[0]
    rot = rot_ref[...]
    rotated = jnp.dot(qk, rot, preferred_element_type=jnp.float32)

    nblk = S // 128
    ii = lax.broadcasted_iota(jnp.int32, (128, 128), 0)
    jj = lax.broadcasted_iota(jnp.int32, (128, 128), 1)
    tri_inc = (jj <= ii).astype(jnp.float32)
    bi = lax.broadcasted_iota(jnp.int32, (nblk, nblk), 0)
    bj = lax.broadcasted_iota(jnp.int32, (nblk, nblk), 1)
    tri_blk = (bj < bi).astype(jnp.float32)
    ci = lax.broadcasted_iota(jnp.int32, (NB, NB), 0)
    cj = lax.broadcasted_iota(jnp.int32, (NB, NB), 1)
    tri_cnt = (cj < ci).astype(jnp.float32)

    iota_cols = lax.broadcasted_iota(jnp.int32, (S, NB), 1)

    for h in range(N_HASHES):
        x = rotated[:, h * (NB // 2):(h + 1) * (NB // 2)]
        r32 = jnp.concatenate([x, -x], axis=1)
        m = jnp.max(r32, axis=1, keepdims=True)
        cand = jnp.where(r32 == m, iota_cols, NB)
        bucket = jnp.min(cand, axis=1, keepdims=True)
        oh = (bucket == iota_cols).astype(jnp.float32)

        ohb = oh.reshape(nblk, 128, NB)
        inc = jnp.einsum('ij,bjc->bic', tri_inc, ohb,
                         preferred_element_type=jnp.float32)
        bsums = inc[:, 127, :]
        excl = jnp.dot(tri_blk, bsums,
                       preferred_element_type=jnp.float32)
        incf = (inc + excl[:, None, :]).reshape(S, NB)

        counts = jnp.sum(oh, axis=0)[:, None]
        start = jnp.dot(tri_cnt, counts,
                        preferred_element_type=jnp.float32)
        rank = jnp.sum(oh * incf, axis=1)
        startt = jnp.sum(oh * start.reshape(1, NB), axis=1)
        dest = (startt + rank - 1.0).astype(jnp.int32)
        dest_ref[0, h, :] = dest


def _hash_sort(qk, rot2d):
    return pl.pallas_call(
        _hash_sort_kernel,
        grid=(B,),
        in_specs=[
            pl.BlockSpec((1, S, D), lambda b: (b, 0, 0)),
            pl.BlockSpec((D, N_HASHES * (NB // 2)), lambda b: (0, 0)),
        ],
        out_specs=pl.BlockSpec((1, N_HASHES, S), lambda b: (b, 0, 0)),
        out_shape=jax.ShapeDtypeStruct((B, N_HASHES, S), jnp.int32),
    )(qk, rot2d)


def _make_sc_sort_gather():
    info = plsc.get_sparse_core_info()
    nw = info.num_cores * info.num_subcores
    ppw = NP // nw
    mesh = plsc.VectorSubcoreMesh(core_axis_name="c", subcore_axis_name="s")

    @functools.partial(
        pl.kernel, mesh=mesh,
        compiler_params=pltpu.CompilerParams(needs_layout_passes=False, use_tc_tiling_on_sc=False),
        out_type=[
            jax.ShapeDtypeStruct((NP, S), jnp.int32),
            jax.ShapeDtypeStruct((NP * S, D), jnp.float32),
            jax.ShapeDtypeStruct((NP * S, D), jnp.float32),
        ],
        scratch_types=[
            pltpu.VMEM((S,), jnp.int32),
            pltpu.VMEM((S,), jnp.int32),
            pltpu.VMEM((S,), jnp.int32),
            pltpu.VMEM((128, D), jnp.float32),
            pltpu.VMEM((128, D), jnp.float32),
            pltpu.SemaphoreType.DMA,
            pltpu.SemaphoreType.DMA,
        ],
    )
    def k(dest_hbm, qk_hbm, v_hbm, st_hbm, sqk_hbm, sv_hbm,
          dest_v, st_v, idx_v, rq, rv, sem_q, sem_v):
        wid = lax.axis_index("s") * info.num_cores + lax.axis_index("c")
        iota16 = lax.iota(jnp.int32, 16)
        for q in range(ppw):
            p = wid * ppw + q
            b = p // N_HASHES
            pltpu.sync_copy(dest_hbm.at[p], dest_v)

            def scat_body(i, _):
                idx = dest_v[pl.ds(i * 16, 16)]
                plsc.store_scatter(st_v, [idx], iota16 + i * 16)
                return 0
            lax.fori_loop(0, S // 16, scat_body, 0)

            pltpu.sync_copy(st_v, st_hbm.at[p])

            def adj_body(i, _):
                idx_v[pl.ds(i * 16, 16)] = st_v[pl.ds(i * 16, 16)] + b * S
                return 0
            lax.fori_loop(0, S // 16, adj_body, 0)

            def dma_body(j, _):
                cq = pltpu.async_copy(
                    qk_hbm.at[idx_v.at[pl.ds(j * 128, 128)]], rq, sem_q)
                cv = pltpu.async_copy(
                    v_hbm.at[idx_v.at[pl.ds(j * 128, 128)]], rv, sem_v)
                cq.wait()
                cv.wait()
                pltpu.sync_copy(rq, sqk_hbm.at[pl.ds(p * S + j * 128, 128)])
                pltpu.sync_copy(rv, sv_hbm.at[pl.ds(p * S + j * 128, 128)])
                return 0
            lax.fori_loop(0, S // 128, dma_body, 0)

    return k


def _attn_kernel(qc_ref, qp_ref, vc_ref, vp_ref, tc_ref, tp_ref,
                 so_ref, slog_ref):
    qc = qc_ref[0, 0].reshape(CPB, BUCKET_SIZE, D)
    vc = vc_ref[0, 0].reshape(CPB, BUCKET_SIZE, D)
    tcur = tc_ref[0, 0]
    qp_last = qp_ref[0, 0][TPB - BUCKET_SIZE:, :]
    vp_last = vp_ref[0, 0][TPB - BUCKET_SIZE:, :]
    tp_last = tp_ref[0, 0, CPB - 1]

    q_shift = jnp.concatenate([qp_last[None], qc[:CPB - 1]], axis=0)
    v_shift = jnp.concatenate([vp_last[None], vc[:CPB - 1]], axis=0)
    t_shift = jnp.concatenate([tp_last.reshape(1, BUCKET_SIZE),
                               tcur[:CPB - 1]], axis=0)

    def norm(x):
        n = jnp.sqrt(jnp.sum(x * x, axis=-1, keepdims=True))
        return x / jnp.maximum(n, 1e-12)

    bk = jnp.concatenate([norm(qc), norm(q_shift)], axis=1)
    bv = jnp.concatenate([vc, v_shift], axis=1)
    bkt = jnp.concatenate([tcur, t_shift], axis=1)

    dots = jnp.einsum('cie,cje->cij', qc, bk,
                      preferred_element_type=jnp.float32) * (D ** -0.5)
    mask = tcur[:, :, None] == bkt[:, None, :]
    dots = jnp.where(mask, TOKEN_SELF_ATTN_VALUE, dots)

    m = jnp.max(dots, axis=-1, keepdims=True)
    ex = jnp.exp(dots - m)
    s = jnp.sum(ex, axis=-1, keepdims=True)
    lse = m + jnp.log(s)
    probs = ex / s
    bo = jnp.einsum('cij,cje->cie', probs, bv,
                    preferred_element_type=jnp.float32)

    so_ref[0, 0] = bo.reshape(TPB, D)
    slog_ref[0, 0] = lse.reshape(CPB, BUCKET_SIZE)


def _attention(sqk4, sv4, st4):
    prev = lambda b, j: (b, (j + JBLK - 1) % JBLK, 0, 0)
    cur = lambda b, j: (b, j, 0, 0)
    row = pl.BlockSpec((1, 1, TPB, D), cur)
    rowp = pl.BlockSpec((1, 1, TPB, D), prev)
    tb = pl.BlockSpec((1, 1, CPB, BUCKET_SIZE), cur)
    tbp = pl.BlockSpec((1, 1, CPB, BUCKET_SIZE), prev)
    return pl.pallas_call(
        _attn_kernel,
        grid=(B, JBLK),
        in_specs=[row, rowp, row, rowp, tb, tbp],
        out_specs=[pl.BlockSpec((1, 1, TPB, D), cur),
                   pl.BlockSpec((1, 1, CPB, BUCKET_SIZE), cur)],
        out_shape=[jax.ShapeDtypeStruct((B, JBLK, TPB, D), jnp.float32),
                   jax.ShapeDtypeStruct((B, JBLK, CPB, BUCKET_SIZE),
                                        jnp.float32)],
    )(sqk4, sqk4, sv4, sv4, st4, st4)


def _make_sc_unsort():
    info = plsc.get_sparse_core_info()
    nw = info.num_cores * info.num_subcores
    ppw = NP // nw
    mesh = plsc.VectorSubcoreMesh(core_axis_name="c", subcore_axis_name="s")

    @functools.partial(
        pl.kernel, mesh=mesh,
        compiler_params=pltpu.CompilerParams(needs_layout_passes=False, use_tc_tiling_on_sc=False),
        out_type=[
            jax.ShapeDtypeStruct((NP * S, D), jnp.float32),
            jax.ShapeDtypeStruct((NP, S), jnp.float32),
        ],
        scratch_types=[
            pltpu.VMEM((S,), jnp.int32),
            pltpu.VMEM((S,), jnp.int32),
            pltpu.VMEM((S,), jnp.float32),
            pltpu.VMEM((S,), jnp.float32),
            pltpu.VMEM((128, D), jnp.float32),
            pltpu.SemaphoreType.DMA,
        ],
    )
    def k(dest_hbm, so_hbm, slog_hbm, ou_hbm, lu_hbm,
          dest_v, idx_v, slog_v, lu_v, rows, sem):
        wid = lax.axis_index("s") * info.num_cores + lax.axis_index("c")
        for q in range(ppw):
            p = wid * ppw + q
            pltpu.sync_copy(dest_hbm.at[p], dest_v)
            pltpu.sync_copy(slog_hbm.at[p], slog_v)

            def g_body(i, _):
                idc = dest_v[pl.ds(i * 16, 16)]
                lu_v[pl.ds(i * 16, 16)] = plsc.load_gather(slog_v, [idc])
                idx_v[pl.ds(i * 16, 16)] = idc + p * S
                return 0
            lax.fori_loop(0, S // 16, g_body, 0)

            pltpu.sync_copy(lu_v, lu_hbm.at[p])

            def dma_body(j, _):
                pltpu.async_copy(
                    so_hbm.at[idx_v.at[pl.ds(j * 128, 128)]], rows, sem
                ).wait()
                pltpu.sync_copy(rows, ou_hbm.at[pl.ds(p * S + j * 128, 128)])
                return 0
            lax.fori_loop(0, S // 128, dma_body, 0)

    return k


def _combine_kernel(o_ref, l_ref, out_ref):
    l = l_ref[0]
    m = jnp.max(l, axis=0, keepdims=True)
    e = jnp.exp(l - m)
    z = jnp.sum(e, axis=0, keepdims=True)
    probs = e / z
    o = o_ref[0]
    out_ref[0] = jnp.sum(o * probs[:, :, None], axis=0)


def _combine(ou, lu):
    return pl.pallas_call(
        _combine_kernel,
        grid=(B,),
        in_specs=[pl.BlockSpec((1, N_HASHES, S, D), lambda b: (b, 0, 0, 0)),
                  pl.BlockSpec((1, N_HASHES, S), lambda b: (b, 0, 0))],
        out_specs=pl.BlockSpec((1, S, D), lambda b: (b, 0, 0)),
        out_shape=jax.ShapeDtypeStruct((B, S, D), jnp.float32),
    )(ou, lu)


@jax.jit
def kernel(qk, v, rotations):
    rot2d = rotations.reshape(D, N_HASHES * (NB // 2))
    dest = _hash_sort(qk, rot2d)
    dest2 = dest.reshape(NP, S)

    st, sqk, sv = _make_sc_sort_gather()(
        dest2, qk.reshape(B * S, D), v.reshape(B * S, D))

    sqk4 = sqk.reshape(B, JBLK, TPB, D)
    sv4 = sv.reshape(B, JBLK, TPB, D)
    st4 = st.reshape(B, JBLK, CPB, BUCKET_SIZE)
    so, slog = _attention(sqk4, sv4, st4)

    ou, lu = _make_sc_unsort()(
        dest2, so.reshape(NP * S, D), slog.reshape(NP, S))

    out = _combine(ou.reshape(B, N_HASHES, S, D), lu.reshape(B, N_HASHES, S))
    return out

# --- scband reference (transcript-rebuilt; emitter-appended) ---
"""Pipeline reference for scband-lshattention-64613488001095 (READ-ONLY COPY).

The authoritative reference and input builder live on the scoring server;
editing this copy changes nothing except your own understanding.
"""

import jax, jax.numpy as jnp
import numpy as np

TOKEN_SELF_ATTN_VALUE = -50000.0
N_HASHES = 8
BUCKET_SIZE = 64


def setup_inputs(seed: int = 0):
    key = jax.random.key(seed)
    k1, k2, k3 = jax.random.split(key, 3)
    B, S, D = 16, 2048, 64
    n_buckets = S // BUCKET_SIZE
    qk = jax.random.normal(k1, (B, S, D), dtype=jnp.float32)
    v = jax.random.normal(k2, (B, S, D), dtype=jnp.float32)
    # random rotations generated once (torch does this inside forward with randn)
    rotations = jax.random.normal(k3, (1, D, N_HASHES, n_buckets // 2), dtype=jnp.float32)
    return {"qk": qk, "v": v, "rotations": rotations}


def _sort_key_val(t1, t2):
    idx = jnp.argsort(t1, axis=-1)
    vals = jnp.take_along_axis(t1, idx, axis=-1)
    t2b = jnp.broadcast_to(t2, t1.shape)
    return vals, jnp.take_along_axis(t2b, idx, axis=-1)


def _batched_index_select(values, indices):
    return jnp.take_along_axis(values, indices[:, :, None], axis=1)


def _look_one_back(x):
    x_extra = jnp.concatenate([x[:, -1:], x[:, :-1]], axis=1)
    return jnp.concatenate([x, x_extra], axis=2)


def reference(qk, v, rotations):
    B, S, D = qk.shape
    n_hashes = N_HASHES
    n_buckets = S // BUCKET_SIZE
    # ---- hash_vectors ----
    rr = jnp.broadcast_to(rotations, (B,) + rotations.shape[1:])
    rotated = jnp.einsum('btf,bfhi->bhti', qk, rr)
    rotated = jnp.concatenate([rotated, -rotated], axis=-1)
    buckets = jnp.argmax(rotated, axis=-1)  # [B, n_hashes, S]
    offsets = (jnp.arange(n_hashes) * n_buckets).reshape(1, -1, 1)
    buckets = (buckets + offsets).reshape(B, -1)  # [B, n_hashes*S]
    # ---- sort tokens by (bucket, position) ----
    ticker = jnp.broadcast_to(jnp.arange(n_hashes * S)[None, :], buckets.shape)
    buckets_and_t = jax.lax.stop_gradient(S * buckets + ticker % S)
    sbuckets_and_t, sticker = _sort_key_val(buckets_and_t, ticker)
    _, undo_sort = _sort_key_val(sticker, ticker)
    st = sticker % S
    sqk = _batched_index_select(qk, st)
    sv = _batched_index_select(v, st)
    chunk_size = n_hashes * n_buckets
    bq_t = st.reshape(B, chunk_size, -1)
    bkv_t = bq_t
    bqk = sqk.reshape(B, chunk_size, -1, D)
    bv = sv.reshape(B, chunk_size, -1, D)
    bq = bqk
    bk = bqk / jnp.clip(jnp.linalg.norm(bqk, axis=-1, keepdims=True), 1e-12, None)
    bk = _look_one_back(bk)
    bv = _look_one_back(bv)
    bkv_t = _look_one_back(bkv_t)
    dots = jnp.einsum('bhie,bhje->bhij', bq, bk) * (D ** -0.5)
    self_mask = bq_t[:, :, :, None] == bkv_t[:, :, None, :]
    dots = jnp.where(self_mask, TOKEN_SELF_ATTN_VALUE, dots)
    # ---- softmax within chunks ----
    dots_logsumexp = jax.scipy.special.logsumexp(dots, axis=-1, keepdims=True)
    dots = jnp.exp(dots - dots_logsumexp)
    bo = jnp.einsum('buij,buje->buie', dots, bv)
    so = bo.reshape(B, -1, D)
    slogits = dots_logsumexp.reshape(B, -1)
    # ---- unsort and combine hash rounds ----
    o = _batched_index_select(so, undo_sort)
    logits = jnp.take_along_axis(slogits, undo_sort, axis=-1)
    o = o.reshape(B, n_hashes, S, D)
    logits = logits.reshape(B, n_hashes, S, 1)
    probs = jnp.exp(logits - jax.scipy.special.logsumexp(logits, axis=1, keepdims=True))
    out = jnp.sum(o * probs, axis=1)
    return out

if __name__ == "__main__":
    import jax
    _d = setup_inputs()
    print(jax.jit(kernel)(*tuple(_d.values())))

</pallas_src>

<mosaic_0001>
#map = affine_map<(d0, d1) -> (0, 0)>
module attributes {stable_mosaic.version = 14 : i64} {
  func.func @k(%arg0: i32, %arg1: i32, %arg2: memref<128x2048xi32, #tpu.memory_space<hbm>>, %arg3: memref<262144x64xf32, #tpu.memory_space<hbm>>, %arg4: memref<128x2048xf32, #tpu.memory_space<hbm>>, %arg5: memref<262144x64xf32, #tpu.memory_space<hbm>>, %arg6: memref<128x2048xf32, #tpu.memory_space<hbm>>, %arg7: memref<2048xi32, #tpu.memory_space<vmem>>, %arg8: memref<2048xi32, #tpu.memory_space<vmem>>, %arg9: memref<2048xf32, #tpu.memory_space<vmem>>, %arg10: memref<2048xf32, #tpu.memory_space<vmem>>, %arg11: memref<128x64xf32, #tpu.memory_space<vmem>>, %arg12: memref<!tpu.dma_semaphore, #tpu.memory_space<semaphore_mem>>) attributes {dimension_semantics = [#tpu.dimension_semantics<core_parallel>, #tpu.dimension_semantics<subcore_parallel>], iteration_bounds = array<i64: 2, 16>, scalar_prefetch = 0 : i64, scratch_operands = 6 : i64, tpu.core_type = #tpu.core_type<sc_vector_subcore>, window_params = [{transform_indices = #map}, {transform_indices = #map}, {transform_indices = #map}, {transform_indices = #map}, {transform_indices = #map}]} {
    %mul3A = arith.constant 2 : i32
    %mul3A_0 = arith.muli %arg1, %mul3A : i32
    %add3A = arith.addi %mul3A_0, %arg0 : i32
    %mul3A_1 = arith.constant 4 : i32
    %mul3A_2 = arith.muli %add3A, %mul3A_1 : i32
    %add3A_3 = arith.constant 0 : i32
    %add3A_4 = arith.addi %mul3A_2, %add3A_3 : i32
    "tpu.region"() ({
      %run_scoped3A = tpu.sem_alloc : memref<!tpu.dma_semaphore, #tpu.memory_space<semaphore_mem>>
      %dma_start3A = arith.constant 0 : i32
      %dma_start3A_72 = tpu.memref_slice %arg2[%add3A_4, %dma_start3A] : memref<128x2048xi32, #tpu.memory_space<hbm>> -> memref<1x2048xi32, #tpu.memory_space<hbm>>
      %dma_start3A_73 = tpu.memref_squeeze %dma_start3A_72 : memref<1x2048xi32, #tpu.memory_space<hbm>> -> memref<2048xi32, #tpu.memory_space<hbm>>
      %dma_start3A_74 = arith.constant 0 : i32
      %dma_start3A_75 = tpu.memref_slice %arg2[%add3A_4, %dma_start3A_74] : memref<128x2048xi32, #tpu.memory_space<hbm>> -> memref<1x2048xi32, #tpu.memory_space<hbm>>
      %dma_start3A_76 = tpu.memref_squeeze %dma_start3A_75 : memref<1x2048xi32, #tpu.memory_space<hbm>> -> memref<2048xi32, #tpu.memory_space<hbm>>
      tpu.enqueue_dma source(%dma_start3A_76 : memref<2048xi32, #tpu.memory_space<hbm>>) target(%arg7 : memref<2048xi32, #tpu.memory_space<vmem>>) target_semaphore(%run_scoped3A : memref<!tpu.dma_semaphore, #tpu.memory_space<semaphore_mem>>)
      %dma_wait3A = arith.constant 0 : i32
      %dma_wait3A_77 = tpu.memref_slice %arg2[%add3A_4, %dma_wait3A] : memref<128x2048xi32, #tpu.memory_space<hbm>> -> memref<1x2048xi32, #tpu.memory_space<hbm>>
      %dma_wait3A_78 = tpu.memref_squeeze %dma_wait3A_77 : memref<1x2048xi32, #tpu.memory_space<hbm>> -> memref<2048xi32, #tpu.memory_space<hbm>>
      %dma_wait3A_79 = arith.constant 0 : i32
      %dma_wait3A_80 = tpu.memref_slice %arg2[%add3A_4, %dma_wait3A_79] : memref<128x2048xi32, #tpu.memory_space<hbm>> -> memref<1x2048xi32, #tpu.memory_space<hbm>>
      %dma_wait3A_81 = tpu.memref_squeeze %dma_wait3A_80 : memref<1x2048xi32, #tpu.memory_space<hbm>> -> memref<2048xi32, #tpu.memory_space<hbm>>
      tpu.wait_dma2 semaphore(%run_scoped3A : memref<!tpu.dma_semaphore, #tpu.memory_space<semaphore_mem>>) src(%dma_wait3A_81 : memref<2048xi32, #tpu.memory_space<hbm>>) dst(%arg7 : memref<2048xi32, #tpu.memory_space<vmem>>)
      tpu.yield
    }) : () -> ()
    "tpu.region"() ({
      %run_scoped3A = tpu.sem_alloc : memref<!tpu.dma_semaphore, #tpu.memory_space<semaphore_mem>>
      %dma_start3A = arith.constant 0 : i32
      %dma_start3A_72 = tpu.memref_slice %arg4[%add3A_4, %dma_start3A] : memref<128x2048xf32, #tpu.memory_space<hbm>> -> memref<1x2048xf32, #tpu.memory_space<hbm>>
      %dma_start3A_73 = tpu.memref_squeeze %dma_start3A_72 : memref<1x2048xf32, #tpu.memory_space<hbm>> -> memref<2048xf32, #tpu.memory_space<hbm>>
      %dma_start3A_74 = arith.constant 0 : i32
      %dma_start3A_75 = tpu.memref_slice %arg4[%add3A_4, %dma_start3A_74] : memref<128x2048xf32, #tpu.memory_space<hbm>> -> memref<1x2048xf32, #tpu.memory_space<hbm>>
      %dma_start3A_76 = tpu.memref_squeeze %dma_start3A_75 : memref<1x2048xf32, #tpu.memory_space<hbm>> -> memref<2048xf32, #tpu.memory_space<hbm>>
      tpu.enqueue_dma source(%dma_start3A_76 : memref<2048xf32, #tpu.memory_space<hbm>>) target(%arg9 : memref<2048xf32, #tpu.memory_space<vmem>>) target_semaphore(%run_scoped3A : memref<!tpu.dma_semaphore, #tpu.memory_space<semaphore_mem>>)
      %dma_wait3A = arith.constant 0 : i32
      %dma_wait3A_77 = tpu.memref_slice %arg4[%add3A_4, %dma_wait3A] : memref<128x2048xf32, #tpu.memory_space<hbm>> -> memref<1x2048xf32, #tpu.memory_space<hbm>>
      %dma_wait3A_78 = tpu.memref_squeeze %dma_wait3A_77 : memref<1x2048xf32, #tpu.memory_space<hbm>> -> memref<2048xf32, #tpu.memory_space<hbm>>
      %dma_wait3A_79 = arith.constant 0 : i32
      %dma_wait3A_80 = tpu.memref_slice %arg4[%add3A_4, %dma_wait3A_79] : memref<128x2048xf32, #tpu.memory_space<hbm>> -> memref<1x2048xf32, #tpu.memory_space<hbm>>
      %dma_wait3A_81 = tpu.memref_squeeze %dma_wait3A_80 : memref<1x2048xf32, #tpu.memory_space<hbm>> -> memref<2048xf32, #tpu.memory_space<hbm>>
      tpu.wait_dma2 semaphore(%run_scoped3A : memref<!tpu.dma_semaphore, #tpu.memory_space<semaphore_mem>>) src(%dma_wait3A_81 : memref<2048xf32, #tpu.memory_space<hbm>>) dst(%arg9 : memref<2048xf32, #tpu.memory_space<vmem>>)
      tpu.yield
    }) : () -> ()
    %scan3A = arith.constant 0 : i32
    %scan3A_5 = arith.constant 0 : i32
    %scan3A_6 = arith.constant 128 : i32
    %scan3A_7 = arith.addi %scan3A_5, %scan3A_6 : i32
    %scan3A_8 = arith.constant 1 : i32
    %scan3A_9 = scf.for %scan3A_72 = %scan3A_5 to %scan3A_7 step %scan3A_8 iter_args(%scan3A_73 = %scan3A) -> (i32)  : i32 {
      %mul3A_74 = arith.constant 16 : i32
      %mul3A_75 = arith.muli %scan3A_72, %mul3A_74 : i32
      %get3A = arith.index_cast %mul3A_75 : i32 to index
      %get3A_76 = tpu.vector_load %arg7[%get3A] {strides = array<i32>} : memref<2048xi32, #tpu.memory_space<vmem>>, vector<16xi32>,
      %gather3A = tpu.vector_load_idx %arg9[%get3A_76] : memref<2048xf32, #tpu.memory_space<vmem>>[vector<16xi32>], vector<16xf32>,
      %mul3A_77 = arith.constant 16 : i32
      %mul3A_78 = arith.muli %scan3A_72, %mul3A_77 : i32
      %swap3A = arith.index_cast %mul3A_78 : i32 to index
      %swap3A_79 = tpu.vector_load %arg10[%swap3A] {strides = array<i32>} : memref<2048xf32, #tpu.memory_space<vmem>>, vector<16xf32>,
      tpu.vector_store %arg10[%swap3A], %gather3A {strides = array<i32>} : memref<2048xf32, #tpu.memory_space<vmem>>, vector<16xf32>,
      %mul3A_80 = arith.constant 2048 : i32
      %mul3A_81 = arith.muli %add3A_4, %mul3A_80 : i32
      %add3A_82 = vector.broadcast %mul3A_81 : i32 to vector<16xi32>
      %add3A_83 = arith.addi %get3A_76, %add3A_82 : vector<16xi32>
      %mul3A_84 = arith.constant 16 : i32
      %mul3A_85 = arith.muli %scan3A_72, %mul3A_84 : i32
      %swap3A_86 = arith.index_cast %mul3A_85 : i32 to index
      %swap3A_87 = tpu.vector_load %arg8[%swap3A_86] {strides = array<i32>} : memref<2048xi32, #tpu.memory_space<vmem>>, vector<16xi32>,
      tpu.vector_store %arg8[%swap3A_86], %add3A_83 {strides = array<i32>} : memref<2048xi32, #tpu.memory_space<vmem>>, vector<16xi32>,
      %scan3A_88 = arith.constant 0 : i32
      scf.yield %scan3A_88 : i32
    }
    %scan3A_10 = arith.constant 128 : i32
    "tpu.region"() ({
      %run_scoped3A = tpu.sem_alloc : memref<!tpu.dma_semaphore, #tpu.memory_space<semaphore_mem>>
      %dma_start3A = arith.constant 0 : i32
      %dma_start3A_72 = tpu.memref_slice %arg6[%add3A_4, %dma_start3A] : memref<128x2048xf32, #tpu.memory_space<hbm>> -> memref<1x2048xf32, #tpu.memory_space<hbm>>
      %dma_start3A_73 = tpu.memref_squeeze %dma_start3A_72 : memref<1x2048xf32, #tpu.memory_space<hbm>> -> memref<2048xf32, #tpu.memory_space<hbm>>
      %dma_start3A_74 = arith.constant 0 : i32
      %dma_start3A_75 = tpu.memref_slice %arg6[%add3A_4, %dma_start3A_74] : memref<128x2048xf32, #tpu.memory_space<hbm>> -> memref<1x2048xf32, #tpu.memory_space<hbm>>
      %dma_start3A_76 = tpu.memref_squeeze %dma_start3A_75 : memref<1x2048xf32, #tpu.memory_space<hbm>> -> memref<2048xf32, #tpu.memory_space<hbm>>
      tpu.enqueue_dma source(%arg10 : memref<2048xf32, #tpu.memory_space<vmem>>) target(%dma_start3A_76 : memref<2048xf32, #tpu.memory_space<hbm>>) target_semaphore(%run_scoped3A : memref<!tpu.dma_semaphore, #tpu.memory_space<semaphore_mem>>)
      %dma_wait3A = arith.constant 0 : i32
      %dma_wait3A_77 = tpu.memref_slice %arg6[%add3A_4, %dma_wait3A] : memref<128x2048xf32, #tpu.memory_space<hbm>> -> memref<1x2048xf32, #tpu.memory_space<hbm>>
      %dma_wait3A_78 = tpu.memref_squeeze %dma_wait3A_77 : memref<1x2048xf32, #tpu.memory_space<hbm>> -> memref<2048xf32, #tpu.memory_space<hbm>>
      %dma_wait3A_79 = arith.constant 0 : i32
      %dma_wait3A_80 = tpu.memref_slice %arg6[%add3A_4, %dma_wait3A_79] : memref<128x2048xf32, #tpu.memory_space<hbm>> -> memref<1x2048xf32, #tpu.memory_space<hbm>>
      %dma_wait3A_81 = tpu.memref_squeeze %dma_wait3A_80 : memref<1x2048xf32, #tpu.memory_space<hbm>> -> memref<2048xf32, #tpu.memory_space<hbm>>
      tpu.wait_dma2 semaphore(%run_scoped3A : memref<!tpu.dma_semaphore, #tpu.memory_space<semaphore_mem>>) src(%arg10 : memref<2048xf32, #tpu.memory_space<vmem>>) dst(%dma_wait3A_81 : memref<2048xf32, #tpu.memory_space<hbm>>)
      tpu.yield
    }) : () -> ()
    %scan3A_11 = arith.constant 0 : i32
    %scan3A_12 = arith.constant 0 : i32
    %scan3A_13 = arith.constant 16 : i32
    %scan3A_14 = arith.addi %scan3A_12, %scan3A_13 : i32
    %scan3A_15 = arith.constant 1 : i32
    %scan3A_16 = scf.for %scan3A_72 = %scan3A_12 to %scan3A_14 step %scan3A_15 iter_args(%scan3A_73 = %scan3A_11) -> (i32)  : i32 {
      %mul3A_74 = arith.constant 128 : i32
      %mul3A_75 = arith.muli %scan3A_72, %mul3A_74 : i32
      %dma_start3A = tpu.memref_slice %arg8[%mul3A_75] : memref<2048xi32, #tpu.memory_space<vmem>> -> memref<128xi32, #tpu.memory_space<vmem>>
      %dma_start3A_76 = arith.constant 0 : i32
      %dma_start3A_77 = arith.constant 0 : i32
      %dma_start3A_78 = tpu.memref_slice %arg3[%dma_start3A_76, %dma_start3A_77] : memref<262144x64xf32, #tpu.memory_space<hbm>> -> memref<262144x64xf32, #tpu.memory_space<hbm>>
      tpu.enqueue_indirect_dma source(%dma_start3A_78 : memref<262144x64xf32, #tpu.memory_space<hbm>>) target(%arg11 : memref<128x64xf32, #tpu.memory_space<vmem>>) offsets(%dma_start3A : memref<128xi32, #tpu.memory_space<vmem>>) semaphore(%arg12 : memref<!tpu.dma_semaphore, #tpu.memory_space<semaphore_mem>>)
      %dma_wait3A = tpu.memref_slice %arg8[%mul3A_75] : memref<2048xi32, #tpu.memory_space<vmem>> -> memref<128xi32, #tpu.memory_space<vmem>>
      %dma_wait3A_79 = arith.constant 0 : i32
      %dma_wait3A_80 = arith.constant 0 : i32
      %dma_wait3A_81 = tpu.memref_slice %arg3[%dma_wait3A_79, %dma_wait3A_80] : memref<262144x64xf32, #tpu.memory_space<hbm>> -> memref<262144x64xf32, #tpu.memory_space<hbm>>
      tpu.wait_indirect_dma semaphore(%arg12 : memref<!tpu.dma_semaphore, #tpu.memory_space<semaphore_mem>>) src(%dma_wait3A_81 : memref<262144x64xf32, #tpu.memory_space<hbm>>) dst(%arg11 : memref<128x64xf32, #tpu.memory_space<vmem>>)
      %mul3A_82 = arith.constant 2048 : i32
      %mul3A_83 = arith.muli %add3A_4, %mul3A_82 : i32
      %mul3A_84 = arith.constant 128 : i32
      %mul3A_85 = arith.muli %scan3A_72, %mul3A_84 : i32
      %add3A_86 = arith.addi %mul3A_83, %mul3A_85 : i32
      "tpu.region"() ({
        %run_scoped3A = tpu.sem_alloc : memref<!tpu.dma_semaphore, #tpu.memory_space<semaphore_mem>>
        %dma_start3A_88 = arith.constant 0 : i32
        %dma_start3A_89 = tpu.memref_slice %arg5[%add3A_86, %dma_start3A_88] : memref<262144x64xf32, #tpu.memory_space<hbm>> -> memref<128x64xf32, #tpu.memory_space<hbm>>
        %dma_start3A_90 = arith.constant 0 : i32
        %dma_start3A_91 = tpu.memref_slice %arg5[%add3A_86, %dma_start3A_90] : memref<262144x64xf32, #tpu.memory_space<hbm>> -> memref<128x64xf32, #tpu.memory_space<hbm>>
        tpu.enqueue_dma source(%arg11 : memref<128x64xf32, #tpu.memory_space<vmem>>) target(%dma_start3A_91 : memref<128x64xf32, #tpu.memory_space<hbm>>) target_semaphore(%run_scoped3A : memref<!tpu.dma_semaphore, #tpu.memory_space<semaphore_mem>>)
        %dma_wait3A_92 = arith.constant 0 : i32
        %dma_wait3A_93 = tpu.memref_slice %arg5[%add3A_86, %dma_wait3A_92] : memref<262144x64xf32, #tpu.memory_space<hbm>> -> memref<128x64xf32, #tpu.memory_space<hbm>>
        %dma_wait3A_94 = arith.constant 0 : i32
        %dma_wait3A_95 = tpu.memref_slice %arg5[%add3A_86, %dma_wait3A_94] : memref<262144x64xf32, #tpu.memory_space<hbm>> -> memref<128x64xf32, #tpu.memory_space<hbm>>
        tpu.wait_dma2 semaphore(%run_scoped3A : memref<!tpu.dma_semaphore, #tpu.memory_space<semaphore_mem>>) src(%arg11 : memref<128x64xf32, #tpu.memory_space<vmem>>) dst(%dma_wait3A_95 : memref<128x64xf32, #tpu.memory_space<hbm>>)
        tpu.yield
      }) : () -> ()
      %scan3A_87 = arith.constant 0 : i32
      scf.yield %scan3A_87 : i32
    }
    %scan3A_17 = arith.constant 16 : i32
    %mul3A_18 = arith.constant 4 : i32
    %mul3A_19 = arith.muli %add3A, %mul3A_18 : i32
    %add3A_20 = arith.constant 1 : i32
    %add3A_21 = arith.addi %mul3A_19, %add3A_20 : i32
    "tpu.region"() ({
      %run_scoped3A = tpu.sem_alloc : memref<!tpu.dma_semaphore, #tpu.memory_space<semaphore_mem>>
      %dma_start3A = arith.constant 0 : i32
      %dma_start3A_72 = tpu.memref_slice %arg2[%add3A_21, %dma_start3A] : memref<128x2048xi32, #tpu.memory_space<hbm>> -> memref<1x2048xi32, #tpu.memory_space<hbm>>
      %dma_start3A_73 = tpu.memref_squeeze %dma_start3A_72 : memref<1x2048xi32, #tpu.memory_space<hbm>> -> memref<2048xi32, #tpu.memory_space<hbm>>
      %dma_start3A_74 = arith.constant 0 : i32
      %dma_start3A_75 = tpu.memref_slice %arg2[%add3A_21, %dma_start3A_74] : memref<128x2048xi32, #tpu.memory_space<hbm>> -> memref<1x2048xi32, #tpu.memory_space<hbm>>
      %dma_start3A_76 = tpu.memref_squeeze %dma_start3A_75 : memref<1x2048xi32, #tpu.memory_space<hbm>> -> memref<2048xi32, #tpu.memory_space<hbm>>
      tpu.enqueue_dma source(%dma_start3A_76 : memref<2048xi32, #tpu.memory_space<hbm>>) target(%arg7 : memref<2048xi32, #tpu.memory_space<vmem>>) target_semaphore(%run_scoped3A : memref<!tpu.dma_semaphore, #tpu.memory_space<semaphore_mem>>)
      %dma_wait3A = arith.constant 0 : i32
      %dma_wait3A_77 = tpu.memref_slice %arg2[%add3A_21, %dma_wait3A] : memref<128x2048xi32, #tpu.memory_space<hbm>> -> memref<1x2048xi32, #tpu.memory_space<hbm>>
      %dma_wait3A_78 = tpu.memref_squeeze %dma_wait3A_77 : memref<1x2048xi32, #tpu.memory_space<hbm>> -> memref<2048xi32, #tpu.memory_space<hbm>>
      %dma_wait3A_79 = arith.constant 0 : i32
      %dma_wait3A_80 = tpu.memref_slice %arg2[%add3A_21, %dma_wait3A_79] : memref<128x2048xi32, #tpu.memory_space<hbm>> -> memref<1x2048xi32, #tpu.memory_space<hbm>>
      %dma_wait3A_81 = tpu.memref_squeeze %dma_wait3A_80 : memref<1x2048xi32, #tpu.memory_space<hbm>> -> memref<2048xi32, #tpu.memory_space<hbm>>
      tpu.wait_dma2 semaphore(%run_scoped3A : memref<!tpu.dma_semaphore, #tpu.memory_space<semaphore_mem>>) src(%dma_wait3A_81 : memref<2048xi32, #tpu.memory_space<hbm>>) dst(%arg7 : memref<2048xi32, #tpu.memory_space<vmem>>)
      tpu.yield
    }) : () -> ()
    "tpu.region"() ({
      %run_scoped3A = tpu.sem_alloc : memref<!tpu.dma_semaphore, #tpu.memory_space<semaphore_mem>>
      %dma_start3A = arith.constant 0 : i32
      %dma_start3A_72 = tpu.memref_slice %arg4[%add3A_21, %dma_start3A] : memref<128x2048xf32, #tpu.memory_space<hbm>> -> memref<1x2048xf32, #tpu.memory_space<hbm>>
      %dma_start3A_73 = tpu.memref_squeeze %dma_start3A_72 : memref<1x2048xf32, #tpu.memory_space<hbm>> -> memref<2048xf32, #tpu.memory_space<hbm>>
      %dma_start3A_74 = arith.constant 0 : i32
      %dma_start3A_75 = tpu.memref_slice %arg4[%add3A_21, %dma_start3A_74] : memref<128x2048xf32, #tpu.memory_space<hbm>> -> memref<1x2048xf32, #tpu.memory_space<hbm>>
      %dma_start3A_76 = tpu.memref_squeeze %dma_start3A_75 : memref<1x2048xf32, #tpu.memory_space<hbm>> -> memref<2048xf32, #tpu.memory_space<hbm>>
      tpu.enqueue_dma source(%dma_start3A_76 : memref<2048xf32, #tpu.memory_space<hbm>>) target(%arg9 : memref<2048xf32, #tpu.memory_space<vmem>>) target_semaphore(%run_scoped3A : memref<!tpu.dma_semaphore, #tpu.memory_space<semaphore_mem>>)
      %dma_wait3A = arith.constant 0 : i32
      %dma_wait3A_77 = tpu.memref_slice %arg4[%add3A_21, %dma_wait3A] : memref<128x2048xf32, #tpu.memory_space<hbm>> -> memref<1x2048xf32, #tpu.memory_space<hbm>>
      %dma_wait3A_78 = tpu.memref_squeeze %dma_wait3A_77 : memref<1x2048xf32, #tpu.memory_space<hbm>> -> memref<2048xf32, #tpu.memory_space<hbm>>
      %dma_wait3A_79 = arith.constant 0 : i32
      %dma_wait3A_80 = tpu.memref_slice %arg4[%add3A_21, %dma_wait3A_79] : memref<128x2048xf32, #tpu.memory_space<hbm>> -> memref<1x2048xf32, #tpu.memory_space<hbm>>
      %dma_wait3A_81 = tpu.memref_squeeze %dma_wait3A_80 : memref<1x2048xf32, #tpu.memory_space<hbm>> -> memref<2048xf32, #tpu.memory_space<hbm>>
      tpu.wait_dma2 semaphore(%run_scoped3A : memref<!tpu.dma_semaphore, #tpu.memory_space<semaphore_mem>>) src(%dma_wait3A_81 : memref<2048xf32, #tpu.memory_space<hbm>>) dst(%arg9 : memref<2048xf32, #tpu.memory_space<vmem>>)
      tpu.yield
    }) : () -> ()
    %scan3A_22 = arith.constant 0 : i32
    %scan3A_23 = arith.constant 0 : i32
    %scan3A_24 = arith.constant 128 : i32
    %scan3A_25 = arith.addi %scan3A_23, %scan3A_24 : i32
    %scan3A_26 = arith.constant 1 : i32
    %scan3A_27 = scf.for %scan3A_72 = %scan3A_23 to %scan3A_25 step %scan3A_26 iter_args(%scan3A_73 = %scan3A_22) -> (i32)  : i32 {
      %mul3A_74 = arith.constant 16 : i32
      %mul3A_75 = arith.muli %scan3A_72, %mul3A_74 : i32
      %get3A = arith.index_cast %mul3A_75 : i32 to index
      %get3A_76 = tpu.vector_load %arg7[%get3A] {strides = array<i32>} : memref<2048xi32, #tpu.memory_space<vmem>>, vector<16xi32>,
      %gather3A = tpu.vector_load_idx %arg9[%get3A_76] : memref<2048xf32, #tpu.memory_space<vmem>>[vector<16xi32>], vector<16xf32>,
      %mul3A_77 = arith.constant 16 : i32
      %mul3A_78 = arith.muli %scan3A_72, %mul3A_77 : i32
      %swap3A = arith.index_cast %mul3A_78 : i32 to index
      %swap3A_79 = tpu.vector_load %arg10[%swap3A] {strides = array<i32>} : memref<2048xf32, #tpu.memory_space<vmem>>, vector<16xf32>,
      tpu.vector_store %arg10[%swap3A], %gather3A {strides = array<i32>} : memref<2048xf32, #tpu.memory_space<vmem>>, vector<16xf32>,
      %mul3A_80 = arith.constant 2048 : i32
      %mul3A_81 = arith.muli %add3A_21, %mul3A_80 : i32
      %add3A_82 = vector.broadcast %mul3A_81 : i32 to vector<16xi32>
      %add3A_83 = arith.addi %get3A_76, %add3A_82 : vector<16xi32>
      %mul3A_84 = arith.constant 16 : i32
      %mul3A_85 = arith.muli %scan3A_72, %mul3A_84 : i32
      %swap3A_86 = arith.index_cast %mul3A_85 : i32 to index
      %swap3A_87 = tpu.vector_load %arg8[%swap3A_86] {strides = array<i32>} : memref<2048xi32, #tpu.memory_space<vmem>>, vector<16xi32>,
      tpu.vector_store %arg8[%swap3A_86], %add3A_83 {strides = array<i32>} : memref<2048xi32, #tpu.memory_space<vmem>>, vector<16xi32>,
      %scan3A_88 = arith.constant 0 : i32
      scf.yield %scan3A_88 : i32
    }
    %scan3A_28 = arith.constant 128 : i32
    "tpu.region"() ({
      %run_scoped3A = tpu.sem_alloc : memref<!tpu.dma_semaphore, #tpu.memory_space<semaphore_mem>>
      %dma_start3A = arith.constant 0 : i32
      %dma_start3A_72 = tpu.memref_slice %arg6[%add3A_21, %dma_start3A] : memref<128x2048xf32, #tpu.memory_space<hbm>> -> memref<1x2048xf32, #tpu.memory_space<hbm>>
      %dma_start3A_73 = tpu.memref_squeeze %dma_start3A_72 : memref<1x2048xf32, #tpu.memory_space<hbm>> -> memref<2048xf32, #tpu.memory_space<hbm>>
      %dma_start3A_74 = arith.constant 0 : i32
      %dma_start3A_75 = tpu.memref_slice %arg6[%add3A_21, %dma_start3A_74] : memref<128x2048xf32, #tpu.memory_space<hbm>> -> memref<1x2048xf32, #tpu.memory_space<hbm>>
      %dma_start3A_76 = tpu.memref_squeeze %dma_start3A_75 : memref<1x2048xf32, #tpu.memory_space<hbm>> -> memref<2048xf32, #tpu.memory_space<hbm>>
      tpu.enqueue_dma source(%arg10 : memref<2048xf32, #tpu.memory_space<vmem>>) target(%dma_start3A_76 : memref<2048xf32, #tpu.memory_space<hbm>>) target_semaphore(%run_scoped3A : memref<!tpu.dma_semaphore, #tpu.memory_space<semaphore_mem>>)
      %dma_wait3A = arith.constant 0 : i32
      %dma_wait3A_77 = tpu.memref_slice %arg6[%add3A_21, %dma_wait3A] : memref<128x2048xf32, #tpu.memory_space<hbm>> -> memref<1x2048xf32, #tpu.memory_space<hbm>>
      %dma_wait3A_78 = tpu.memref_squeeze %dma_wait3A_77 : memref<1x2048xf32, #tpu.memory_space<hbm>> -> memref<2048xf32, #tpu.memory_space<hbm>>
      %dma_wait3A_79 = arith.constant 0 : i32
      %dma_wait3A_80 = tpu.memref_slice %arg6[%add3A_21, %dma_wait3A_79] : memref<128x2048xf32, #tpu.memory_space<hbm>> -> memref<1x2048xf32, #tpu.memory_space<hbm>>
      %dma_wait3A_81 = tpu.memref_squeeze %dma_wait3A_80 : memref<1x2048xf32, #tpu.memory_space<hbm>> -> memref<2048xf32, #tpu.memory_space<hbm>>
      tpu.wait_dma2 semaphore(%run_scoped3A : memref<!tpu.dma_semaphore, #tpu.memory_space<semaphore_mem>>) src(%arg10 : memref<2048xf32, #tpu.memory_space<vmem>>) dst(%dma_wait3A_81 : memref<2048xf32, #tpu.memory_space<hbm>>)
      tpu.yield
    }) : () -> ()
    %scan3A_29 = arith.constant 0 : i32
    %scan3A_30 = arith.constant 0 : i32
    %scan3A_31 = arith.constant 16 : i32
    %scan3A_32 = arith.addi %scan3A_30, %scan3A_31 : i32
    %scan3A_33 = arith.constant 1 : i32
    %scan3A_34 = scf.for %scan3A_72 = %scan3A_30 to %scan3A_32 step %scan3A_33 iter_args(%scan3A_73 = %scan3A_29) -> (i32)  : i32 {
      %mul3A_74 = arith.constant 128 : i32
      %mul3A_75 = arith.muli %scan3A_72, %mul3A_74 : i32
      %dma_start3A = tpu.memref_slice %arg8[%mul3A_75] : memref<2048xi32, #tpu.memory_space<vmem>> -> memref<128xi32, #tpu.memory_space<vmem>>
      %dma_start3A_76 = arith.constant 0 : i32
      %dma_start3A_77 = arith.constant 0 : i32
      %dma_start3A_78 = tpu.memref_slice %arg3[%dma_start3A_76, %dma_start3A_77] : memref<262144x64xf32, #tpu.memory_space<hbm>> -> memref<262144x64xf32, #tpu.memory_space<hbm>>
      tpu.enqueue_indirect_dma source(%dma_start3A_78 : memref<262144x64xf32, #tpu.memory_space<hbm>>) target(%arg11 : memref<128x64xf32, #tpu.memory_space<vmem>>) offsets(%dma_start3A : memref<128xi32, #tpu.memory_space<vmem>>) semaphore(%arg12 : memref<!tpu.dma_semaphore, #tpu.memory_space<semaphore_mem>>)
      %dma_wait3A = tpu.memref_slice %arg8[%mul3A_75] : memref<2048xi32, #tpu.memory_space<vmem>> -> memref<128xi32, #tpu.memory_space<vmem>>
      %dma_wait3A_79 = arith.constant 0 : i32
      %dma_wait3A_80 = arith.constant 0 : i32
      %dma_wait3A_81 = tpu.memref_slice %arg3[%dma_wait3A_79, %dma_wait3A_80] : memref<262144x64xf32, #tpu.memory_space<hbm>> -> memref<262144x64xf32, #tpu.memory_space<hbm>>
      tpu.wait_indirect_dma semaphore(%arg12 : memref<!tpu.dma_semaphore, #tpu.memory_space<semaphore_mem>>) src(%dma_wait3A_81 : memref<262144x64xf32, #tpu.memory_space<hbm>>) dst(%arg11 : memref<128x64xf32, #tpu.memory_space<vmem>>)
      %mul3A_82 = arith.constant 2048 : i32
      %mul3A_83 = arith.muli %add3A_21, %mul3A_82 : i32
      %mul3A_84 = arith.constant 128 : i32
      %mul3A_85 = arith.muli %scan3A_72, %mul3A_84 : i32
      %add3A_86 = arith.addi %mul3A_83, %mul3A_85 : i32
      "tpu.region"() ({
        %run_scoped3A = tpu.sem_alloc : memref<!tpu.dma_semaphore, #tpu.memory_space<semaphore_mem>>
        %dma_start3A_88 = arith.constant 0 : i32
        %dma_start3A_89 = tpu.memref_slice %arg5[%add3A_86, %dma_start3A_88] : memref<262144x64xf32, #tpu.memory_space<hbm>> -> memref<128x64xf32, #tpu.memory_space<hbm>>
        %dma_start3A_90 = arith.constant 0 : i32
        %dma_start3A_91 = tpu.memref_slice %arg5[%add3A_86, %dma_start3A_90] : memref<262144x64xf32, #tpu.memory_space<hbm>> -> memref<128x64xf32, #tpu.memory_space<hbm>>
        tpu.enqueue_dma source(%arg11 : memref<128x64xf32, #tpu.memory_space<vmem>>) target(%dma_start3A_91 : memref<128x64xf32, #tpu.memory_space<hbm>>) target_semaphore(%run_scoped3A : memref<!tpu.dma_semaphore, #tpu.memory_space<semaphore_mem>>)
        %dma_wait3A_92 = arith.constant 0 : i32
        %dma_wait3A_93 = tpu.memref_slice %arg5[%add3A_86, %dma_wait3A_92] : memref<262144x64xf32, #tpu.memory_space<hbm>> -> memref<128x64xf32, #tpu.memory_space<hbm>>
        %dma_wait3A_94 = arith.constant 0 : i32
        %dma_wait3A_95 = tpu.memref_slice %arg5[%add3A_86, %dma_wait3A_94] : memref<262144x64xf32, #tpu.memory_space<hbm>> -> memref<128x64xf32, #tpu.memory_space<hbm>>
        tpu.wait_dma2 semaphore(%run_scoped3A : memref<!tpu.dma_semaphore, #tpu.memory_space<semaphore_mem>>) src(%arg11 : memref<128x64xf32, #tpu.memory_space<vmem>>) dst(%dma_wait3A_95 : memref<128x64xf32, #tpu.memory_space<hbm>>)
        tpu.yield
      }) : () -> ()
      %scan3A_87 = arith.constant 0 : i32
      scf.yield %scan3A_87 : i32
    }
    %scan3A_35 = arith.constant 16 : i32
    %mul3A_36 = arith.constant 4 : i32
    %mul3A_37 = arith.muli %add3A, %mul3A_36 : i32
    %add3A_38 = arith.constant 2 : i32
    %add3A_39 = arith.addi %mul3A_37, %add3A_38 : i32
    "tpu.region"() ({
      %run_scoped3A = tpu.sem_alloc : memref<!tpu.dma_semaphore, #tpu.memory_space<semaphore_mem>>
      %dma_start3A = arith.constant 0 : i32
      %dma_start3A_72 = tpu.memref_slice %arg2[%add3A_39, %dma_start3A] : memref<128x2048xi32, #tpu.memory_space<hbm>> -> memref<1x2048xi32, #tpu.memory_space<hbm>>
      %dma_start3A_73 = tpu.memref_squeeze %dma_start3A_72 : memref<1x2048xi32, #tpu.memory_space<hbm>> -> memref<2048xi32, #tpu.memory_space<hbm>>
      %dma_start3A_74 = arith.constant 0 : i32
      %dma_start3A_75 = tpu.memref_slice %arg2[%add3A_39, %dma_start3A_74] : memref<128x2048xi32, #tpu.memory_space<hbm>> -> memref<1x2048xi32, #tpu.memory_space<hbm>>
      %dma_start3A_76 = tpu.memref_squeeze %dma_start3A_75 : memref<1x2048xi32, #tpu.memory_space<hbm>> -> memref<2048xi32, #tpu.memory_space<hbm>>
      tpu.enqueue_dma source(%dma_start3A_76 : memref<2048xi32, #tpu.memory_space<hbm>>) target(%arg7 : memref<2048xi32, #tpu.memory_space<vmem>>) target_semaphore(%run_scoped3A : memref<!tpu.dma_semaphore, #tpu.memory_space<semaphore_mem>>)
      %dma_wait3A = arith.constant 0 : i32
      %dma_wait3A_77 = tpu.memref_slice %arg2[%add3A_39, %dma_wait3A] : memref<128x2048xi32, #tpu.memory_space<hbm>> -> memref<1x2048xi32, #tpu.memory_space<hbm>>
      %dma_wait3A_78 = tpu.memref_squeeze %dma_wait3A_77 : memref<1x2048xi32, #tpu.memory_space<hbm>> -> memref<2048xi32, #tpu.memory_space<hbm>>
      %dma_wait3A_79 = arith.constant 0 : i32
      %dma_wait3A_80 = tpu.memref_slice %arg2[%add3A_39, %dma_wait3A_79] : memref<128x2048xi32, #tpu.memory_space<hbm>> -> memref<1x2048xi32, #tpu.memory_space<hbm>>
      %dma_wait3A_81 = tpu.memref_squeeze %dma_wait3A_80 : memref<1x2048xi32, #tpu.memory_space<hbm>> -> memref<2048xi32, #tpu.memory_space<hbm>>
      tpu.wait_dma2 semaphore(%run_scoped3A : memref<!tpu.dma_semaphore, #tpu.memory_space<semaphore_mem>>) src(%dma_wait3A_81 : memref<2048xi32, #tpu.memory_space<hbm>>) dst(%arg7 : memref<2048xi32, #tpu.memory_space<vmem>>)
      tpu.yield
    }) : () -> ()
    "tpu.region"() ({
      %run_scoped3A = tpu.sem_alloc : memref<!tpu.dma_semaphore, #tpu.memory_space<semaphore_mem>>
      %dma_start3A = arith.constant 0 : i32
      %dma_start3A_72 = tpu.memref_slice %arg4[%add3A_39, %dma_start3A] : memref<128x2048xf32, #tpu.memory_space<hbm>> -> memref<1x2048xf32, #tpu.memory_space<hbm>>
      %dma_start3A_73 = tpu.memref_squeeze %dma_start3A_72 : memref<1x2048xf32, #tpu.memory_space<hbm>> -> memref<2048xf32, #tpu.memory_space<hbm>>
      %dma_start3A_74 = arith.constant 0 : i32
      %dma_start3A_75 = tpu.memref_slice %arg4[%add3A_39, %dma_start3A_74] : memref<128x2048xf32, #tpu.memory_space<hbm>> -> memref<1x2048xf32, #tpu.memory_space<hbm>>
      %dma_start3A_76 = tpu.memref_squeeze %dma_start3A_75 : memref<1x2048xf32, #tpu.memory_space<hbm>> -> memref<2048xf32, #tpu.memory_space<hbm>>
      tpu.enqueue_dma source(%dma_start3A_76 : memref<2048xf32, #tpu.memory_space<hbm>>) target(%arg9 : memref<2048xf32, #tpu.memory_space<vmem>>) target_semaphore(%run_scoped3A : memref<!tpu.dma_semaphore, #tpu.memory_space<semaphore_mem>>)
      %dma_wait3A = arith.constant 0 : i32
      %dma_wait3A_77 = tpu.memref_slice %arg4[%add3A_39, %dma_wait3A] : memref<128x2048xf32, #tpu.memory_space<hbm>> -> memref<1x2048xf32, #tpu.memory_space<hbm>>
      %dma_wait3A_78 = tpu.memref_squeeze %dma_wait3A_77 : memref<1x2048xf32, #tpu.memory_space<hbm>> -> memref<2048xf32, #tpu.memory_space<hbm>>
      %dma_wait3A_79 = arith.constant 0 : i32
      %dma_wait3A_80 = tpu.memref_slice %arg4[%add3A_39, %dma_wait3A_79] : memref<128x2048xf32, #tpu.memory_space<hbm>> -> memref<1x2048xf32, #tpu.memory_space<hbm>>
      %dma_wait3A_81 = tpu.memref_squeeze %dma_wait3A_80 : memref<1x2048xf32, #tpu.memory_space<hbm>> -> memref<2048xf32, #tpu.memory_space<hbm>>
      tpu.wait_dma2 semaphore(%run_scoped3A : memref<!tpu.dma_semaphore, #tpu.memory_space<semaphore_mem>>) src(%dma_wait3A_81 : memref<2048xf32, #tpu.memory_space<hbm>>) dst(%arg9 : memref<2048xf32, #tpu.memory_space<vmem>>)
      tpu.yield
    }) : () -> ()
    %scan3A_40 = arith.constant 0 : i32
    %scan3A_41 = arith.constant 0 : i32
    %scan3A_42 = arith.constant 128 : i32
    %scan3A_43 = arith.addi %scan3A_41, %scan3A_42 : i32
    %scan3A_44 = arith.constant 1 : i32
    %scan3A_45 = scf.for %scan3A_72 = %scan3A_41 to %scan3A_43 step %scan3A_44 iter_args(%scan3A_73 = %scan3A_40) -> (i32)  : i32 {
      %mul3A_74 = arith.constant 16 : i32
      %mul3A_75 = arith.muli %scan3A_72, %mul3A_74 : i32
      %get3A = arith.index_cast %mul3A_75 : i32 to index
      %get3A_76 = tpu.vector_load %arg7[%get3A] {strides = array<i32>} : memref<2048xi32, #tpu.memory_space<vmem>>, vector<16xi32>,
      %gather3A = tpu.vector_load_idx %arg9[%get3A_76] : memref<2048xf32, #tpu.memory_space<vmem>>[vector<16xi32>], vector<16xf32>,
      %mul3A_77 = arith.constant 16 : i32
      %mul3A_78 = arith.muli %scan3A_72, %mul3A_77 : i32
      %swap3A = arith.index_cast %mul3A_78 : i32 to index
      %swap3A_79 = tpu.vector_load %arg10[%swap3A] {strides = array<i32>} : memref<2048xf32, #tpu.memory_space<vmem>>, vector<16xf32>,
      tpu.vector_store %arg10[%swap3A], %gather3A {strides = array<i32>} : memref<2048xf32, #tpu.memory_space<vmem>>, vector<16xf32>,
      %mul3A_80 = arith.constant 2048 : i32
      %mul3A_81 = arith.muli %add3A_39, %mul3A_80 : i32
      %add3A_82 = vector.broadcast %mul3A_81 : i32 to vector<16xi32>
      %add3A_83 = arith.addi %get3A_76, %add3A_82 : vector<16xi32>
      %mul3A_84 = arith.constant 16 : i32
      %mul3A_85 = arith.muli %scan3A_72, %mul3A_84 : i32
      %swap3A_86 = arith.index_cast %mul3A_85 : i32 to index
      %swap3A_87 = tpu.vector_load %arg8[%swap3A_86] {strides = array<i32>} : memref<2048xi32, #tpu.memory_space<vmem>>, vector<16xi32>,
      tpu.vector_store %arg8[%swap3A_86], %add3A_83 {strides = array<i32>} : memref<2048xi32, #tpu.memory_space<vmem>>, vector<16xi32>,
      %scan3A_88 = arith.constant 0 : i32
      scf.yield %scan3A_88 : i32
    }
    %scan3A_46 = arith.constant 128 : i32
    "tpu.region"() ({
      %run_scoped3A = tpu.sem_alloc : memref<!tpu.dma_semaphore, #tpu.memory_space<semaphore_mem>>
      %dma_start3A = arith.constant 0 : i32
      %dma_start3A_72 = tpu.memref_slice %arg6[%add3A_39, %dma_start3A] : memref<128x2048xf32, #tpu.memory_space<hbm>> -> memref<1x2048xf32, #tpu.memory_space<hbm>>
      %dma_start3A_73 = tpu.memref_squeeze %dma_start3A_72 : memref<1x2048xf32, #tpu.memory_space<hbm>> -> memref<2048xf32, #tpu.memory_space<hbm>>
      %dma_start3A_74 = arith.constant 0 : i32
      %dma_start3A_75 = tpu.memref_slice %arg6[%add3A_39, %dma_start3A_74] : memref<128x2048xf32, #tpu.memory_space<hbm>> -> memref<1x2048xf32, #tpu.memory_space<hbm>>
      %dma_start3A_76 = tpu.memref_squeeze %dma_start3A_75 : memref<1x2048xf32, #tpu.memory_space<hbm>> -> memref<2048xf32, #tpu.memory_space<hbm>>
      tpu.enqueue_dma source(%arg10 : memref<2048xf32, #tpu.memory_space<vmem>>) target(%dma_start3A_76 : memref<2048xf32, #tpu.memory_space<hbm>>) target_semaphore(%run_scoped3A : memref<!tpu.dma_semaphore, #tpu.memory_space<semaphore_mem>>)
      %dma_wait3A = arith.constant 0 : i32
      %dma_wait3A_77 = tpu.memref_slice %arg6[%add3A_39, %dma_wait3A] : memref<128x2048xf32, #tpu.memory_space<hbm>> -> memref<1x2048xf32, #tpu.memory_space<hbm>>
      %dma_wait3A_78 = tpu.memref_squeeze %dma_wait3A_77 : memref<1x2048xf32, #tpu.memory_space<hbm>> -> memref<2048xf32, #tpu.memory_space<hbm>>
      %dma_wait3A_79 = arith.constant 0 : i32
      %dma_wait3A_80 = tpu.memref_slice %arg6[%add3A_39, %dma_wait3A_79] : memref<128x2048xf32, #tpu.memory_space<hbm>> -> memref<1x2048xf32, #tpu.memory_space<hbm>>
      %dma_wait3A_81 = tpu.memref_squeeze %dma_wait3A_80 : memref<1x2048xf32, #tpu.memory_space<hbm>> -> memref<2048xf32, #tpu.memory_space<hbm>>
      tpu.wait_dma2 semaphore(%run_scoped3A : memref<!tpu.dma_semaphore, #tpu.memory_space<semaphore_mem>>) src(%arg10 : memref<2048xf32, #tpu.memory_space<vmem>>) dst(%dma_wait3A_81 : memref<2048xf32, #tpu.memory_space<hbm>>)
      tpu.yield
    }) : () -> ()
    %scan3A_47 = arith.constant 0 : i32
    %scan3A_48 = arith.constant 0 : i32
    %scan3A_49 = arith.constant 16 : i32
    %scan3A_50 = arith.addi %scan3A_48, %scan3A_49 : i32
    %scan3A_51 = arith.constant 1 : i32
    %scan3A_52 = scf.for %scan3A_72 = %scan3A_48 to %scan3A_50 step %scan3A_51 iter_args(%scan3A_73 = %scan3A_47) -> (i32)  : i32 {
      %mul3A_74 = arith.constant 128 : i32
      %mul3A_75 = arith.muli %scan3A_72, %mul3A_74 : i32
      %dma_start3A = tpu.memref_slice %arg8[%mul3A_75] : memref<2048xi32, #tpu.memory_space<vmem>> -> memref<128xi32, #tpu.memory_space<vmem>>
      %dma_start3A_76 = arith.constant 0 : i32
      %dma_start3A_77 = arith.constant 0 : i32
      %dma_start3A_78 = tpu.memref_slice %arg3[%dma_start3A_76, %dma_start3A_77] : memref<262144x64xf32, #tpu.memory_space<hbm>> -> memref<262144x64xf32, #tpu.memory_space<hbm>>
      tpu.enqueue_indirect_dma source(%dma_start3A_78 : memref<262144x64xf32, #tpu.memory_space<hbm>>) target(%arg11 : memref<128x64xf32, #tpu.memory_space<vmem>>) offsets(%dma_start3A : memref<128xi32, #tpu.memory_space<vmem>>) semaphore(%arg12 : memref<!tpu.dma_semaphore, #tpu.memory_space<semaphore_mem>>)
      %dma_wait3A = tpu.memref_slice %arg8[%mul3A_75] : memref<2048xi32, #tpu.memory_space<vmem>> -> memref<128xi32, #tpu.memory_space<vmem>>
      %dma_wait3A_79 = arith.constant 0 : i32
      %dma_wait3A_80 = arith.constant 0 : i32
      %dma_wait3A_81 = tpu.memref_slice %arg3[%dma_wait3A_79, %dma_wait3A_80] : memref<262144x64xf32, #tpu.memory_space<hbm>> -> memref<262144x64xf32, #tpu.memory_space<hbm>>
      tpu.wait_indirect_dma semaphore(%arg12 : memref<!tpu.dma_semaphore, #tpu.memory_space<semaphore_mem>>) src(%dma_wait3A_81 : memref<262144x64xf32, #tpu.memory_space<hbm>>) dst(%arg11 : memref<128x64xf32, #tpu.memory_space<vmem>>)
      %mul3A_82 = arith.constant 2048 : i32
      %mul3A_83 = arith.muli %add3A_39, %mul3A_82 : i32
      %mul3A_84 = arith.constant 128 : i32
      %mul3A_85 = arith.muli %scan3A_72, %mul3A_84 : i32
      %add3A_86 = arith.addi %mul3A_83, %mul3A_85 : i32
      "tpu.region"() ({
        %run_scoped3A = tpu.sem_alloc : memref<!tpu.dma_semaphore, #tpu.memory_space<semaphore_mem>>
        %dma_start3A_88 = arith.constant 0 : i32
        %dma_start3A_89 = tpu.memref_slice %arg5[%add3A_86, %dma_start3A_88] : memref<262144x64xf32, #tpu.memory_space<hbm>> -> memref<128x64xf32, #tpu.memory_space<hbm>>
        %dma_start3A_90 = arith.constant 0 : i32
        %dma_start3A_91 = tpu.memref_slice %arg5[%add3A_86, %dma_start3A_90] : memref<262144x64xf32, #tpu.memory_space<hbm>> -> memref<128x64xf32, #tpu.memory_space<hbm>>
        tpu.enqueue_dma source(%arg11 : memref<128x64xf32, #tpu.memory_space<vmem>>) target(%dma_start3A_91 : memref<128x64xf32, #tpu.memory_space<hbm>>) target_semaphore(%run_scoped3A : memref<!tpu.dma_semaphore, #tpu.memory_space<semaphore_mem>>)
        %dma_wait3A_92 = arith.constant 0 : i32
        %dma_wait3A_93 = tpu.memref_slice %arg5[%add3A_86, %dma_wait3A_92] : memref<262144x64xf32, #tpu.memory_space<hbm>> -> memref<128x64xf32, #tpu.memory_space<hbm>>
        %dma_wait3A_94 = arith.constant 0 : i32
        %dma_wait3A_95 = tpu.memref_slice %arg5[%add3A_86, %dma_wait3A_94] : memref<262144x64xf32, #tpu.memory_space<hbm>> -> memref<128x64xf32, #tpu.memory_space<hbm>>
        tpu.wait_dma2 semaphore(%run_scoped3A : memref<!tpu.dma_semaphore, #tpu.memory_space<semaphore_mem>>) src(%arg11 : memref<128x64xf32, #tpu.memory_space<vmem>>) dst(%dma_wait3A_95 : memref<128x64xf32, #tpu.memory_space<hbm>>)
        tpu.yield
      }) : () -> ()
      %scan3A_87 = arith.constant 0 : i32
      scf.yield %scan3A_87 : i32
    }
    %scan3A_53 = arith.constant 16 : i32
    %mul3A_54 = arith.constant 4 : i32
    %mul3A_55 = arith.muli %add3A, %mul3A_54 : i32
    %add3A_56 = arith.constant 3 : i32
    %add3A_57 = arith.addi %mul3A_55, %add3A_56 : i32
    "tpu.region"() ({
      %run_scoped3A = tpu.sem_alloc : memref<!tpu.dma_semaphore, #tpu.memory_space<semaphore_mem>>
      %dma_start3A = arith.constant 0 : i32
      %dma_start3A_72 = tpu.memref_slice %arg2[%add3A_57, %dma_start3A] : memref<128x2048xi32, #tpu.memory_space<hbm>> -> memref<1x2048xi32, #tpu.memory_space<hbm>>
      %dma_start3A_73 = tpu.memref_squeeze %dma_start3A_72 : memref<1x2048xi32, #tpu.memory_space<hbm>> -> memref<2048xi32, #tpu.memory_space<hbm>>
      %dma_start3A_74 = arith.constant 0 : i32
      %dma_start3A_75 = tpu.memref_slice %arg2[%add3A_57, %dma_start3A_74] : memref<128x2048xi32, #tpu.memory_space<hbm>> -> memref<1x2048xi32, #tpu.memory_space<hbm>>
      %dma_start3A_76 = tpu.memref_squeeze %dma_start3A_75 : memref<1x2048xi32, #tpu.memory_space<hbm>> -> memref<2048xi32, #tpu.memory_space<hbm>>
      tpu.enqueue_dma source(%dma_start3A_76 : memref<2048xi32, #tpu.memory_space<hbm>>) target(%arg7 : memref<2048xi32, #tpu.memory_space<vmem>>) target_semaphore(%run_scoped3A : memref<!tpu.dma_semaphore, #tpu.memory_space<semaphore_mem>>)
      %dma_wait3A = arith.constant 0 : i32
      %dma_wait3A_77 = tpu.memref_slice %arg2[%add3A_57, %dma_wait3A] : memref<128x2048xi32, #tpu.memory_space<hbm>> -> memref<1x2048xi32, #tpu.memory_space<hbm>>
      %dma_wait3A_78 = tpu.memref_squeeze %dma_wait3A_77 : memref<1x2048xi32, #tpu.memory_space<hbm>> -> memref<2048xi32, #tpu.memory_space<hbm>>
      %dma_wait3A_79 = arith.constant 0 : i32
      %dma_wait3A_80 = tpu.memref_slice %arg2[%add3A_57, %dma_wait3A_79] : memref<128x2048xi32, #tpu.memory_space<hbm>> -> memref<1x2048xi32, #tpu.memory_space<hbm>>
      %dma_wait3A_81 = tpu.memref_squeeze %dma_wait3A_80 : memref<1x2048xi32, #tpu.memory_space<hbm>> -> memref<2048xi32, #tpu.memory_space<hbm>>
      tpu.wait_dma2 semaphore(%run_scoped3A : memref<!tpu.dma_semaphore, #tpu.memory_space<semaphore_mem>>) src(%dma_wait3A_81 : memref<2048xi32, #tpu.memory_space<hbm>>) dst(%arg7 : memref<2048xi32, #tpu.memory_space<vmem>>)
      tpu.yield
    }) : () -> ()
    "tpu.region"() ({
      %run_scoped3A = tpu.sem_alloc : memref<!tpu.dma_semaphore, #tpu.memory_space<semaphore_mem>>
      %dma_start3A = arith.constant 0 : i32
      %dma_start3A_72 = tpu.memref_slice %arg4[%add3A_57, %dma_start3A] : memref<128x2048xf32, #tpu.memory_space<hbm>> -> memref<1x2048xf32, #tpu.memory_space<hbm>>
      %dma_start3A_73 = tpu.memref_squeeze %dma_start3A_72 : memref<1x2048xf32, #tpu.memory_space<hbm>> -> memref<2048xf32, #tpu.memory_space<hbm>>
      %dma_start3A_74 = arith.constant 0 : i32
      %dma_start3A_75 = tpu.memref_slice %arg4[%add3A_57, %dma_start3A_74] : memref<128x2048xf32, #tpu.memory_space<hbm>> -> memref<1x2048xf32, #tpu.memory_space<hbm>>
      %dma_start3A_76 = tpu.memref_squeeze %dma_start3A_75 : memref<1x2048xf32, #tpu.memory_space<hbm>> -> memref<2048xf32, #tpu.memory_space<hbm>>
      tpu.enqueue_dma source(%dma_start3A_76 : memref<2048xf32, #tpu.memory_space<hbm>>) target(%arg9 : memref<2048xf32, #tpu.memory_space<vmem>>) target_semaphore(%run_scoped3A : memref<!tpu.dma_semaphore, #tpu.memory_space<semaphore_mem>>)
      %dma_wait3A = arith.constant 0 : i32
      %dma_wait3A_77 = tpu.memref_slice %arg4[%add3A_57, %dma_wait3A] : memref<128x2048xf32, #tpu.memory_space<hbm>> -> memref<1x2048xf32, #tpu.memory_space<hbm>>
      %dma_wait3A_78 = tpu.memref_squeeze %dma_wait3A_77 : memref<1x2048xf32, #tpu.memory_space<hbm>> -> memref<2048xf32, #tpu.memory_space<hbm>>
      %dma_wait3A_79 = arith.constant 0 : i32
      %dma_wait3A_80 = tpu.memref_slice %arg4[%add3A_57, %dma_wait3A_79] : memref<128x2048xf32, #tpu.memory_space<hbm>> -> memref<1x2048xf32, #tpu.memory_space<hbm>>
      %dma_wait3A_81 = tpu.memref_squeeze %dma_wait3A_80 : memref<1x2048xf32, #tpu.memory_space<hbm>> -> memref<2048xf32, #tpu.memory_space<hbm>>
      tpu.wait_dma2 semaphore(%run_scoped3A : memref<!tpu.dma_semaphore, #tpu.memory_space<semaphore_mem>>) src(%dma_wait3A_81 : memref<2048xf32, #tpu.memory_space<hbm>>) dst(%arg9 : memref<2048xf32, #tpu.memory_space<vmem>>)
      tpu.yield
    }) : () -> ()
    %scan3A_58 = arith.constant 0 : i32
    %scan3A_59 = arith.constant 0 : i32
    %scan3A_60 = arith.constant 128 : i32
    %scan3A_61 = arith.addi %scan3A_59, %scan3A_60 : i32
    %scan3A_62 = arith.constant 1 : i32
    %scan3A_63 = scf.for %scan3A_72 = %scan3A_59 to %scan3A_61 step %scan3A_62 iter_args(%scan3A_73 = %scan3A_58) -> (i32)  : i32 {
      %mul3A_74 = arith.constant 16 : i32
      %mul3A_75 = arith.muli %scan3A_72, %mul3A_74 : i32
      %get3A = arith.index_cast %mul3A_75 : i32 to index
      %get3A_76 = tpu.vector_load %arg7[%get3A] {strides = array<i32>} : memref<2048xi32, #tpu.memory_space<vmem>>, vector<16xi32>,
      %gather3A = tpu.vector_load_idx %arg9[%get3A_76] : memref<2048xf32, #tpu.memory_space<vmem>>[vector<16xi32>], vector<16xf32>,
      %mul3A_77 = arith.constant 16 : i32
      %mul3A_78 = arith.muli %scan3A_72, %mul3A_77 : i32
      %swap3A = arith.index_cast %mul3A_78 : i32 to index
      %swap3A_79 = tpu.vector_load %arg10[%swap3A] {strides = array<i32>} : memref<2048xf32, #tpu.memory_space<vmem>>, vector<16xf32>,
      tpu.vector_store %arg10[%swap3A], %gather3A {strides = array<i32>} : memref<2048xf32, #tpu.memory_space<vmem>>, vector<16xf32>,
      %mul3A_80 = arith.constant 2048 : i32
      %mul3A_81 = arith.muli %add3A_57, %mul3A_80 : i32
      %add3A_82 = vector.broadcast %mul3A_81 : i32 to vector<16xi32>
      %add3A_83 = arith.addi %get3A_76, %add3A_82 : vector<16xi32>
      %mul3A_84 = arith.constant 16 : i32
      %mul3A_85 = arith.muli %scan3A_72, %mul3A_84 : i32
      %swap3A_86 = arith.index_cast %mul3A_85 : i32 to index
      %swap3A_87 = tpu.vector_load %arg8[%swap3A_86] {strides = array<i32>} : memref<2048xi32, #tpu.memory_space<vmem>>, vector<16xi32>,
      tpu.vector_store %arg8[%swap3A_86], %add3A_83 {strides = array<i32>} : memref<2048xi32, #tpu.memory_space<vmem>>, vector<16xi32>,
      %scan3A_88 = arith.constant 0 : i32
      scf.yield %scan3A_88 : i32
    }
    %scan3A_64 = arith.constant 128 : i32
    "tpu.region"() ({
      %run_scoped3A = tpu.sem_alloc : memref<!tpu.dma_semaphore, #tpu.memory_space<semaphore_mem>>
      %dma_start3A = arith.constant 0 : i32
      %dma_start3A_72 = tpu.memref_slice %arg6[%add3A_57, %dma_start3A] : memref<128x2048xf32, #tpu.memory_space<hbm>> -> memref<1x2048xf32, #tpu.memory_space<hbm>>
      %dma_start3A_73 = tpu.memref_squeeze %dma_start3A_72 : memref<1x2048xf32, #tpu.memory_space<hbm>> -> memref<2048xf32, #tpu.memory_space<hbm>>
      %dma_start3A_74 = arith.constant 0 : i32
      %dma_start3A_75 = tpu.memref_slice %arg6[%add3A_57, %dma_start3A_74] : memref<128x2048xf32, #tpu.memory_space<hbm>> -> memref<1x2048xf32, #tpu.memory_space<hbm>>
      %dma_start3A_76 = tpu.memref_squeeze %dma_start3A_75 : memref<1x2048xf32, #tpu.memory_space<hbm>> -> memref<2048xf32, #tpu.memory_space<hbm>>
      tpu.enqueue_dma source(%arg10 : memref<2048xf32, #tpu.memory_space<vmem>>) target(%dma_start3A_76 : memref<2048xf32, #tpu.memory_space<hbm>>) target_semaphore(%run_scoped3A : memref<!tpu.dma_semaphore, #tpu.memory_space<semaphore_mem>>)
      %dma_wait3A = arith.constant 0 : i32
      %dma_wait3A_77 = tpu.memref_slice %arg6[%add3A_57, %dma_wait3A] : memref<128x2048xf32, #tpu.memory_space<hbm>> -> memref<1x2048xf32, #tpu.memory_space<hbm>>
      %dma_wait3A_78 = tpu.memref_squeeze %dma_wait3A_77 : memref<1x2048xf32, #tpu.memory_space<hbm>> -> memref<2048xf32, #tpu.memory_space<hbm>>
      %dma_wait3A_79 = arith.constant 0 : i32
      %dma_wait3A_80 = tpu.memref_slice %arg6[%add3A_57, %dma_wait3A_79] : memref<128x2048xf32, #tpu.memory_space<hbm>> -> memref<1x2048xf32, #tpu.memory_space<hbm>>
      %dma_wait3A_81 = tpu.memref_squeeze %dma_wait3A_80 : memref<1x2048xf32, #tpu.memory_space<hbm>> -> memref<2048xf32, #tpu.memory_space<hbm>>
      tpu.wait_dma2 semaphore(%run_scoped3A : memref<!tpu.dma_semaphore, #tpu.memory_space<semaphore_mem>>) src(%arg10 : memref<2048xf32, #tpu.memory_space<vmem>>) dst(%dma_wait3A_81 : memref<2048xf32, #tpu.memory_space<hbm>>)
      tpu.yield
    }) : () -> ()
    %scan3A_65 = arith.constant 0 : i32
    %scan3A_66 = arith.constant 0 : i32
    %scan3A_67 = arith.constant 16 : i32
    %scan3A_68 = arith.addi %scan3A_66, %scan3A_67 : i32
    %scan3A_69 = arith.constant 1 : i32
    %scan3A_70 = scf.for %scan3A_72 = %scan3A_66 to %scan3A_68 step %scan3A_69 iter_args(%scan3A_73 = %scan3A_65) -> (i32)  : i32 {
      %mul3A_74 = arith.constant 128 : i32
      %mul3A_75 = arith.muli %scan3A_72, %mul3A_74 : i32
      %dma_start3A = tpu.memref_slice %arg8[%mul3A_75] : memref<2048xi32, #tpu.memory_space<vmem>> -> memref<128xi32, #tpu.memory_space<vmem>>
      %dma_start3A_76 = arith.constant 0 : i32
      %dma_start3A_77 = arith.constant 0 : i32
      %dma_start3A_78 = tpu.memref_slice %arg3[%dma_start3A_76, %dma_start3A_77] : memref<262144x64xf32, #tpu.memory_space<hbm>> -> memref<262144x64xf32, #tpu.memory_space<hbm>>
      tpu.enqueue_indirect_dma source(%dma_start3A_78 : memref<262144x64xf32, #tpu.memory_space<hbm>>) target(%arg11 : memref<128x64xf32, #tpu.memory_space<vmem>>) offsets(%dma_start3A : memref<128xi32, #tpu.memory_space<vmem>>) semaphore(%arg12 : memref<!tpu.dma_semaphore, #tpu.memory_space<semaphore_mem>>)
      %dma_wait3A = tpu.memref_slice %arg8[%mul3A_75] : memref<2048xi32, #tpu.memory_space<vmem>> -> memref<128xi32, #tpu.memory_space<vmem>>
      %dma_wait3A_79 = arith.constant 0 : i32
      %dma_wait3A_80 = arith.constant 0 : i32
      %dma_wait3A_81 = tpu.memref_slice %arg3[%dma_wait3A_79, %dma_wait3A_80] : memref<262144x64xf32, #tpu.memory_space<hbm>> -> memref<262144x64xf32, #tpu.memory_space<hbm>>
      tpu.wait_indirect_dma semaphore(%arg12 : memref<!tpu.dma_semaphore, #tpu.memory_space<semaphore_mem>>) src(%dma_wait3A_81 : memref<262144x64xf32, #tpu.memory_space<hbm>>) dst(%arg11 : memref<128x64xf32, #tpu.memory_space<vmem>>)
      %mul3A_82 = arith.constant 2048 : i32
      %mul3A_83 = arith.muli %add3A_57, %mul3A_82 : i32
      %mul3A_84 = arith.constant 128 : i32
      %mul3A_85 = arith.muli %scan3A_72, %mul3A_84 : i32
      %add3A_86 = arith.addi %mul3A_83, %mul3A_85 : i32
      "tpu.region"() ({
        %run_scoped3A = tpu.sem_alloc : memref<!tpu.dma_semaphore, #tpu.memory_space<semaphore_mem>>
        %dma_start3A_88 = arith.constant 0 : i32
        %dma_start3A_89 = tpu.memref_slice %arg5[%add3A_86, %dma_start3A_88] : memref<262144x64xf32, #tpu.memory_space<hbm>> -> memref<128x64xf32, #tpu.memory_space<hbm>>
        %dma_start3A_90 = arith.constant 0 : i32
        %dma_start3A_91 = tpu.memref_slice %arg5[%add3A_86, %dma_start3A_90] : memref<262144x64xf32, #tpu.memory_space<hbm>> -> memref<128x64xf32, #tpu.memory_space<hbm>>
        tpu.enqueue_dma source(%arg11 : memref<128x64xf32, #tpu.memory_space<vmem>>) target(%dma_start3A_91 : memref<128x64xf32, #tpu.memory_space<hbm>>) target_semaphore(%run_scoped3A : memref<!tpu.dma_semaphore, #tpu.memory_space<semaphore_mem>>)
        %dma_wait3A_92 = arith.constant 0 : i32
        %dma_wait3A_93 = tpu.memref_slice %arg5[%add3A_86, %dma_wait3A_92] : memref<262144x64xf32, #tpu.memory_space<hbm>> -> memref<128x64xf32, #tpu.memory_space<hbm>>
        %dma_wait3A_94 = arith.constant 0 : i32
        %dma_wait3A_95 = tpu.memref_slice %arg5[%add3A_86, %dma_wait3A_94] : memref<262144x64xf32, #tpu.memory_space<hbm>> -> memref<128x64xf32, #tpu.memory_space<hbm>>
        tpu.wait_dma2 semaphore(%run_scoped3A : memref<!tpu.dma_semaphore, #tpu.memory_space<semaphore_mem>>) src(%arg11 : memref<128x64xf32, #tpu.memory_space<vmem>>) dst(%dma_wait3A_95 : memref<128x64xf32, #tpu.memory_space<hbm>>)
        tpu.yield
      }) : () -> ()
      %scan3A_87 = arith.constant 0 : i32
      scf.yield %scan3A_87 : i32
    }
    %scan3A_71 = arith.constant 16 : i32
    return
  }
}

#map = affine_map<(d0, d1) -> (0, 0)>
module attributes {stable_mosaic.version = 14 : i64} {
  func.func @k(%arg0: i32, %arg1: i32, %arg2: memref<128x2048xi32, #tpu.memory_space<hbm>>, %arg3: memref<32768x64xf32, #tpu.memory_space<hbm>>, %arg4: memref<32768x64xf32, #tpu.memory_space<hbm>>, %arg5: memref<128x2048xi32, #tpu.memory_space<hbm>>, %arg6: memref<262144x64xf32, #tpu.memory_space<hbm>>, %arg7: memref<262144x64xf32, #tpu.memory_space<hbm>>, %arg8: memref<2048xi32, #tpu.memory_space<vmem>>, %arg9: memref<2048xi32, #tpu.memory_space<vmem>>, %arg10: memref<2048xi32, #tpu.memory_space<vmem>>, %arg11: memref<128x64xf32, #tpu.memory_space<vmem>>, %arg12: memref<128x64xf32, #tpu.memory_space<vmem>>, %arg13: memref<!tpu.dma_semaphore, #tpu.memory_space<semaphore_mem>>, %arg14: memref<!tpu.dma_semaphore, #tpu.memory_space<semaphore_mem>>) attributes {dimension_semantics = [#tpu.dimension_semantics<core_parallel>, #tpu.dimension_semantics<subcore_parallel>], iteration_bounds = array<i64: 2, 16>, scalar_prefetch = 0 : i64, scratch_operands = 7 : i64, tpu.core_type = #tpu.core_type<sc_vector_subcore>, window_params = [{transform_indices = #map}, {transform_indices = #map}, {transform_indices = #map}, {transform_indices = #map}, {transform_indices = #map}, {transform_indices = #map}]} {
    %mul3A = arith.constant 2 : i32
    %mul3A_0 = arith.muli %arg1, %mul3A : i32
    %add3A = arith.addi %mul3A_0, %arg0 : i32
    %iota3A = tpu.iota {dimensions = array<i32: 0>} : vector<16xi32>
    %mul3A_1 = arith.constant 4 : i32
    %mul3A_2 = arith.muli %add3A, %mul3A_1 : i32
    %add3A_3 = arith.constant 0 : i32
    %add3A_4 = arith.addi %mul3A_2, %add3A_3 : i32
    %jit3A = arith.constant 8 : i32
    %div3A = arith.divsi %add3A_4, %jit3A : i32
    %sign3A = arith.constant 0 : i32
    %sign3A_5 = arith.cmpi sgt, %add3A_4, %sign3A : i32
    %sign3A_6 = arith.extui %sign3A_5 : i1 to i32
    %sign3A_7 = arith.constant 0 : i32
    %sign3A_8 = arith.cmpi slt, %add3A_4, %sign3A_7 : i32
    %sign3A_9 = arith.extui %sign3A_8 : i1 to i32
    %sign3A_10 = arith.subi %sign3A_6, %sign3A_9 : i32
    %sign3A_11 = arith.constant 0 : i32
    %sign3A_12 = arith.cmpi sgt, %jit3A, %sign3A_11 : i32
    %sign3A_13 = arith.extui %sign3A_12 : i1 to i32
    %sign3A_14 = arith.constant 0 : i32
    %sign3A_15 = arith.cmpi slt, %jit3A, %sign3A_14 : i32
    %sign3A_16 = arith.extui %sign3A_15 : i1 to i32
    %sign3A_17 = arith.subi %sign3A_13, %sign3A_16 : i32
    %ne3A = arith.cmpi ne, %sign3A_10, %sign3A_17 : i32
    %rem3A = arith.remsi %add3A_4, %jit3A : i32
    %ne3A_18 = arith.constant 0 : i32
    %ne3A_19 = arith.cmpi ne, %rem3A, %ne3A_18 : i32
    %and3A = arith.andi %ne3A, %ne3A_19 : i1
    %sub3A = arith.constant 1 : i32
    %sub3A_20 = arith.subi %div3A, %sub3A : i32
    %select_n3A = arith.select %and3A, %sub3A_20, %div3A : i32
    "tpu.region"() ({
      %run_scoped3A = tpu.sem_alloc : memref<!tpu.dma_semaphore, #tpu.memory_space<semaphore_mem>>
      %dma_start3A = arith.constant 0 : i32
      %dma_start3A_188 = tpu.memref_slice %arg2[%add3A_4, %dma_start3A] : memref<128x2048xi32, #tpu.memory_space<hbm>> -> memref<1x2048xi32, #tpu.memory_space<hbm>>
      %dma_start3A_189 = tpu.memref_squeeze %dma_start3A_188 : memref<1x2048xi32, #tpu.memory_space<hbm>> -> memref<2048xi32, #tpu.memory_space<hbm>>
      %dma_start3A_190 = arith.constant 0 : i32
      %dma_start3A_191 = tpu.memref_slice %arg2[%add3A_4, %dma_start3A_190] : memref<128x2048xi32, #tpu.memory_space<hbm>> -> memref<1x2048xi32, #tpu.memory_space<hbm>>
      %dma_start3A_192 = tpu.memref_squeeze %dma_start3A_191 : memref<1x2048xi32, #tpu.memory_space<hbm>> -> memref<2048xi32, #tpu.memory_space<hbm>>
      tpu.enqueue_dma source(%dma_start3A_192 : memref<2048xi32, #tpu.memory_space<hbm>>) target(%arg8 : memref<2048xi32, #tpu.memory_space<vmem>>) target_semaphore(%run_scoped3A : memref<!tpu.dma_semaphore, #tpu.memory_space<semaphore_mem>>)
      %dma_wait3A = arith.constant 0 : i32
      %dma_wait3A_193 = tpu.memref_slice %arg2[%add3A_4, %dma_wait3A] : memref<128x2048xi32, #tpu.memory_space<hbm>> -> memref<1x2048xi32, #tpu.memory_space<hbm>>
      %dma_wait3A_194 = tpu.memref_squeeze %dma_wait3A_193 : memref<1x2048xi32, #tpu.memory_space<hbm>> -> memref<2048xi32, #tpu.memory_space<hbm>>
      %dma_wait3A_195 = arith.constant 0 : i32
      %dma_wait3A_196 = tpu.memref_slice %arg2[%add3A_4, %dma_wait3A_195] : memref<128x2048xi32, #tpu.memory_space<hbm>> -> memref<1x2048xi32, #tpu.memory_space<hbm>>
      %dma_wait3A_197 = tpu.memref_squeeze %dma_wait3A_196 : memref<1x2048xi32, #tpu.memory_space<hbm>> -> memref<2048xi32, #tpu.memory_space<hbm>>
      tpu.wait_dma2 semaphore(%run_scoped3A : memref<!tpu.dma_semaphore, #tpu.memory_space<semaphore_mem>>) src(%dma_wait3A_197 : memref<2048xi32, #tpu.memory_space<hbm>>) dst(%arg8 : memref<2048xi32, #tpu.memory_space<vmem>>)
      tpu.yield
    }) : () -> ()
    %scan3A = arith.constant 0 : i32
    %scan3A_21 = arith.constant 0 : i32
    %scan3A_22 = arith.constant 128 : i32
    %scan3A_23 = arith.addi %scan3A_21, %scan3A_22 : i32
    %scan3A_24 = arith.constant 1 : i32
    %scan3A_25 = scf.for %scan3A_188 = %scan3A_21 to %scan3A_23 step %scan3A_24 iter_args(%scan3A_189 = %scan3A) -> (i32)  : i32 {
      %mul3A_190 = arith.constant 16 : i32
      %mul3A_191 = arith.muli %scan3A_188, %mul3A_190 : i32
      %get3A = arith.index_cast %mul3A_191 : i32 to index
      %get3A_192 = tpu.vector_load %arg8[%get3A] {strides = array<i32>} : memref<2048xi32, #tpu.memory_space<vmem>>, vector<16xi32>,
      %mul3A_193 = arith.constant 16 : i32
      %mul3A_194 = arith.muli %scan3A_188, %mul3A_193 : i32
      %add3A_195 = vector.broadcast %mul3A_194 : i32 to vector<16xi32>
      %add3A_196 = arith.addi %iota3A, %add3A_195 : vector<16xi32>
      tpu.vector_store_idx %arg9[%get3A_192], %add3A_196 : memref<2048xi32, #tpu.memory_space<vmem>>[vector<16xi32>], vector<16xi32>,
      %scan3A_197 = arith.constant 0 : i32
      scf.yield %scan3A_197 : i32
    }
    %scan3A_26 = arith.constant 128 : i32
    "tpu.region"() ({
      %run_scoped3A = tpu.sem_alloc : memref<!tpu.dma_semaphore, #tpu.memory_space<semaphore_mem>>
      %dma_start3A = arith.constant 0 : i32
      %dma_start3A_188 = tpu.memref_slice %arg5[%add3A_4, %dma_start3A] : memref<128x2048xi32, #tpu.memory_space<hbm>> -> memref<1x2048xi32, #tpu.memory_space<hbm>>
      %dma_start3A_189 = tpu.memref_squeeze %dma_start3A_188 : memref<1x2048xi32, #tpu.memory_space<hbm>> -> memref<2048xi32, #tpu.memory_space<hbm>>
      %dma_start3A_190 = arith.constant 0 : i32
      %dma_start3A_191 = tpu.memref_slice %arg5[%add3A_4, %dma_start3A_190] : memref<128x2048xi32, #tpu.memory_space<hbm>> -> memref<1x2048xi32, #tpu.memory_space<hbm>>
      %dma_start3A_192 = tpu.memref_squeeze %dma_start3A_191 : memref<1x2048xi32, #tpu.memory_space<hbm>> -> memref<2048xi32, #tpu.memory_space<hbm>>
      tpu.enqueue_dma source(%arg9 : memref<2048xi32, #tpu.memory_space<vmem>>) target(%dma_start3A_192 : memref<2048xi32, #tpu.memory_space<hbm>>) target_semaphore(%run_scoped3A : memref<!tpu.dma_semaphore, #tpu.memory_space<semaphore_mem>>)
      %dma_wait3A = arith.constant 0 : i32
      %dma_wait3A_193 = tpu.memref_slice %arg5[%add3A_4, %dma_wait3A] : memref<128x2048xi32, #tpu.memory_space<hbm>> -> memref<1x2048xi32, #tpu.memory_space<hbm>>
      %dma_wait3A_194 = tpu.memref_squeeze %dma_wait3A_193 : memref<1x2048xi32, #tpu.memory_space<hbm>> -> memref<2048xi32, #tpu.memory_space<hbm>>
      %dma_wait3A_195 = arith.constant 0 : i32
      %dma_wait3A_196 = tpu.memref_slice %arg5[%add3A_4, %dma_wait3A_195] : memref<128x2048xi32, #tpu.memory_space<hbm>> -> memref<1x2048xi32, #tpu.memory_space<hbm>>
      %dma_wait3A_197 = tpu.memref_squeeze %dma_wait3A_196 : memref<1x2048xi32, #tpu.memory_space<hbm>> -> memref<2048xi32, #tpu.memory_space<hbm>>
      tpu.wait_dma2 semaphore(%run_scoped3A : memref<!tpu.dma_semaphore, #tpu.memory_space<semaphore_mem>>) src(%arg9 : memref<2048xi32, #tpu.memory_space<vmem>>) dst(%dma_wait3A_197 : memref<2048xi32, #tpu.memory_space<hbm>>)
      tpu.yield
    }) : () -> ()
    %scan3A_27 = arith.constant 0 : i32
    %scan3A_28 = arith.constant 0 : i32
    %scan3A_29 = arith.constant 128 : i32
    %scan3A_30 = arith.addi %scan3A_28, %scan3A_29 : i32
    %scan3A_31 = arith.constant 1 : i32
    %scan3A_32 = scf.for %scan3A_188 = %scan3A_28 to %scan3A_30 step %scan3A_31 iter_args(%scan3A_189 = %scan3A_27) -> (i32)  : i32 {
      %mul3A_190 = arith.constant 16 : i32
      %mul3A_191 = arith.muli %scan3A_188, %mul3A_190 : i32
      %get3A = arith.index_cast %mul3A_191 : i32 to index
      %get3A_192 = tpu.vector_load %arg9[%get3A] {strides = array<i32>} : memref<2048xi32, #tpu.memory_space<vmem>>, vector<16xi32>,
      %mul3A_193 = arith.constant 2048 : i32
      %mul3A_194 = arith.muli %select_n3A, %mul3A_193 : i32
      %add3A_195 = vector.broadcast %mul3A_194 : i32 to vector<16xi32>
      %add3A_196 = arith.addi %get3A_192, %add3A_195 : vector<16xi32>
      %mul3A_197 = arith.constant 16 : i32
      %mul3A_198 = arith.muli %scan3A_188, %mul3A_197 : i32
      %swap3A = arith.index_cast %mul3A_198 : i32 to index
      %swap3A_199 = tpu.vector_load %arg10[%swap3A] {strides = array<i32>} : memref<2048xi32, #tpu.memory_space<vmem>>, vector<16xi32>,
      tpu.vector_store %arg10[%swap3A], %add3A_196 {strides = array<i32>} : memref<2048xi32, #tpu.memory_space<vmem>>, vector<16xi32>,
      %scan3A_200 = arith.constant 0 : i32
      scf.yield %scan3A_200 : i32
    }
    %scan3A_33 = arith.constant 128 : i32
    %scan3A_34 = arith.constant 0 : i32
    %scan3A_35 = arith.constant 0 : i32
    %scan3A_36 = arith.constant 16 : i32
    %scan3A_37 = arith.addi %scan3A_35, %scan3A_36 : i32
    %scan3A_38 = arith.constant 1 : i32
    %scan3A_39 = scf.for %scan3A_188 = %scan3A_35 to %scan3A_37 step %scan3A_38 iter_args(%scan3A_189 = %scan3A_34) -> (i32)  : i32 {
      %mul3A_190 = arith.constant 128 : i32
      %mul3A_191 = arith.muli %scan3A_188, %mul3A_190 : i32
      %dma_start3A = tpu.memref_slice %arg10[%mul3A_191] : memref<2048xi32, #tpu.memory_space<vmem>> -> memref<128xi32, #tpu.memory_space<vmem>>
      %dma_start3A_192 = arith.constant 0 : i32
      %dma_start3A_193 = arith.constant 0 : i32
      %dma_start3A_194 = tpu.memref_slice %arg3[%dma_start3A_192, %dma_start3A_193] : memref<32768x64xf32, #tpu.memory_space<hbm>> -> memref<32768x64xf32, #tpu.memory_space<hbm>>
      tpu.enqueue_indirect_dma source(%dma_start3A_194 : memref<32768x64xf32, #tpu.memory_space<hbm>>) target(%arg11 : memref<128x64xf32, #tpu.memory_space<vmem>>) offsets(%dma_start3A : memref<128xi32, #tpu.memory_space<vmem>>) semaphore(%arg13 : memref<!tpu.dma_semaphore, #tpu.memory_space<semaphore_mem>>)
      %mul3A_195 = arith.constant 128 : i32
      %mul3A_196 = arith.muli %scan3A_188, %mul3A_195 : i32
      %dma_start3A_197 = tpu.memref_slice %arg10[%mul3A_196] : memref<2048xi32, #tpu.memory_space<vmem>> -> memref<128xi32, #tpu.memory_space<vmem>>
      %dma_start3A_198 = arith.constant 0 : i32
      %dma_start3A_199 = arith.constant 0 : i32
      %dma_start3A_200 = tpu.memref_slice %arg4[%dma_start3A_198, %dma_start3A_199] : memref<32768x64xf32, #tpu.memory_space<hbm>> -> memref<32768x64xf32, #tpu.memory_space<hbm>>
      tpu.enqueue_indirect_dma source(%dma_start3A_200 : memref<32768x64xf32, #tpu.memory_space<hbm>>) target(%arg12 : memref<128x64xf32, #tpu.memory_space<vmem>>) offsets(%dma_start3A_197 : memref<128xi32, #tpu.memory_space<vmem>>) semaphore(%arg14 : memref<!tpu.dma_semaphore, #tpu.memory_space<semaphore_mem>>)
      %dma_wait3A = tpu.memref_slice %arg10[%mul3A_191] : memref<2048xi32, #tpu.memory_space<vmem>> -> memref<128xi32, #tpu.memory_space<vmem>>
      %dma_wait3A_201 = arith.constant 0 : i32
      %dma_wait3A_202 = arith.constant 0 : i32
      %dma_wait3A_203 = tpu.memref_slice %arg3[%dma_wait3A_201, %dma_wait3A_202] : memref<32768x64xf32, #tpu.memory_space<hbm>> -> memref<32768x64xf32, #tpu.memory_space<hbm>>
      tpu.wait_indirect_dma semaphore(%arg13 : memref<!tpu.dma_semaphore, #tpu.memory_space<semaphore_mem>>) src(%dma_wait3A_203 : memref<32768x64xf32, #tpu.memory_space<hbm>>) dst(%arg11 : memref<128x64xf32, #tpu.memory_space<vmem>>)
      %dma_wait3A_204 = tpu.memref_slice %arg10[%mul3A_196] : memref<2048xi32, #tpu.memory_space<vmem>> -> memref<128xi32, #tpu.memory_space<vmem>>
      %dma_wait3A_205 = arith.constant 0 : i32
      %dma_wait3A_206 = arith.constant 0 : i32
      %dma_wait3A_207 = tpu.memref_slice %arg4[%dma_wait3A_205, %dma_wait3A_206] : memref<32768x64xf32, #tpu.memory_space<hbm>> -> memref<32768x64xf32, #tpu.memory_space<hbm>>
      tpu.wait_indirect_dma semaphore(%arg14 : memref<!tpu.dma_semaphore, #tpu.memory_space<semaphore_mem>>) src(%dma_wait3A_207 : memref<32768x64xf32, #tpu.memory_space<hbm>>) dst(%arg12 : memref<128x64xf32, #tpu.memory_space<vmem>>)
      %mul3A_208 = arith.constant 2048 : i32
      %mul3A_209 = arith.muli %add3A_4, %mul3A_208 : i32
      %mul3A_210 = arith.constant 128 : i32
      %mul3A_211 = arith.muli %scan3A_188, %mul3A_210 : i32
      %add3A_212 = arith.addi %mul3A_209, %mul3A_211 : i32
      "tpu.region"() ({
        %run_scoped3A = tpu.sem_alloc : memref<!tpu.dma_semaphore, #tpu.memory_space<semaphore_mem>>
        %dma_start3A_219 = arith.constant 0 : i32
        %dma_start3A_220 = tpu.memref_slice %arg6[%add3A_212, %dma_start3A_219] : memref<262144x64xf32, #tpu.memory_space<hbm>> -> memref<128x64xf32, #tpu.memory_space<hbm>>
        %dma_start3A_221 = arith.constant 0 : i32
        %dma_start3A_222 = tpu.memref_slice %arg6[%add3A_212, %dma_start3A_221] : memref<262144x64xf32, #tpu.memory_space<hbm>> -> memref<128x64xf32, #tpu.memory_space<hbm>>
        tpu.enqueue_dma source(%arg11 : memref<128x64xf32, #tpu.memory_space<vmem>>) target(%dma_start3A_222 : memref<128x64xf32, #tpu.memory_space<hbm>>) target_semaphore(%run_scoped3A : memref<!tpu.dma_semaphore, #tpu.memory_space<semaphore_mem>>)
        %dma_wait3A_223 = arith.constant 0 : i32
        %dma_wait3A_224 = tpu.memref_slice %arg6[%add3A_212, %dma_wait3A_223] : memref<262144x64xf32, #tpu.memory_space<hbm>> -> memref<128x64xf32, #tpu.memory_space<hbm>>
        %dma_wait3A_225 = arith.constant 0 : i32
        %dma_wait3A_226 = tpu.memref_slice %arg6[%add3A_212, %dma_wait3A_225] : memref<262144x64xf32, #tpu.memory_space<hbm>> -> memref<128x64xf32, #tpu.memory_space<hbm>>
        tpu.wait_dma2 semaphore(%run_scoped3A : memref<!tpu.dma_semaphore, #tpu.memory_space<semaphore_mem>>) src(%arg11 : memref<128x64xf32, #tpu.memory_space<vmem>>) dst(%dma_wait3A_226 : memref<128x64xf32, #tpu.memory_space<hbm>>)
        tpu.yield
      }) : () -> ()
      %mul3A_213 = arith.constant 2048 : i32
      %mul3A_214 = arith.muli %add3A_4, %mul3A_213 : i32
      %mul3A_215 = arith.constant 128 : i32
      %mul3A_216 = arith.muli %scan3A_188, %mul3A_215 : i32
      %add3A_217 = arith.addi %mul3A_214, %mul3A_216 : i32
      "tpu.region"() ({
        %run_scoped3A = tpu.sem_alloc : memref<!tpu.dma_semaphore, #tpu.memory_space<semaphore_mem>>
        %dma_start3A_219 = arith.constant 0 : i32
        %dma_start3A_220 = tpu.memref_slice %arg7[%add3A_217, %dma_start3A_219] : memref<262144x64xf32, #tpu.memory_space<hbm>> -> memref<128x64xf32, #tpu.memory_space<hbm>>
        %dma_start3A_221 = arith.constant 0 : i32
        %dma_start3A_222 = tpu.memref_slice %arg7[%add3A_217, %dma_start3A_221] : memref<262144x64xf32, #tpu.memory_space<hbm>> -> memref<128x64xf32, #tpu.memory_space<hbm>>
        tpu.enqueue_dma source(%arg12 : memref<128x64xf32, #tpu.memory_space<vmem>>) target(%dma_start3A_222 : memref<128x64xf32, #tpu.memory_space<hbm>>) target_semaphore(%run_scoped3A : memref<!tpu.dma_semaphore, #tpu.memory_space<semaphore_mem>>)
        %dma_wait3A_223 = arith.constant 0 : i32
        %dma_wait3A_224 = tpu.memref_slice %arg7[%add3A_217, %dma_wait3A_223] : memref<262144x64xf32, #tpu.memory_space<hbm>> -> memref<128x64xf32, #tpu.memory_space<hbm>>
        %dma_wait3A_225 = arith.constant 0 : i32
        %dma_wait3A_226 = tpu.memref_slice %arg7[%add3A_217, %dma_wait3A_225] : memref<262144x64xf32, #tpu.memory_space<hbm>> -> memref<128x64xf32, #tpu.memory_space<hbm>>
        tpu.wait_dma2 semaphore(%run_scoped3A : memref<!tpu.dma_semaphore, #tpu.memory_space<semaphore_mem>>) src(%arg12 : memref<128x64xf32, #tpu.memory_space<vmem>>) dst(%dma_wait3A_226 : memref<128x64xf32, #tpu.memory_space<hbm>>)
        tpu.yield
      }) : () -> ()
      %scan3A_218 = arith.constant 0 : i32
      scf.yield %scan3A_218 : i32
    }
    %scan3A_40 = arith.constant 16 : i32
    %mul3A_41 = arith.constant 4 : i32
    %mul3A_42 = arith.muli %add3A, %mul3A_41 : i32
    %add3A_43 = arith.constant 1 : i32
    %add3A_44 = arith.addi %mul3A_42, %add3A_43 : i32
    %jit3A_45 = arith.constant 8 : i32
    %div3A_46 = arith.divsi %add3A_44, %jit3A_45 : i32
    %sign3A_47 = arith.constant 0 : i32
    %sign3A_48 = arith.cmpi sgt, %add3A_44, %sign3A_47 : i32
    %sign3A_49 = arith.extui %sign3A_48 : i1 to i32
    %sign3A_50 = arith.constant 0 : i32
    %sign3A_51 = arith.cmpi slt, %add3A_44, %sign3A_50 : i32
    %sign3A_52 = arith.extui %sign3A_51 : i1 to i32
    %sign3A_53 = arith.subi %sign3A_49, %sign3A_52 : i32
    %sign3A_54 = arith.constant 0 : i32
    %sign3A_55 = arith.cmpi sgt, %jit3A_45, %sign3A_54 : i32
    %sign3A_56 = arith.extui %sign3A_55 : i1 to i32
    %sign3A_57 = arith.constant 0 : i32
    %sign3A_58 = arith.cmpi slt, %jit3A_45, %sign3A_57 : i32
    %sign3A_59 = arith.extui %sign3A_58 : i1 to i32
    %sign3A_60 = arith.subi %sign3A_56, %sign3A_59 : i32
    %ne3A_61 = arith.cmpi ne, %sign3A_53, %sign3A_60 : i32
    %rem3A_62 = arith.remsi %add3A_44, %jit3A_45 : i32
    %ne3A_63 = arith.constant 0 : i32
    %ne3A_64 = arith.cmpi ne, %rem3A_62, %ne3A_63 : i32
    %and3A_65 = arith.andi %ne3A_61, %ne3A_64 : i1
    %sub3A_66 = arith.constant 1 : i32
    %sub3A_67 = arith.subi %div3A_46, %sub3A_66 : i32
    %select_n3A_68 = arith.select %and3A_65, %sub3A_67, %div3A_46 : i32
    "tpu.region"() ({
      %run_scoped3A = tpu.sem_alloc : memref<!tpu.dma_semaphore, #tpu.memory_space<semaphore_mem>>
      %dma_start3A = arith.constant 0 : i32
      %dma_start3A_188 = tpu.memref_slice %arg2[%add3A_44, %dma_start3A] : memref<128x2048xi32, #tpu.memory_space<hbm>> -> memref<1x2048xi32, #tpu.memory_space<hbm>>
      %dma_start3A_189 = tpu.memref_squeeze %dma_start3A_188 : memref<1x2048xi32, #tpu.memory_space<hbm>> -> memref<2048xi32, #tpu.memory_space<hbm>>
      %dma_start3A_190 = arith.constant 0 : i32
      %dma_start3A_191 = tpu.memref_slice %arg2[%add3A_44, %dma_start3A_190] : memref<128x2048xi32, #tpu.memory_space<hbm>> -> memref<1x2048xi32, #tpu.memory_space<hbm>>
      %dma_start3A_192 = tpu.memref_squeeze %dma_start3A_191 : memref<1x2048xi32, #tpu.memory_space<hbm>> -> memref<2048xi32, #tpu.memory_space<hbm>>
      tpu.enqueue_dma source(%dma_start3A_192 : memref<2048xi32, #tpu.memory_space<hbm>>) target(%arg8 : memref<2048xi32, #tpu.memory_space<vmem>>) target_semaphore(%run_scoped3A : memref<!tpu.dma_semaphore, #tpu.memory_space<semaphore_mem>>)
      %dma_wait3A = arith.constant 0 : i32
      %dma_wait3A_193 = tpu.memref_slice %arg2[%add3A_44, %dma_wait3A] : memref<128x2048xi32, #tpu.memory_space<hbm>> -> memref<1x2048xi32, #tpu.memory_space<hbm>>
      %dma_wait3A_194 = tpu.memref_squeeze %dma_wait3A_193 : memref<1x2048xi32, #tpu.memory_space<hbm>> -> memref<2048xi32, #tpu.memory_space<hbm>>
      %dma_wait3A_195 = arith.constant 0 : i32
      %dma_wait3A_196 = tpu.memref_slice %arg2[%add3A_44, %dma_wait3A_195] : memref<128x2048xi32, #tpu.memory_space<hbm>> -> memref<1x2048xi32, #tpu.memory_space<hbm>>
      %dma_wait3A_197 = tpu.memref_squeeze %dma_wait3A_196 : memref<1x2048xi32, #tpu.memory_space<hbm>> -> memref<2048xi32, #tpu.memory_space<hbm>>
      tpu.wait_dma2 semaphore(%run_scoped3A : memref<!tpu.dma_semaphore, #tpu.memory_space<semaphore_mem>>) src(%dma_wait3A_197 : memref<2048xi32, #tpu.memory_space<hbm>>) dst(%arg8 : memref<2048xi32, #tpu.memory_space<vmem>>)
      tpu.yield
    }) : () -> ()
    %scan3A_69 = arith.constant 0 : i32
    %scan3A_70 = arith.constant 0 : i32
    %scan3A_71 = arith.constant 128 : i32
    %scan3A_72 = arith.addi %scan3A_70, %scan3A_71 : i32
    %scan3A_73 = arith.constant 1 : i32
    %scan3A_74 = scf.for %scan3A_188 = %scan3A_70 to %scan3A_72 step %scan3A_73 iter_args(%scan3A_189 = %scan3A_69) -> (i32)  : i32 {
      %mul3A_190 = arith.constant 16 : i32
      %mul3A_191 = arith.muli %scan3A_188, %mul3A_190 : i32
      %get3A = arith.index_cast %mul3A_191 : i32 to index
      %get3A_192 = tpu.vector_load %arg8[%get3A] {strides = array<i32>} : memref<2048xi32, #tpu.memory_space<vmem>>, vector<16xi32>,
      %mul3A_193 = arith.constant 16 : i32
      %mul3A_194 = arith.muli %scan3A_188, %mul3A_193 : i32
      %add3A_195 = vector.broadcast %mul3A_194 : i32 to vector<16xi32>
      %add3A_196 = arith.addi %iota3A, %add3A_195 : vector<16xi32>
      tpu.vector_store_idx %arg9[%get3A_192], %add3A_196 : memref<2048xi32, #tpu.memory_space<vmem>>[vector<16xi32>], vector<16xi32>,
      %scan3A_197 = arith.constant 0 : i32
      scf.yield %scan3A_197 : i32
    }
    %scan3A_75 = arith.constant 128 : i32
    "tpu.region"() ({
      %run_scoped3A = tpu.sem_alloc : memref<!tpu.dma_semaphore, #tpu.memory_space<semaphore_mem>>
      %dma_start3A = arith.constant 0 : i32
      %dma_start3A_188 = tpu.memref_slice %arg5[%add3A_44, %dma_start3A] : memref<128x2048xi32, #tpu.memory_space<hbm>> -> memref<1x2048xi32, #tpu.memory_space<hbm>>
      %dma_start3A_189 = tpu.memref_squeeze %dma_start3A_188 : memref<1x2048xi32, #tpu.memory_space<hbm>> -> memref<2048xi32, #tpu.memory_space<hbm>>
      %dma_start3A_190 = arith.constant 0 : i32
      %dma_start3A_191 = tpu.memref_slice %arg5[%add3A_44, %dma_start3A_190] : memref<128x2048xi32, #tpu.memory_space<hbm>> -> memref<1x2048xi32, #tpu.memory_space<hbm>>
      %dma_start3A_192 = tpu.memref_squeeze %dma_start3A_191 : memref<1x2048xi32, #tpu.memory_space<hbm>> -> memref<2048xi32, #tpu.memory_space<hbm>>
      tpu.enqueue_dma source(%arg9 : memref<2048xi32, #tpu.memory_space<vmem>>) target(%dma_start3A_192 : memref<2048xi32, #tpu.memory_space<hbm>>) target_semaphore(%run_scoped3A : memref<!tpu.dma_semaphore, #tpu.memory_space<semaphore_mem>>)
      %dma_wait3A = arith.constant 0 : i32
      %dma_wait3A_193 = tpu.memref_slice %arg5[%add3A_44, %dma_wait3A] : memref<128x2048xi32, #tpu.memory_space<hbm>> -> memref<1x2048xi32, #tpu.memory_space<hbm>>
      %dma_wait3A_194 = tpu.memref_squeeze %dma_wait3A_193 : memref<1x2048xi32, #tpu.memory_space<hbm>> -> memref<2048xi32, #tpu.memory_space<hbm>>
      %dma_wait3A_195 = arith.constant 0 : i32
      %dma_wait3A_196 = tpu.memref_slice %arg5[%add3A_44, %dma_wait3A_195] : memref<128x2048xi32, #tpu.memory_space<hbm>> -> memref<1x2048xi32, #tpu.memory_space<hbm>>
      %dma_wait3A_197 = tpu.memref_squeeze %dma_wait3A_196 : memref<1x2048xi32, #tpu.memory_space<hbm>> -> memref<2048xi32, #tpu.memory_space<hbm>>
      tpu.wait_dma2 semaphore(%run_scoped3A : memref<!tpu.dma_semaphore, #tpu.memory_space<semaphore_mem>>) src(%arg9 : memref<2048xi32, #tpu.memory_space<vmem>>) dst(%dma_wait3A_197 : memref<2048xi32, #tpu.memory_space<hbm>>)
      tpu.yield
    }) : () -> ()
    %scan3A_76 = arith.constant 0 : i32
    %scan3A_77 = arith.constant 0 : i32
    %scan3A_78 = arith.constant 128 : i32
    %scan3A_79 = arith.addi %scan3A_77, %scan3A_78 : i32
    %scan3A_80 = arith.constant 1 : i32
    %scan3A_81 = scf.for %scan3A_188 = %scan3A_77 to %scan3A_79 step %scan3A_80 iter_args(%scan3A_189 = %scan3A_76) -> (i32)  : i32 {
      %mul3A_190 = arith.constant 16 : i32
      %mul3A_191 = arith.muli %scan3A_188, %mul3A_190 : i32
      %get3A = arith.index_cast %mul3A_191 : i32 to index
      %get3A_192 = tpu.vector_load %arg9[%get3A] {strides = array<i32>} : memref<2048xi32, #tpu.memory_space<vmem>>, vector<16xi32>,
      %mul3A_193 = arith.constant 2048 : i32
      %mul3A_194 = arith.muli %select_n3A_68, %mul3A_193 : i32
      %add3A_195 = vector.broadcast %mul3A_194 : i32 to vector<16xi32>
      %add3A_196 = arith.addi %get3A_192, %add3A_195 : vector<16xi32>
      %mul3A_197 = arith.constant 16 : i32
      %mul3A_198 = arith.muli %scan3A_188, %mul3A_197 : i32
      %swap3A = arith.index_cast %mul3A_198 : i32 to index
      %swap3A_199 = tpu.vector_load %arg10[%swap3A] {strides = array<i32>} : memref<2048xi32, #tpu.memory_space<vmem>>, vector<16xi32>,
      tpu.vector_store %arg10[%swap3A], %add3A_196 {strides = array<i32>} : memref<2048xi32, #tpu.memory_space<vmem>>, vector<16xi32>,
      %scan3A_200 = arith.constant 0 : i32
      scf.yield %scan3A_200 : i32
    }
    %scan3A_82 = arith.constant 128 : i32
    %scan3A_83 = arith.constant 0 : i32
    %scan3A_84 = arith.constant 0 : i32
    %scan3A_85 = arith.constant 16 : i32
    %scan3A_86 = arith.addi %scan3A_84, %scan3A_85 : i32
    %scan3A_87 = arith.constant 1 : i32
    %scan3A_88 = scf.for %scan3A_188 = %scan3A_84 to %scan3A_86 step %scan3A_87 iter_args(%scan3A_189 = %scan3A_83) -> (i32)  : i32 {
      %mul3A_190 = arith.constant 128 : i32
      %mul3A_191 = arith.muli %scan3A_188, %mul3A_190 : i32
      %dma_start3A = tpu.memref_slice %arg10[%mul3A_191] : memref<2048xi32, #tpu.memory_space<vmem>> -> memref<128xi32, #tpu.memory_space<vmem>>
      %dma_start3A_192 = arith.constant 0 : i32
      %dma_start3A_193 = arith.constant 0 : i32
      %dma_start3A_194 = tpu.memref_slice %arg3[%dma_start3A_192, %dma_start3A_193] : memref<32768x64xf32, #tpu.memory_space<hbm>> -> memref<32768x64xf32, #tpu.memory_space<hbm>>
      tpu.enqueue_indirect_dma source(%dma_start3A_194 : memref<32768x64xf32, #tpu.memory_space<hbm>>) target(%arg11 : memref<128x64xf32, #tpu.memory_space<vmem>>) offsets(%dma_start3A : memref<128xi32, #tpu.memory_space<vmem>>) semaphore(%arg13 : memref<!tpu.dma_semaphore, #tpu.memory_space<semaphore_mem>>)
      %mul3A_195 = arith.constant 128 : i32
      %mul3A_196 = arith.muli %scan3A_188, %mul3A_195 : i32
      %dma_start3A_197 = tpu.memref_slice %arg10[%mul3A_196] : memref<2048xi32, #tpu.memory_space<vmem>> -> memref<128xi32, #tpu.memory_space<vmem>>
      %dma_start3A_198 = arith.constant 0 : i32
      %dma_start3A_199 = arith.constant 0 : i32
      %dma_start3A_200 = tpu.memref_slice %arg4[%dma_start3A_198, %dma_start3A_199] : memref<32768x64xf32, #tpu.memory_space<hbm>> -> memref<32768x64xf32, #tpu.memory_space<hbm>>
      tpu.enqueue_indirect_dma source(%dma_start3A_200 : memref<32768x64xf32, #tpu.memory_space<hbm>>) target(%arg12 : memref<128x64xf32, #tpu.memory_space<vmem>>) offsets(%dma_start3A_197 : memref<128xi32, #tpu.memory_space<vmem>>) semaphore(%arg14 : memref<!tpu.dma_semaphore, #tpu.memory_space<semaphore_mem>>)
      %dma_wait3A = tpu.memref_slice %arg10[%mul3A_191] : memref<2048xi32, #tpu.memory_space<vmem>> -> memref<128xi32, #tpu.memory_space<vmem>>
      %dma_wait3A_201 = arith.constant 0 : i32
      %dma_wait3A_202 = arith.constant 0 : i32
      %dma_wait3A_203 = tpu.memref_slice %arg3[%dma_wait3A_201, %dma_wait3A_202] : memref<32768x64xf32, #tpu.memory_space<hbm>> -> memref<32768x64xf32, #tpu.memory_space<hbm>>
      tpu.wait_indirect_dma semaphore(%arg13 : memref<!tpu.dma_semaphore, #tpu.memory_space<semaphore_mem>>) src(%dma_wait3A_203 : memref<32768x64xf32, #tpu.memory_space<hbm>>) dst(%arg11 : memref<128x64xf32, #tpu.memory_space<vmem>>)
      %dma_wait3A_204 = tpu.memref_slice %arg10[%mul3A_196] : memref<2048xi32, #tpu.memory_space<vmem>> -> memref<128xi32, #tpu.memory_space<vmem>>
      %dma_wait3A_205 = arith.constant 0 : i32
      %dma_wait3A_206 = arith.constant 0 : i32
      %dma_wait3A_207 = tpu.memref_slice %arg4[%dma_wait3A_205, %dma_wait3A_206] : memref<32768x64xf32, #tpu.memory_space<hbm>> -> memref<32768x64xf32, #tpu.memory_space<hbm>>
      tpu.wait_indirect_dma semaphore(%arg14 : memref<!tpu.dma_semaphore, #tpu.memory_space<semaphore_mem>>) src(%dma_wait3A_207 : memref<32768x64xf32, #tpu.memory_space<hbm>>) dst(%arg12 : memref<128x64xf32, #tpu.memory_space<vmem>>)
      %mul3A_208 = arith.constant 2048 : i32
      %mul3A_209 = arith.muli %add3A_44, %mul3A_208 : i32
      %mul3A_210 = arith.constant 128 : i32
      %mul3A_211 = arith.muli %scan3A_188, %mul3A_210 : i32
      %add3A_212 = arith.addi %mul3A_209, %mul3A_211 : i32
      "tpu.region"() ({
        %run_scoped3A = tpu.sem_alloc : memref<!tpu.dma_semaphore, #tpu.memory_space<semaphore_mem>>
        %dma_start3A_219 = arith.constant 0 : i32
        %dma_start3A_220 = tpu.memref_slice %arg6[%add3A_212, %dma_start3A_219] : memref<262144x64xf32, #tpu.memory_space<hbm>> -> memref<128x64xf32, #tpu.memory_space<hbm>>
        %dma_start3A_221 = arith.constant 0 : i32
        %dma_start3A_222 = tpu.memref_slice %arg6[%add3A_212, %dma_start3A_221] : memref<262144x64xf32, #tpu.memory_space<hbm>> -> memref<128x64xf32, #tpu.memory_space<hbm>>
        tpu.enqueue_dma source(%arg11 : memref<128x64xf32, #tpu.memory_space<vmem>>) target(%dma_start3A_222 : memref<128x64xf32, #tpu.memory_space<hbm>>) target_semaphore(%run_scoped3A : memref<!tpu.dma_semaphore, #tpu.memory_space<semaphore_mem>>)
        %dma_wait3A_223 = arith.constant 0 : i32
        %dma_wait3A_224 = tpu.memref_slice %arg6[%add3A_212, %dma_wait3A_223] : memref<262144x64xf32, #tpu.memory_space<hbm>> -> memref<128x64xf32, #tpu.memory_space<hbm>>
        %dma_wait3A_225 = arith.constant 0 : i32
        %dma_wait3A_226 = tpu.memref_slice %arg6[%add3A_212, %dma_wait3A_225] : memref<262144x64xf32, #tpu.memory_space<hbm>> -> memref<128x64xf32, #tpu.memory_space<hbm>>
        tpu.wait_dma2 semaphore(%run_scoped3A : memref<!tpu.dma_semaphore, #tpu.memory_space<semaphore_mem>>) src(%arg11 : memref<128x64xf32, #tpu.memory_space<vmem>>) dst(%dma_wait3A_226 : memref<128x64xf32, #tpu.memory_space<hbm>>)
        tpu.yield
      }) : () -> ()
      %mul3A_213 = arith.constant 2048 : i32
      %mul3A_214 = arith.muli %add3A_44, %mul3A_213 : i32
      %mul3A_215 = arith.constant 128 : i32
      %mul3A_216 = arith.muli %scan3A_188, %mul3A_215 : i32
      %add3A_217 = arith.addi %mul3A_214, %mul3A_216 : i32
      "tpu.region"() ({
        %run_scoped3A = tpu.sem_alloc : memref<!tpu.dma_semaphore, #tpu.memory_space<semaphore_mem>>
        %dma_start3A_219 = arith.constant 0 : i32
        %dma_start3A_220 = tpu.memref_slice %arg7[%add3A_217, %dma_start3A_219] : memref<262144x64xf32, #tpu.memory_space<hbm>> -> memref<128x64xf32, #tpu.memory_space<hbm>>
        %dma_start3A_221 = arith.constant 0 : i32
        %dma_start3A_222 = tpu.memref_slice %arg7[%add3A_217, %dma_start3A_221] : memref<262144x64xf32, #tpu.memory_space<hbm>> -> memref<128x64xf32, #tpu.memory_space<hbm>>
        tpu.enqueue_dma source(%arg12 : memref<128x64xf32, #tpu.memory_space<vmem>>) target(%dma_start3A_222 : memref<128x64xf32, #tpu.memory_space<hbm>>) target_semaphore(%run_scoped3A : memref<!tpu.dma_semaphore, #tpu.memory_space<semaphore_mem>>)
        %dma_wait3A_223 = arith.constant 0 : i32
        %dma_wait3A_224 = tpu.memref_slice %arg7[%add3A_217, %dma_wait3A_223] : memref<262144x64xf32, #tpu.memory_space<hbm>> -> memref<128x64xf32, #tpu.memory_space<hbm>>
        %dma_wait3A_225 = arith.constant 0 : i32
        %dma_wait3A_226 = tpu.memref_slice %arg7[%add3A_217, %dma_wait3A_225] : memref<262144x64xf32, #tpu.memory_space<hbm>> -> memref<128x64xf32, #tpu.memory_space<hbm>>
        tpu.wait_dma2 semaphore(%run_scoped3A : memref<!tpu.dma_semaphore, #tpu.memory_space<semaphore_mem>>) src(%arg12 : memref<128x64xf32, #tpu.memory_space<vmem>>) dst(%dma_wait3A_226 : memref<128x64xf32, #tpu.memory_space<hbm>>)
        tpu.yield
      }) : () -> ()
      %scan3A_218 = arith.constant 0 : i32
      scf.yield %scan3A_218 : i32
    }
    %scan3A_89 = arith.constant 16 : i32
    %mul3A_90 = arith.constant 4 : i32
    %mul3A_91 = arith.muli %add3A, %mul3A_90 : i32
    %add3A_92 = arith.constant 2 : i32
    %add3A_93 = arith.addi %mul3A_91, %add3A_92 : i32
    %jit3A_94 = arith.constant 8 : i32
    %div3A_95 = arith.divsi %add3A_93, %jit3A_94 : i32
    %sign3A_96 = arith.constant 0 : i32
    %sign3A_97 = arith.cmpi sgt, %add3A_93, %sign3A_96 : i32
    %sign3A_98 = arith.extui %sign3A_97 : i1 to i32
    %sign3A_99 = arith.constant 0 : i32
    %sign3A_100 = arith.cmpi slt, %add3A_93, %sign3A_99 : i32
    %sign3A_101 = arith.extui %sign3A_100 : i1 to i32
    %sign3A_102 = arith.subi %sign3A_98, %sign3A_101 : i32
    %sign3A_103 = arith.constant 0 : i32
    %sign3A_104 = arith.cmpi sgt, %jit3A_94, %sign3A_103 : i32
    %sign3A_105 = arith.extui %sign3A_104 : i1 to i32
    %sign3A_106 = arith.constant 0 : i32
    %sign3A_107 = arith.cmpi slt, %jit3A_94, %sign3A_106 : i32
    %sign3A_108 = arith.extui %sign3A_107 : i1 to i32
    %sign3A_109 = arith.subi %sign3A_105, %sign3A_108 : i32
    %ne3A_110 = arith.cmpi ne, %sign3A_102, %sign3A_109 : i32
    %rem3A_111 = arith.remsi %add3A_93, %jit3A_94 : i32
    %ne3A_112 = arith.constant 0 : i32
    %ne3A_113 = arith.cmpi ne, %rem3A_111, %ne3A_112 : i32
    %and3A_114 = arith.andi %ne3A_110, %ne3A_113 : i1
    %sub3A_115 = arith.constant 1 : i32
    %sub3A_116 = arith.subi %div3A_95, %sub3A_115 : i32
    %select_n3A_117 = arith.select %and3A_114, %sub3A_116, %div3A_95 : i32
    "tpu.region"() ({
      %run_scoped3A = tpu.sem_alloc : memref<!tpu.dma_semaphore, #tpu.memory_space<semaphore_mem>>
      %dma_start3A = arith.constant 0 : i32
      %dma_start3A_188 = tpu.memref_slice %arg2[%add3A_93, %dma_start3A] : memref<128x2048xi32, #tpu.memory_space<hbm>> -> memref<1x2048xi32, #tpu.memory_space<hbm>>
      %dma_start3A_189 = tpu.memref_squeeze %dma_start3A_188 : memref<1x2048xi32, #tpu.memory_space<hbm>> -> memref<2048xi32, #tpu.memory_space<hbm>>
      %dma_start3A_190 = arith.constant 0 : i32
      %dma_start3A_191 = tpu.memref_slice %arg2[%add3A_93, %dma_start3A_190] : memref<128x2048xi32, #tpu.memory_space<hbm>> -> memref<1x2048xi32, #tpu.memory_space<hbm>>
      %dma_start3A_192 = tpu.memref_squeeze %dma_start3A_191 : memref<1x2048xi32, #tpu.memory_space<hbm>> -> memref<2048xi32, #tpu.memory_space<hbm>>
      tpu.enqueue_dma source(%dma_start3A_192 : memref<2048xi32, #tpu.memory_space<hbm>>) target(%arg8 : memref<2048xi32, #tpu.memory_space<vmem>>) target_semaphore(%run_scoped3A : memref<!tpu.dma_semaphore, #tpu.memory_space<semaphore_mem>>)
      %dma_wait3A = arith.constant 0 : i32
      %dma_wait3A_193 = tpu.memref_slice %arg2[%add3A_93, %dma_wait3A] : memref<128x2048xi32, #tpu.memory_space<hbm>> -> memref<1x2048xi32, #tpu.memory_space<hbm>>
      %dma_wait3A_194 = tpu.memref_squeeze %dma_wait3A_193 : memref<1x2048xi32, #tpu.memory_space<hbm>> -> memref<2048xi32, #tpu.memory_space<hbm>>
      %dma_wait3A_195 = arith.constant 0 : i32
      %dma_wait3A_196 = tpu.memref_slice %arg2[%add3A_93, %dma_wait3A_195] : memref<128x2048xi32, #tpu.memory_space<hbm>> -> memref<1x2048xi32, #tpu.memory_space<hbm>>
      %dma_wait3A_197 = tpu.memref_squeeze %dma_wait3A_196 : memref<1x2048xi32, #tpu.memory_space<hbm>> -> memref<2048xi32, #tpu.memory_space<hbm>>
      tpu.wait_dma2 semaphore(%run_scoped3A : memref<!tpu.dma_semaphore, #tpu.memory_space<semaphore_mem>>) src(%dma_wait3A_197 : memref<2048xi32, #tpu.memory_space<hbm>>) dst(%arg8 : memref<2048xi32, #tpu.memory_space<vmem>>)
      tpu.yield
    }) : () -> ()
    %scan3A_118 = arith.constant 0 : i32
    %scan3A_119 = arith.constant 0 : i32
    %scan3A_120 = arith.constant 128 : i32
    %scan3A_121 = arith.addi %scan3A_119, %scan3A_120 : i32
    %scan3A_122 = arith.constant 1 : i32
    %scan3A_123 = scf.for %scan3A_188 = %scan3A_119 to %scan3A_121 step %scan3A_122 iter_args(%scan3A_189 = %scan3A_118) -> (i32)  : i32 {
      %mul3A_190 = arith.constant 16 : i32
      %mul3A_191 = arith.muli %scan3A_188, %mul3A_190 : i32
      %get3A = arith.index_cast %mul3A_191 : i32 to index
      %get3A_192 = tpu.vector_load %arg8[%get3A] {strides = array<i32>} : memref<2048xi32, #tpu.memory_space<vmem>>, vector<16xi32>,
      %mul3A_193 = arith.constant 16 : i32
      %mul3A_194 = arith.muli %scan3A_188, %mul3A_193 : i32
      %add3A_195 = vector.broadcast %mul3A_194 : i32 to vector<16xi32>
      %add3A_196 = arith.addi %iota3A, %add3A_195 : vector<16xi32>
      tpu.vector_store_idx %arg9[%get3A_192], %add3A_196 : memref<2048xi32, #tpu.memory_space<vmem>>[vector<16xi32>], vector<16xi32>,
      %scan3A_197 = arith.constant 0 : i32
      scf.yield %scan3A_197 : i32
    }
    %scan3A_124 = arith.constant 128 : i32
    "tpu.region"() ({
      %run_scoped3A = tpu.sem_alloc : memref<!tpu.dma_semaphore, #tpu.memory_space<semaphore_mem>>
      %dma_start3A = arith.constant 0 : i32
      %dma_start3A_188 = tpu.memref_slice %arg5[%add3A_93, %dma_start3A] : memref<128x2048xi32, #tpu.memory_space<hbm>> -> memref<1x2048xi32, #tpu.memory_space<hbm>>
      %dma_start3A_189 = tpu.memref_squeeze %dma_start3A_188 : memref<1x2048xi32, #tpu.memory_space<hbm>> -> memref<2048xi32, #tpu.memory_space<hbm>>
      %dma_start3A_190 = arith.constant 0 : i32
      %dma_start3A_191 = tpu.memref_slice %arg5[%add3A_93, %dma_start3A_190] : memref<128x2048xi32, #tpu.memory_space<hbm>> -> memref<1x2048xi32, #tpu.memory_space<hbm>>
      %dma_start3A_192 = tpu.memref_squeeze %dma_start3A_191 : memref<1x2048xi32, #tpu.memory_space<hbm>> -> memref<2048xi32, #tpu.memory_space<hbm>>
      tpu.enqueue_dma source(%arg9 : memref<2048xi32, #tpu.memory_space<vmem>>) target(%dma_start3A_192 : memref<2048xi32, #tpu.memory_space<hbm>>) target_semaphore(%run_scoped3A : memref<!tpu.dma_semaphore, #tpu.memory_space<semaphore_mem>>)
      %dma_wait3A = arith.constant 0 : i32
      %dma_wait3A_193 = tpu.memref_slice %arg5[%add3A_93, %dma_wait3A] : memref<128x2048xi32, #tpu.memory_space<hbm>> -> memref<1x2048xi32, #tpu.memory_space<hbm>>
      %dma_wait3A_194 = tpu.memref_squeeze %dma_wait3A_193 : memref<1x2048xi32, #tpu.memory_space<hbm>> -> memref<2048xi32, #tpu.memory_space<hbm>>
      %dma_wait3A_195 = arith.constant 0 : i32
      %dma_wait3A_196 = tpu.memref_slice %arg5[%add3A_93, %dma_wait3A_195] : memref<128x2048xi32, #tpu.memory_space<hbm>> -> memref<1x2048xi32, #tpu.memory_space<hbm>>
      %dma_wait3A_197 = tpu.memref_squeeze %dma_wait3A_196 : memref<1x2048xi32, #tpu.memory_space<hbm>> -> memref<2048xi32, #tpu.memory_space<hbm>>
      tpu.wait_dma2 semaphore(%run_scoped3A : memref<!tpu.dma_semaphore, #tpu.memory_space<semaphore_mem>>) src(%arg9 : memref<2048xi32, #tpu.memory_space<vmem>>) dst(%dma_wait3A_197 : memref<2048xi32, #tpu.memory_space<hbm>>)
      tpu.yield
    }) : () -> ()
    %scan3A_125 = arith.constant 0 : i32
    %scan3A_126 = arith.constant 0 : i32
    %scan3A_127 = arith.constant 128 : i32
    %scan3A_128 = arith.addi %scan3A_126, %scan3A_127 : i32
    %scan3A_129 = arith.constant 1 : i32
    %scan3A_130 = scf.for %scan3A_188 = %scan3A_126 to %scan3A_128 step %scan3A_129 iter_args(%scan3A_189 = %scan3A_125) -> (i32)  : i32 {
      %mul3A_190 = arith.constant 16 : i32
      %mul3A_191 = arith.muli %scan3A_188, %mul3A_190 : i32
      %get3A = arith.index_cast %mul3A_191 : i32 to index
      %get3A_192 = tpu.vector_load %arg9[%get3A] {strides = array<i32>} : memref<2048xi32, #tpu.memory_space<vmem>>, vector<16xi32>,
      %mul3A_193 = arith.constant 2048 : i32
      %mul3A_194 = arith.muli %select_n3A_117, %mul3A_193 : i32
      %add3A_195 = vector.broadcast %mul3A_194 : i32 to vector<16xi32>
      %add3A_196 = arith.addi %get3A_192, %add3A_195 : vector<16xi32>
      %mul3A_197 = arith.constant 16 : i32
      %mul3A_198 = arith.muli %scan3A_188, %mul3A_197 : i32
      %swap3A = arith.index_cast %mul3A_198 : i32 to index
      %swap3A_199 = tpu.vector_load %arg10[%swap3A] {strides = array<i32>} : memref<2048xi32, #tpu.memory_space<vmem>>, vector<16xi32>,
      tpu.vector_store %arg10[%swap3A], %add3A_196 {strides = array<i32>} : memref<2048xi32, #tpu.memory_space<vmem>>, vector<16xi32>,
      %scan3A_200 = arith.constant 0 : i32
      scf.yield %scan3A_200 : i32
    }
    %scan3A_131 = arith.constant 128 : i32
    %scan3A_132 = arith.constant 0 : i32
    %scan3A_133 = arith.constant 0 : i32
    %scan3A_134 = arith.constant 16 : i32
    %scan3A_135 = arith.addi %scan3A_133, %scan3A_134 : i32
    %scan3A_136 = arith.constant 1 : i32
    %scan3A_137 = scf.for %scan3A_188 = %scan3A_133 to %scan3A_135 step %scan3A_136 iter_args(%scan3A_189 = %scan3A_132) -> (i32)  : i32 {
      %mul3A_190 = arith.constant 128 : i32
      %mul3A_191 = arith.muli %scan3A_188, %mul3A_190 : i32
      %dma_start3A = tpu.memref_slice %arg10[%mul3A_191] : memref<2048xi32, #tpu.memory_space<vmem>> -> memref<128xi32, #tpu.memory_space<vmem>>
      %dma_start3A_192 = arith.constant 0 : i32
      %dma_start3A_193 = arith.constant 0 : i32
      %dma_start3A_194 = tpu.memref_slice %arg3[%dma_start3A_192, %dma_start3A_193] : memref<32768x64xf32, #tpu.memory_space<hbm>> -> memref<32768x64xf32, #tpu.memory_space<hbm>>
      tpu.enqueue_indirect_dma source(%dma_start3A_194 : memref<32768x64xf32, #tpu.memory_space<hbm>>) target(%arg11 : memref<128x64xf32, #tpu.memory_space<vmem>>) offsets(%dma_start3A : memref<128xi32, #tpu.memory_space<vmem>>) semaphore(%arg13 : memref<!tpu.dma_semaphore, #tpu.memory_space<semaphore_mem>>)
      %mul3A_195 = arith.constant 128 : i32
      %mul3A_196 = arith.muli %scan3A_188, %mul3A_195 : i32
      %dma_start3A_197 = tpu.memref_slice %arg10[%mul3A_196] : memref<2048xi32, #tpu.memory_space<vmem>> -> memref<128xi32, #tpu.memory_space<vmem>>
      %dma_start3A_198 = arith.constant 0 : i32
      %dma_start3A_199 = arith.constant 0 : i32
      %dma_start3A_200 = tpu.memref_slice %arg4[%dma_start3A_198, %dma_start3A_199] : memref<32768x64xf32, #tpu.memory_space<hbm>> -> memref<32768x64xf32, #tpu.memory_space<hbm>>
      tpu.enqueue_indirect_dma source(%dma_start3A_200 : memref<32768x64xf32, #tpu.memory_space<hbm>>) target(%arg12 : memref<128x64xf32, #tpu.memory_space<vmem>>) offsets(%dma_start3A_197 : memref<128xi32, #tpu.memory_space<vmem>>) semaphore(%arg14 : memref<!tpu.dma_semaphore, #tpu.memory_space<semaphore_mem>>)
      %dma_wait3A = tpu.memref_slice %arg10[%mul3A_191] : memref<2048xi32, #tpu.memory_space<vmem>> -> memref<128xi32, #tpu.memory_space<vmem>>
      %dma_wait3A_201 = arith.constant 0 : i32
      %dma_wait3A_202 = arith.constant 0 : i32
      %dma_wait3A_203 = tpu.memref_slice %arg3[%dma_wait3A_201, %dma_wait3A_202] : memref<32768x64xf32, #tpu.memory_space<hbm>> -> memref<32768x64xf32, #tpu.memory_space<hbm>>
      tpu.wait_indirect_dma semaphore(%arg13 : memref<!tpu.dma_semaphore, #tpu.memory_space<semaphore_mem>>) src(%dma_wait3A_203 : memref<32768x64xf32, #tpu.memory_space<hbm>>) dst(%arg11 : memref<128x64xf32, #tpu.memory_space<vmem>>)
      %dma_wait3A_204 = tpu.memref_slice %arg10[%mul3A_196] : memref<2048xi32, #tpu.memory_space<vmem>> -> memref<128xi32, #tpu.memory_space<vmem>>
      %dma_wait3A_205 = arith.constant 0 : i32
      %dma_wait3A_206 = arith.constant 0 : i32
      %dma_wait3A_207 = tpu.memref_slice %arg4[%dma_wait3A_205, %dma_wait3A_206] : memref<32768x64xf32, #tpu.memory_space<hbm>> -> memref<32768x64xf32, #tpu.memory_space<hbm>>
      tpu.wait_indirect_dma semaphore(%arg14 : memref<!tpu.dma_semaphore, #tpu.memory_space<semaphore_mem>>) src(%dma_wait3A_207 : memref<32768x64xf32, #tpu.memory_space<hbm>>) dst(%arg12 : memref<128x64xf32, #tpu.memory_space<vmem>>)
      %mul3A_208 = arith.constant 2048 : i32
      %mul3A_209 = arith.muli %add3A_93, %mul3A_208 : i32
      %mul3A_210 = arith.constant 128 : i32
      %mul3A_211 = arith.muli %scan3A_188, %mul3A_210 : i32
      %add3A_212 = arith.addi %mul3A_209, %mul3A_211 : i32
      "tpu.region"() ({
        %run_scoped3A = tpu.sem_alloc : memref<!tpu.dma_semaphore, #tpu.memory_space<semaphore_mem>>
        %dma_start3A_219 = arith.constant 0 : i32
        %dma_start3A_220 = tpu.memref_slice %arg6[%add3A_212, %dma_start3A_219] : memref<262144x64xf32, #tpu.memory_space<hbm>> -> memref<128x64xf32, #tpu.memory_space<hbm>>
        %dma_start3A_221 = arith.constant 0 : i32
        %dma_start3A_222 = tpu.memref_slice %arg6[%add3A_212, %dma_start3A_221] : memref<262144x64xf32, #tpu.memory_space<hbm>> -> memref<128x64xf32, #tpu.memory_space<hbm>>
        tpu.enqueue_dma source(%arg11 : memref<128x64xf32, #tpu.memory_space<vmem>>) target(%dma_start3A_222 : memref<128x64xf32, #tpu.memory_space<hbm>>) target_semaphore(%run_scoped3A : memref<!tpu.dma_semaphore, #tpu.memory_space<semaphore_mem>>)
        %dma_wait3A_223 = arith.constant 0 : i32
        %dma_wait3A_224 = tpu.memref_slice %arg6[%add3A_212, %dma_wait3A_223] : memref<262144x64xf32, #tpu.memory_space<hbm>> -> memref<128x64xf32, #tpu.memory_space<hbm>>
        %dma_wait3A_225 = arith.constant 0 : i32
        %dma_wait3A_226 = tpu.memref_slice %arg6[%add3A_212, %dma_wait3A_225] : memref<262144x64xf32, #tpu.memory_space<hbm>> -> memref<128x64xf32, #tpu.memory_space<hbm>>
        tpu.wait_dma2 semaphore(%run_scoped3A : memref<!tpu.dma_semaphore, #tpu.memory_space<semaphore_mem>>) src(%arg11 : memref<128x64xf32, #tpu.memory_space<vmem>>) dst(%dma_wait3A_226 : memref<128x64xf32, #tpu.memory_space<hbm>>)
        tpu.yield
      }) : () -> ()
      %mul3A_213 = arith.constant 2048 : i32
      %mul3A_214 = arith.muli %add3A_93, %mul3A_213 : i32
      %mul3A_215 = arith.constant 128 : i32
      %mul3A_216 = arith.muli %scan3A_188, %mul3A_215 : i32
      %add3A_217 = arith.addi %mul3A_214, %mul3A_216 : i32
      "tpu.region"() ({
        %run_scoped3A = tpu.sem_alloc : memref<!tpu.dma_semaphore, #tpu.memory_space<semaphore_mem>>
        %dma_start3A_219 = arith.constant 0 : i32
        %dma_start3A_220 = tpu.memref_slice %arg7[%add3A_217, %dma_start3A_219] : memref<262144x64xf32, #tpu.memory_space<hbm>> -> memref<128x64xf32, #tpu.memory_space<hbm>>
        %dma_start3A_221 = arith.constant 0 : i32
        %dma_start3A_222 = tpu.memref_slice %arg7[%add3A_217, %dma_start3A_221] : memref<262144x64xf32, #tpu.memory_space<hbm>> -> memref<128x64xf32, #tpu.memory_space<hbm>>
        tpu.enqueue_dma source(%arg12 : memref<128x64xf32, #tpu.memory_space<vmem>>) target(%dma_start3A_222 : memref<128x64xf32, #tpu.memory_space<hbm>>) target_semaphore(%run_scoped3A : memref<!tpu.dma_semaphore, #tpu.memory_space<semaphore_mem>>)
        %dma_wait3A_223 = arith.constant 0 : i32
        %dma_wait3A_224 = tpu.memref_slice %arg7[%add3A_217, %dma_wait3A_223] : memref<262144x64xf32, #tpu.memory_space<hbm>> -> memref<128x64xf32, #tpu.memory_space<hbm>>
        %dma_wait3A_225 = arith.constant 0 : i32
        %dma_wait3A_226 = tpu.memref_slice %arg7[%add3A_217, %dma_wait3A_225] : memref<262144x64xf32, #tpu.memory_space<hbm>> -> memref<128x64xf32, #tpu.memory_space<hbm>>
        tpu.wait_dma2 semaphore(%run_scoped3A : memref<!tpu.dma_semaphore, #tpu.memory_space<semaphore_mem>>) src(%arg12 : memref<128x64xf32, #tpu.memory_space<vmem>>) dst(%dma_wait3A_226 : memref<128x64xf32, #tpu.memory_space<hbm>>)
        tpu.yield
      }) : () -> ()
      %scan3A_218 = arith.constant 0 : i32
      scf.yield %scan3A_218 : i32
    }
    %scan3A_138 = arith.constant 16 : i32
    %mul3A_139 = arith.constant 4 : i32
    %mul3A_140 = arith.muli %add3A, %mul3A_139 : i32
    %add3A_141 = arith.constant 3 : i32
    %add3A_142 = arith.addi %mul3A_140, %add3A_141 : i32
    %jit3A_143 = arith.constant 8 : i32
    %div3A_144 = arith.divsi %add3A_142, %jit3A_143 : i32
    %sign3A_145 = arith.constant 0 : i32
    %sign3A_146 = arith.cmpi sgt, %add3A_142, %sign3A_145 : i32
    %sign3A_147 = arith.extui %sign3A_146 : i1 to i32
    %sign3A_148 = arith.constant 0 : i32
    %sign3A_149 = arith.cmpi slt, %add3A_142, %sign3A_148 : i32
    %sign3A_150 = arith.extui %sign3A_149 : i1 to i32
    %sign3A_151 = arith.subi %sign3A_147, %sign3A_150 : i32
    %sign3A_152 = arith.constant 0 : i32
    %sign3A_153 = arith.cmpi sgt, %jit3A_143, %sign3A_152 : i32
    %sign3A_154 = arith.extui %sign3A_153 : i1 to i32
    %sign3A_155 = arith.constant 0 : i32
    %sign3A_156 = arith.cmpi slt, %jit3A_143, %sign3A_155 : i32
    %sign3A_157 = arith.extui %sign3A_156 : i1 to i32
    %sign3A_158 = arith.subi %sign3A_154, %sign3A_157 : i32
    %ne3A_159 = arith.cmpi ne, %sign3A_151, %sign3A_158 : i32
    %rem3A_160 = arith.remsi %add3A_142, %jit3A_143 : i32
    %ne3A_161 = arith.constant 0 : i32
    %ne3A_162 = arith.cmpi ne, %rem3A_160, %ne3A_161 : i32
    %and3A_163 = arith.andi %ne3A_159, %ne3A_162 : i1
    %sub3A_164 = arith.constant 1 : i32
    %sub3A_165 = arith.subi %div3A_144, %sub3A_164 : i32
    %select_n3A_166 = arith.select %and3A_163, %sub3A_165, %div3A_144 : i32
    "tpu.region"() ({
      %run_scoped3A = tpu.sem_alloc : memref<!tpu.dma_semaphore, #tpu.memory_space<semaphore_mem>>
      %dma_start3A = arith.constant 0 : i32
      %dma_start3A_188 = tpu.memref_slice %arg2[%add3A_142, %dma_start3A] : memref<128x2048xi32, #tpu.memory_space<hbm>> -> memref<1x2048xi32, #tpu.memory_space<hbm>>
      %dma_start3A_189 = tpu.memref_squeeze %dma_start3A_188 : memref<1x2048xi32, #tpu.memory_space<hbm>> -> memref<2048xi32, #tpu.memory_space<hbm>>
      %dma_start3A_190 = arith.constant 0 : i32
      %dma_start3A_191 = tpu.memref_slice %arg2[%add3A_142, %dma_start3A_190] : memref<128x2048xi32, #tpu.memory_space<hbm>> -> memref<1x2048xi32, #tpu.memory_space<hbm>>
      %dma_start3A_192 = tpu.memref_squeeze %dma_start3A_191 : memref<1x2048xi32, #tpu.memory_space<hbm>> -> memref<2048xi32, #tpu.memory_space<hbm>>
      tpu.enqueue_dma source(%dma_start3A_192 : memref<2048xi32, #tpu.memory_space<hbm>>) target(%arg8 : memref<2048xi32, #tpu.memory_space<vmem>>) target_semaphore(%run_scoped3A : memref<!tpu.dma_semaphore, #tpu.memory_space<semaphore_mem>>)
      %dma_wait3A = arith.constant 0 : i32
      %dma_wait3A_193 = tpu.memref_slice %arg2[%add3A_142, %dma_wait3A] : memref<128x2048xi32, #tpu.memory_space<hbm>> -> memref<1x2048xi32, #tpu.memory_space<hbm>>
      %dma_wait3A_194 = tpu.memref_squeeze %dma_wait3A_193 : memref<1x2048xi32, #tpu.memory_space<hbm>> -> memref<2048xi32, #tpu.memory_space<hbm>>
      %dma_wait3A_195 = arith.constant 0 : i32
      %dma_wait3A_196 = tpu.memref_slice %arg2[%add3A_142, %dma_wait3A_195] : memref<128x2048xi32, #tpu.memory_space<hbm>> -> memref<1x2048xi32, #tpu.memory_space<hbm>>
      %dma_wait3A_197 = tpu.memref_squeeze %dma_wait3A_196 : memref<1x2048xi32, #tpu.memory_space<hbm>> -> memref<2048xi32, #tpu.memory_space<hbm>>
      tpu.wait_dma2 semaphore(%run_scoped3A : memref<!tpu.dma_semaphore, #tpu.memory_space<semaphore_mem>>) src(%dma_wait3A_197 : memref<2048xi32, #tpu.memory_space<hbm>>) dst(%arg8 : memref<2048xi32, #tpu.memory_space<vmem>>)
      tpu.yield
    }) : () -> ()
    %scan3A_167 = arith.constant 0 : i32
    %scan3A_168 = arith.constant 0 : i32
    %scan3A_169 = arith.constant 128 : i32
    %scan3A_170 = arith.addi %scan3A_168, %scan3A_169 : i32
    %scan3A_171 = arith.constant 1 : i32
    %scan3A_172 = scf.for %scan3A_188 = %scan3A_168 to %scan3A_170 step %scan3A_171 iter_args(%scan3A_189 = %scan3A_167) -> (i32)  : i32 {
      %mul3A_190 = arith.constant 16 : i32
      %mul3A_191 = arith.muli %scan3A_188, %mul3A_190 : i32
      %get3A = arith.index_cast %mul3A_191 : i32 to index
      %get3A_192 = tpu.vector_load %arg8[%get3A] {strides = array<i32>} : memref<2048xi32, #tpu.memory_space<vmem>>, vector<16xi32>,
      %mul3A_193 = arith.constant 16 : i32
      %mul3A_194 = arith.muli %scan3A_188, %mul3A_193 : i32
      %add3A_195 = vector.broadcast %mul3A_194 : i32 to vector<16xi32>
      %add3A_196 = arith.addi %iota3A, %add3A_195 : vector<16xi32>
      tpu.vector_store_idx %arg9[%get3A_192], %add3A_196 : memref<2048xi32, #tpu.memory_space<vmem>>[vector<16xi32>], vector<16xi32>,
      %scan3A_197 = arith.constant 0 : i32
      scf.yield %scan3A_197 : i32
    }
    %scan3A_173 = arith.constant 128 : i32
    "tpu.region"() ({
      %run_scoped3A = tpu.sem_alloc : memref<!tpu.dma_semaphore, #tpu.memory_space<semaphore_mem>>
      %dma_start3A = arith.constant 0 : i32
      %dma_start3A_188 = tpu.memref_slice %arg5[%add3A_142, %dma_start3A] : memref<128x2048xi32, #tpu.memory_space<hbm>> -> memref<1x2048xi32, #tpu.memory_space<hbm>>
      %dma_start3A_189 = tpu.memref_squeeze %dma_start3A_188 : memref<1x2048xi32, #tpu.memory_space<hbm>> -> memref<2048xi32, #tpu.memory_space<hbm>>
      %dma_start3A_190 = arith.constant 0 : i32
      %dma_start3A_191 = tpu.memref_slice %arg5[%add3A_142, %dma_start3A_190] : memref<128x2048xi32, #tpu.memory_space<hbm>> -> memref<1x2048xi32, #tpu.memory_space<hbm>>
      %dma_start3A_192 = tpu.memref_squeeze %dma_start3A_191 : memref<1x2048xi32, #tpu.memory_space<hbm>> -> memref<2048xi32, #tpu.memory_space<hbm>>
      tpu.enqueue_dma source(%arg9 : memref<2048xi32, #tpu.memory_space<vmem>>) target(%dma_start3A_192 : memref<2048xi32, #tpu.memory_space<hbm>>) target_semaphore(%run_scoped3A : memref<!tpu.dma_semaphore, #tpu.memory_space<semaphore_mem>>)
      %dma_wait3A = arith.constant 0 : i32
      %dma_wait3A_193 = tpu.memref_slice %arg5[%add3A_142, %dma_wait3A] : memref<128x2048xi32, #tpu.memory_space<hbm>> -> memref<1x2048xi32, #tpu.memory_space<hbm>>
      %dma_wait3A_194 = tpu.memref_squeeze %dma_wait3A_193 : memref<1x2048xi32, #tpu.memory_space<hbm>> -> memref<2048xi32, #tpu.memory_space<hbm>>
      %dma_wait3A_195 = arith.constant 0 : i32
      %dma_wait3A_196 = tpu.memref_slice %arg5[%add3A_142, %dma_wait3A_195] : memref<128x2048xi32, #tpu.memory_space<hbm>> -> memref<1x2048xi32, #tpu.memory_space<hbm>>
      %dma_wait3A_197 = tpu.memref_squeeze %dma_wait3A_196 : memref<1x2048xi32, #tpu.memory_space<hbm>> -> memref<2048xi32, #tpu.memory_space<hbm>>
      tpu.wait_dma2 semaphore(%run_scoped3A : memref<!tpu.dma_semaphore, #tpu.memory_space<semaphore_mem>>) src(%arg9 : memref<2048xi32, #tpu.memory_space<vmem>>) dst(%dma_wait3A_197 : memref<2048xi32, #tpu.memory_space<hbm>>)
      tpu.yield
    }) : () -> ()
    %scan3A_174 = arith.constant 0 : i32
    %scan3A_175 = arith.constant 0 : i32
    %scan3A_176 = arith.constant 128 : i32
    %scan3A_177 = arith.addi %scan3A_175, %scan3A_176 : i32
    %scan3A_178 = arith.constant 1 : i32
    %scan3A_179 = scf.for %scan3A_188 = %scan3A_175 to %scan3A_177 step %scan3A_178 iter_args(%scan3A_189 = %scan3A_174) -> (i32)  : i32 {
      %mul3A_190 = arith.constant 16 : i32
      %mul3A_191 = arith.muli %scan3A_188, %mul3A_190 : i32
      %get3A = arith.index_cast %mul3A_191 : i32 to index
      %get3A_192 = tpu.vector_load %arg9[%get3A] {strides = array<i32>} : memref<2048xi32, #tpu.memory_space<vmem>>, vector<16xi32>,
      %mul3A_193 = arith.constant 2048 : i32
      %mul3A_194 = arith.muli %select_n3A_166, %mul3A_193 : i32
      %add3A_195 = vector.broadcast %mul3A_194 : i32 to vector<16xi32>
      %add3A_196 = arith.addi %get3A_192, %add3A_195 : vector<16xi32>
      %mul3A_197 = arith.constant 16 : i32
      %mul3A_198 = arith.muli %scan3A_188, %mul3A_197 : i32
      %swap3A = arith.index_cast %mul3A_198 : i32 to index
      %swap3A_199 = tpu.vector_load %arg10[%swap3A] {strides = array<i32>} : memref<2048xi32, #tpu.memory_space<vmem>>, vector<16xi32>,
      tpu.vector_store %arg10[%swap3A], %add3A_196 {strides = array<i32>} : memref<2048xi32, #tpu.memory_space<vmem>>, vector<16xi32>,
      %scan3A_200 = arith.constant 0 : i32
      scf.yield %scan3A_200 : i32
    }
    %scan3A_180 = arith.constant 128 : i32
    %scan3A_181 = arith.constant 0 : i32
    %scan3A_182 = arith.constant 0 : i32
    %scan3A_183 = arith.constant 16 : i32
    %scan3A_184 = arith.addi %scan3A_182, %scan3A_183 : i32
    %scan3A_185 = arith.constant 1 : i32
    %scan3A_186 = scf.for %scan3A_188 = %scan3A_182 to %scan3A_184 step %scan3A_185 iter_args(%scan3A_189 = %scan3A_181) -> (i32)  : i32 {
      %mul3A_190 = arith.constant 128 : i32
      %mul3A_191 = arith.muli %scan3A_188, %mul3A_190 : i32
      %dma_start3A = tpu.memref_slice %arg10[%mul3A_191] : memref<2048xi32, #tpu.memory_space<vmem>> -> memref<128xi32, #tpu.memory_space<vmem>>
      %dma_start3A_192 = arith.constant 0 : i32
      %dma_start3A_193 = arith.constant 0 : i32
      %dma_start3A_194 = tpu.memref_slice %arg3[%dma_start3A_192, %dma_start3A_193] : memref<32768x64xf32, #tpu.memory_space<hbm>> -> memref<32768x64xf32, #tpu.memory_space<hbm>>
      tpu.enqueue_indirect_dma source(%dma_start3A_194 : memref<32768x64xf32, #tpu.memory_space<hbm>>) target(%arg11 : memref<128x64xf32, #tpu.memory_space<vmem>>) offsets(%dma_start3A : memref<128xi32, #tpu.memory_space<vmem>>) semaphore(%arg13 : memref<!tpu.dma_semaphore, #tpu.memory_space<semaphore_mem>>)
      %mul3A_195 = arith.constant 128 : i32
      %mul3A_196 = arith.muli %scan3A_188, %mul3A_195 : i32
      %dma_start3A_197 = tpu.memref_slice %arg10[%mul3A_196] : memref<2048xi32, #tpu.memory_space<vmem>> -> memref<128xi32, #tpu.memory_space<vmem>>
      %dma_start3A_198 = arith.constant 0 : i32
      %dma_start3A_199 = arith.constant 0 : i32
      %dma_start3A_200 = tpu.memref_slice %arg4[%dma_start3A_198, %dma_start3A_199] : memref<32768x64xf32, #tpu.memory_space<hbm>> -> memref<32768x64xf32, #tpu.memory_space<hbm>>
      tpu.enqueue_indirect_dma source(%dma_start3A_200 : memref<32768x64xf32, #tpu.memory_space<hbm>>) target(%arg12 : memref<128x64xf32, #tpu.memory_space<vmem>>) offsets(%dma_start3A_197 : memref<128xi32, #tpu.memory_space<vmem>>) semaphore(%arg14 : memref<!tpu.dma_semaphore, #tpu.memory_space<semaphore_mem>>)
      %dma_wait3A = tpu.memref_slice %arg10[%mul3A_191] : memref<2048xi32, #tpu.memory_space<vmem>> -> memref<128xi32, #tpu.memory_space<vmem>>
      %dma_wait3A_201 = arith.constant 0 : i32
      %dma_wait3A_202 = arith.constant 0 : i32
      %dma_wait3A_203 = tpu.memref_slice %arg3[%dma_wait3A_201, %dma_wait3A_202] : memref<32768x64xf32, #tpu.memory_space<hbm>> -> memref<32768x64xf32, #tpu.memory_space<hbm>>
      tpu.wait_indirect_dma semaphore(%arg13 : memref<!tpu.dma_semaphore, #tpu.memory_space<semaphore_mem>>) src(%dma_wait3A_203 : memref<32768x64xf32, #tpu.memory_space<hbm>>) dst(%arg11 : memref<128x64xf32, #tpu.memory_space<vmem>>)
      %dma_wait3A_204 = tpu.memref_slice %arg10[%mul3A_196] : memref<2048xi32, #tpu.memory_space<vmem>> -> memref<128xi32, #tpu.memory_space<vmem>>
      %dma_wait3A_205 = arith.constant 0 : i32
      %dma_wait3A_206 = arith.constant 0 : i32
      %dma_wait3A_207 = tpu.memref_slice %arg4[%dma_wait3A_205, %dma_wait3A_206] : memref<32768x64xf32, #tpu.memory_space<hbm>> -> memref<32768x64xf32, #tpu.memory_space<hbm>>
      tpu.wait_indirect_dma semaphore(%arg14 : memref<!tpu.dma_semaphore, #tpu.memory_space<semaphore_mem>>) src(%dma_wait3A_207 : memref<32768x64xf32, #tpu.memory_space<hbm>>) dst(%arg12 : memref<128x64xf32, #tpu.memory_space<vmem>>)
      %mul3A_208 = arith.constant 2048 : i32
      %mul3A_209 = arith.muli %add3A_142, %mul3A_208 : i32
      %mul3A_210 = arith.constant 128 : i32
      %mul3A_211 = arith.muli %scan3A_188, %mul3A_210 : i32
      %add3A_212 = arith.addi %mul3A_209, %mul3A_211 : i32
      "tpu.region"() ({
        %run_scoped3A = tpu.sem_alloc : memref<!tpu.dma_semaphore, #tpu.memory_space<semaphore_mem>>
        %dma_start3A_219 = arith.constant 0 : i32
        %dma_start3A_220 = tpu.memref_slice %arg6[%add3A_212, %dma_start3A_219] : memref<262144x64xf32, #tpu.memory_space<hbm>> -> memref<128x64xf32, #tpu.memory_space<hbm>>
        %dma_start3A_221 = arith.constant 0 : i32
        %dma_start3A_222 = tpu.memref_slice %arg6[%add3A_212, %dma_start3A_221] : memref<262144x64xf32, #tpu.memory_space<hbm>> -> memref<128x64xf32, #tpu.memory_space<hbm>>
        tpu.enqueue_dma source(%arg11 : memref<128x64xf32, #tpu.memory_space<vmem>>) target(%dma_start3A_222 : memref<128x64xf32, #tpu.memory_space<hbm>>) target_semaphore(%run_scoped3A : memref<!tpu.dma_semaphore, #tpu.memory_space<semaphore_mem>>)
        %dma_wait3A_223 = arith.constant 0 : i32
        %dma_wait3A_224 = tpu.memref_slice %arg6[%add3A_212, %dma_wait3A_223] : memref<262144x64xf32, #tpu.memory_space<hbm>> -> memref<128x64xf32, #tpu.memory_space<hbm>>
        %dma_wait3A_225 = arith.constant 0 : i32
        %dma_wait3A_226 = tpu.memref_slice %arg6[%add3A_212, %dma_wait3A_225] : memref<262144x64xf32, #tpu.memory_space<hbm>> -> memref<128x64xf32, #tpu.memory_space<hbm>>
        tpu.wait_dma2 semaphore(%run_scoped3A : memref<!tpu.dma_semaphore, #tpu.memory_space<semaphore_mem>>) src(%arg11 : memref<128x64xf32, #tpu.memory_space<vmem>>) dst(%dma_wait3A_226 : memref<128x64xf32, #tpu.memory_space<hbm>>)
        tpu.yield
      }) : () -> ()
      %mul3A_213 = arith.constant 2048 : i32
      %mul3A_214 = arith.muli %add3A_142, %mul3A_213 : i32
      %mul3A_215 = arith.constant 128 : i32
      %mul3A_216 = arith.muli %scan3A_188, %mul3A_215 : i32
      %add3A_217 = arith.addi %mul3A_214, %mul3A_216 : i32
      "tpu.region"() ({
        %run_scoped3A = tpu.sem_alloc : memref<!tpu.dma_semaphore, #tpu.memory_space<semaphore_mem>>
        %dma_start3A_219 = arith.constant 0 : i32
        %dma_start3A_220 = tpu.memref_slice %arg7[%add3A_217, %dma_start3A_219] : memref<262144x64xf32, #tpu.memory_space<hbm>> -> memref<128x64xf32, #tpu.memory_space<hbm>>
        %dma_start3A_221 = arith.constant 0 : i32
        %dma_start3A_222 = tpu.memref_slice %arg7[%add3A_217, %dma_start3A_221] : memref<262144x64xf32, #tpu.memory_space<hbm>> -> memref<128x64xf32, #tpu.memory_space<hbm>>
        tpu.enqueue_dma source(%arg12 : memref<128x64xf32, #tpu.memory_space<vmem>>) target(%dma_start3A_222 : memref<128x64xf32, #tpu.memory_space<hbm>>) target_semaphore(%run_scoped3A : memref<!tpu.dma_semaphore, #tpu.memory_space<semaphore_mem>>)
        %dma_wait3A_223 = arith.constant 0 : i32
        %dma_wait3A_224 = tpu.memref_slice %arg7[%add3A_217, %dma_wait3A_223] : memref<262144x64xf32, #tpu.memory_space<hbm>> -> memref<128x64xf32, #tpu.memory_space<hbm>>
        %dma_wait3A_225 = arith.constant 0 : i32
        %dma_wait3A_226 = tpu.memref_slice %arg7[%add3A_217, %dma_wait3A_225] : memref<262144x64xf32, #tpu.memory_space<hbm>> -> memref<128x64xf32, #tpu.memory_space<hbm>>
        tpu.wait_dma2 semaphore(%run_scoped3A : memref<!tpu.dma_semaphore, #tpu.memory_space<semaphore_mem>>) src(%arg12 : memref<128x64xf32, #tpu.memory_space<vmem>>) dst(%dma_wait3A_226 : memref<128x64xf32, #tpu.memory_space<hbm>>)
        tpu.yield
      }) : () -> ()
      %scan3A_218 = arith.constant 0 : i32
      scf.yield %scan3A_218 : i32
    }
    %scan3A_187 = arith.constant 16 : i32
    return
  }
}

module attributes {stable_mosaic.version = 14 : i64} {
  func.func @_hash_sort_kernel(%arg0: i32, %arg1: memref<1x2048x64xf32, #tpu.memory_space<vmem>>, %arg2: memref<64x128xf32, #tpu.memory_space<vmem>>, %arg3: memref<1x8x2048xi32, #tpu.memory_space<vmem>>) attributes {dimension_semantics = [#tpu.dimension_semantics<arbitrary>], iteration_bounds = array<i64: 16>, scalar_prefetch = 0 : i64, scratch_operands = 0 : i64, tpu.core_type = #tpu.core_type<tc>, window_params = [{transform_indices = @transform_0, window_bounds = array<i64: 1, 2048, 64>}, {pipeline_mode = #tpu.pipeline_mode<synchronous>, transform_indices = @transform_1, window_bounds = array<i64: 64, 128>}, {transform_indices = @transform_2, window_bounds = array<i64: 1, 8, 2048>}]} {
    %get3A = arith.constant 0 : index
    %get3A_0 = arith.constant 0 : index
    %get3A_1 = arith.constant 0 : index
    %get3A_2 = vector.load %arg1[%get3A, %get3A_0, %get3A_1] : memref<1x2048x64xf32, #tpu.memory_space<vmem>>, vector<1x2048x64xf32>
    %get3A_3 = vector.shape_cast %get3A_2 : vector<1x2048x64xf32> to vector<2048x64xf32>
    %get3A_4 = arith.constant 0 : index
    %get3A_5 = arith.constant 0 : index
    %get3A_6 = vector.load %arg2[%get3A_4, %get3A_5] : memref<64x128xf32, #tpu.memory_space<vmem>>, vector<64x128xf32>
    %dot_general3A = arith.constant dense<0.000000e+00> : vector<2048x128xf32>
    %dot_general3A_7 = tpu.matmul %get3A_3, %get3A_6, %dot_general3A {dimension_numbers = #tpu.dot_dimension_numbers<[1], [0], [0], [1], [0, 0, 1, 1], [], []>, transpose_lhs_hint = false} : vector<2048x64xf32>, vector<64x128xf32>, vector<2048x128xf32> -> vector<2048x128xf32>
    %iota3A = tpu.iota {dimensions = array<i32: 0>} : vector<128x128xi32>
    %iota3A_8 = tpu.iota {dimensions = array<i32: 1>} : vector<128x128xi32>
    %le3A = arith.cmpi sle, %iota3A_8, %iota3A : vector<128x128xi32>
    %convert_element_type3A = arith.extui %le3A : vector<128x128xi1> to vector<128x128xi32>
    %convert_element_type3A_9 = arith.sitofp %convert_element_type3A : vector<128x128xi32> to vector<128x128xf32>
    %iota3A_10 = tpu.iota {dimensions = array<i32: 0>} : vector<16x16xi32>
    %iota3A_11 = tpu.iota {dimensions = array<i32: 1>} : vector<16x16xi32>
    %lt3A = arith.cmpi slt, %iota3A_11, %iota3A_10 : vector<16x16xi32>
    %convert_element_type3A_12 = arith.extui %lt3A : vector<16x16xi1> to vector<16x16xi32>
    %convert_element_type3A_13 = arith.sitofp %convert_element_type3A_12 : vector<16x16xi32> to vector<16x16xf32>
    %iota3A_14 = tpu.iota {dimensions = array<i32: 0>} : vector<32x32xi32>
    %iota3A_15 = tpu.iota {dimensions = array<i32: 1>} : vector<32x32xi32>
    %lt3A_16 = arith.cmpi slt, %iota3A_15, %iota3A_14 : vector<32x32xi32>
    %convert_element_type3A_17 = arith.extui %lt3A_16 : vector<32x32xi1> to vector<32x32xi32>
    %convert_element_type3A_18 = arith.sitofp %convert_element_type3A_17 : vector<32x32xi32> to vector<32x32xf32>
    %iota3A_19 = tpu.iota {dimensions = array<i32: 1>} : vector<2048x32xi32>
    %slice3A = vector.extract_strided_slice %dot_general3A_7 {offsets = [0, 0], sizes = [2048, 16], strides = [1, 1]} : vector<2048x128xf32> to vector<2048x16xf32>
    %neg3A = arith.constant 0.000000e+00 : f32
    %neg3A_20 = vector.broadcast %neg3A : f32 to vector<2048x16xf32>
    %neg3A_21 = arith.subf %neg3A_20, %slice3A : vector<2048x16xf32>
    %concatenate3A = tpu.concatenate %slice3A, %neg3A_21 in 1 : vector<2048x16xf32>, vector<2048x16xf32> -> vector<2048x32xf32>
    %reduce_max3A = arith.constant dense<0xFF800000> : vector<2048xf32>
    %reduce_max3A_22 = vector.multi_reduction <maximumf>, %concatenate3A, %reduce_max3A [1] : vector<2048x32xf32> to vector<2048xf32>
    %broadcast_in_dim3A = vector.shape_cast %reduce_max3A_22 : vector<2048xf32> to vector<2048x1xf32>
    %eq3A = vector.broadcast %broadcast_in_dim3A : vector<2048x1xf32> to vector<2048x32xf32>
    %eq3A_23 = arith.cmpf oeq, %concatenate3A, %eq3A : vector<2048x32xf32>
    %jit3A = arith.constant 32 : i32
    %broadcast_in_dim3A_24 = vector.broadcast %jit3A : i32 to vector<2048x32xi32>
    %select_n3A = arith.select %eq3A_23, %iota3A_19, %broadcast_in_dim3A_24 : vector<2048x32xi1>, vector<2048x32xi32>
    %reduce_min3A = arith.constant dense<2147483647> : vector<2048xi32>
    %reduce_min3A_25 = vector.multi_reduction <minsi>, %select_n3A, %reduce_min3A [1] : vector<2048x32xi32> to vector<2048xi32>
    %broadcast_in_dim3A_26 = vector.shape_cast %reduce_min3A_25 : vector<2048xi32> to vector<2048x1xi32>
    %eq3A_27 = vector.broadcast %broadcast_in_dim3A_26 : vector<2048x1xi32> to vector<2048x32xi32>
    %eq3A_28 = arith.cmpi eq, %eq3A_27, %iota3A_19 : vector<2048x32xi32>
    %convert_element_type3A_29 = arith.extui %eq3A_28 : vector<2048x32xi1> to vector<2048x32xi32>
    %convert_element_type3A_30 = arith.sitofp %convert_element_type3A_29 : vector<2048x32xi32> to vector<2048x32xf32>
    %reshape3A = vector.shape_cast %convert_element_type3A_30 : vector<2048x32xf32> to vector<16x128x32xf32>
    "tpu.trace_start"() <{level = 10 : i32, message = "ij,bjc->bic"}> : () -> ()
    %dot_general3A_31 = arith.constant dense<0.000000e+00> : vector<16x32x128xf32>
    %dot_general3A_32 = tpu.matmul %reshape3A, %convert_element_type3A_9, %dot_general3A_31 {dimension_numbers = #tpu.dot_dimension_numbers<[1], [1], [0, 2], [0], [0, 0, 0, 2, 1, 0], [], []>, transpose_lhs_hint = false} : vector<16x128x32xf32>, vector<128x128xf32>, vector<16x32x128xf32> -> vector<16x32x128xf32>
    %transpose3A = tpu.transpose %dot_general3A_32, [0, 2, 1] : vector<16x32x128xf32> -> vector<16x128x32xf32>
    "tpu.trace_stop"() : () -> ()
    %slice3A_33 = vector.extract_strided_slice %transpose3A {offsets = [0, 127, 0], sizes = [16, 1, 32], strides = [1, 1, 1]} : vector<16x128x32xf32> to vector<16x1x32xf32>
    %squeeze3A = vector.shape_cast %slice3A_33 : vector<16x1x32xf32> to vector<16x32xf32>
    %dot_general3A_34 = arith.constant dense<0.000000e+00> : vector<16x32xf32>
    %dot_general3A_35 = tpu.matmul %convert_element_type3A_13, %squeeze3A, %dot_general3A_34 {dimension_numbers = #tpu.dot_dimension_numbers<[1], [0], [0], [1], [0, 0, 1, 1], [], []>, transpose_lhs_hint = false} : vector<16x16xf32>, vector<16x32xf32>, vector<16x32xf32> -> vector<16x32xf32>
    %broadcast_in_dim3A_36 = vector.shape_cast %dot_general3A_35 : vector<16x32xf32> to vector<16x1x32xf32>
    %add3A = vector.broadcast %broadcast_in_dim3A_36 : vector<16x1x32xf32> to vector<16x128x32xf32>
    %add3A_37 = arith.addf %transpose3A, %add3A : vector<16x128x32xf32>
    %reshape3A_38 = vector.shape_cast %add3A_37 : vector<16x128x32xf32> to vector<2048x32xf32>
    %reduce_sum3A = arith.constant dense<0.000000e+00> : vector<32xf32>
    %reduce_sum3A_39 = vector.multi_reduction <add>, %convert_element_type3A_30, %reduce_sum3A [0] : vector<2048x32xf32> to vector<32xf32>
    %broadcast_in_dim3A_40 = vector.shape_cast %reduce_sum3A_39 : vector<32xf32> to vector<32x1xf32>
    %dot_general3A_41 = arith.constant dense<0.000000e+00> : vector<32x1xf32>
    %dot_general3A_42 = tpu.matmul %convert_element_type3A_18, %broadcast_in_dim3A_40, %dot_general3A_41 {dimension_numbers = #tpu.dot_dimension_numbers<[1], [0], [0], [1], [0, 0, 1, 1], [], []>, transpose_lhs_hint = false} : vector<32x32xf32>, vector<32x1xf32>, vector<32x1xf32> -> vector<32x1xf32>
    %mul3A = arith.mulf %convert_element_type3A_30, %reshape3A_38 : vector<2048x32xf32>
    %reduce_sum3A_43 = arith.constant dense<0.000000e+00> : vector<2048xf32>
    %reduce_sum3A_44 = vector.multi_reduction <add>, %mul3A, %reduce_sum3A_43 [1] : vector<2048x32xf32> to vector<2048xf32>
    %reshape3A_45 = vector.shape_cast %dot_general3A_42 : vector<32x1xf32> to vector<1x32xf32>
    %mul3A_46 = vector.broadcast %reshape3A_45 : vector<1x32xf32> to vector<2048x32xf32>
    %mul3A_47 = arith.mulf %convert_element_type3A_30, %mul3A_46 : vector<2048x32xf32>
    %reduce_sum3A_48 = arith.constant dense<0.000000e+00> : vector<2048xf32>
    %reduce_sum3A_49 = vector.multi_reduction <add>, %mul3A_47, %reduce_sum3A_48 [1] : vector<2048x32xf32> to vector<2048xf32>
    %add3A_50 = arith.addf %reduce_sum3A_49, %reduce_sum3A_44 : vector<2048xf32>
    %sub3A = arith.constant 1.000000e+00 : f32
    %sub3A_51 = vector.broadcast %sub3A : f32 to vector<2048xf32>
    %sub3A_52 = arith.subf %add3A_50, %sub3A_51 : vector<2048xf32>
    %convert_element_type3A_53 = arith.fptosi %sub3A_52 : vector<2048xf32> to vector<2048xi32>
    %swap3A = arith.constant 0 : index
    %swap3A_54 = arith.constant 0 : index
    %swap3A_55 = arith.constant 0 : index
    %swap3A_56 = vector.load %arg3[%swap3A, %swap3A_54, %swap3A_55] : memref<1x8x2048xi32, #tpu.memory_space<vmem>>, vector<1x1x2048xi32>
    %swap3A_57 = vector.shape_cast %swap3A_56 : vector<1x1x2048xi32> to vector<2048xi32>
    %swap3A_58 = vector.shape_cast %convert_element_type3A_53 : vector<2048xi32> to vector<1x1x2048xi32>
    tpu.vector_store %arg3[%swap3A, %swap3A_54, %swap3A_55], %swap3A_58 {strides = array<i32>} : memref<1x8x2048xi32, #tpu.memory_space<vmem>>, vector<1x1x2048xi32>,
    %slice3A_59 = vector.extract_strided_slice %dot_general3A_7 {offsets = [0, 16], sizes = [2048, 16], strides = [1, 1]} : vector<2048x128xf32> to vector<2048x16xf32>
    %neg3A_60 = arith.constant 0.000000e+00 : f32
    %neg3A_61 = vector.broadcast %neg3A_60 : f32 to vector<2048x16xf32>
    %neg3A_62 = arith.subf %neg3A_61, %slice3A_59 : vector<2048x16xf32>
    %concatenate3A_63 = tpu.concatenate %slice3A_59, %neg3A_62 in 1 : vector<2048x16xf32>, vector<2048x16xf32> -> vector<2048x32xf32>
    %reduce_max3A_64 = arith.constant dense<0xFF800000> : vector<2048xf32>
    %reduce_max3A_65 = vector.multi_reduction <maximumf>, %concatenate3A_63, %reduce_max3A_64 [1] : vector<2048x32xf32> to vector<2048xf32>
    %broadcast_in_dim3A_66 = vector.shape_cast %reduce_max3A_65 : vector<2048xf32> to vector<2048x1xf32>
    %eq3A_67 = vector.broadcast %broadcast_in_dim3A_66 : vector<2048x1xf32> to vector<2048x32xf32>
    %eq3A_68 = arith.cmpf oeq, %concatenate3A_63, %eq3A_67 : vector<2048x32xf32>
    %jit3A_69 = arith.constant 32 : i32
    %broadcast_in_dim3A_70 = vector.broadcast %jit3A_69 : i32 to vector<2048x32xi32>
    %select_n3A_71 = arith.select %eq3A_68, %iota3A_19, %broadcast_in_dim3A_70 : vector<2048x32xi1>, vector<2048x32xi32>
    %reduce_min3A_72 = arith.constant dense<2147483647> : vector<2048xi32>
    %reduce_min3A_73 = vector.multi_reduction <minsi>, %select_n3A_71, %reduce_min3A_72 [1] : vector<2048x32xi32> to vector<2048xi32>
    %broadcast_in_dim3A_74 = vector.shape_cast %reduce_min3A_73 : vector<2048xi32> to vector<2048x1xi32>
    %eq3A_75 = vector.broadcast %broadcast_in_dim3A_74 : vector<2048x1xi32> to vector<2048x32xi32>
    %eq3A_76 = arith.cmpi eq, %eq3A_75, %iota3A_19 : vector<2048x32xi32>
    %convert_element_type3A_77 = arith.extui %eq3A_76 : vector<2048x32xi1> to vector<2048x32xi32>
    %convert_element_type3A_78 = arith.sitofp %convert_element_type3A_77 : vector<2048x32xi32> to vector<2048x32xf32>
    %reshape3A_79 = vector.shape_cast %convert_element_type3A_78 : vector<2048x32xf32> to vector<16x128x32xf32>
    "tpu.trace_start"() <{level = 10 : i32, message = "ij,bjc->bic"}> : () -> ()
    %dot_general3A_80 = arith.constant dense<0.000000e+00> : vector<16x32x128xf32>
    %dot_general3A_81 = tpu.matmul %reshape3A_79, %convert_element_type3A_9, %dot_general3A_80 {dimension_numbers = #tpu.dot_dimension_numbers<[1], [1], [0, 2], [0], [0, 0, 0, 2, 1, 0], [], []>, transpose_lhs_hint = false} : vector<16x128x32xf32>, vector<128x128xf32>, vector<16x32x128xf32> -> vector<16x32x128xf32>
    %transpose3A_82 = tpu.transpose %dot_general3A_81, [0, 2, 1] : vector<16x32x128xf32> -> vector<16x128x32xf32>
    "tpu.trace_stop"() : () -> ()
    %slice3A_83 = vector.extract_strided_slice %transpose3A_82 {offsets = [0, 127, 0], sizes = [16, 1, 32], strides = [1, 1, 1]} : vector<16x128x32xf32> to vector<16x1x32xf32>
    %squeeze3A_84 = vector.shape_cast %slice3A_83 : vector<16x1x32xf32> to vector<16x32xf32>
    %dot_general3A_85 = arith.constant dense<0.000000e+00> : vector<16x32xf32>
    %dot_general3A_86 = tpu.matmul %convert_element_type3A_13, %squeeze3A_84, %dot_general3A_85 {dimension_numbers = #tpu.dot_dimension_numbers<[1], [0], [0], [1], [0, 0, 1, 1], [], []>, transpose_lhs_hint = false} : vector<16x16xf32>, vector<16x32xf32>, vector<16x32xf32> -> vector<16x32xf32>
    %broadcast_in_dim3A_87 = vector.shape_cast %dot_general3A_86 : vector<16x32xf32> to vector<16x1x32xf32>
    %add3A_88 = vector.broadcast %broadcast_in_dim3A_87 : vector<16x1x32xf32> to vector<16x128x32xf32>
    %add3A_89 = arith.addf %transpose3A_82, %add3A_88 : vector<16x128x32xf32>
    %reshape3A_90 = vector.shape_cast %add3A_89 : vector<16x128x32xf32> to vector<2048x32xf32>
    %reduce_sum3A_91 = arith.constant dense<0.000000e+00> : vector<32xf32>
    %reduce_sum3A_92 = vector.multi_reduction <add>, %convert_element_type3A_78, %reduce_sum3A_91 [0] : vector<2048x32xf32> to vector<32xf32>
    %broadcast_in_dim3A_93 = vector.shape_cast %reduce_sum3A_92 : vector<32xf32> to vector<32x1xf32>
    %dot_general3A_94 = arith.constant dense<0.000000e+00> : vector<32x1xf32>
    %dot_general3A_95 = tpu.matmul %convert_element_type3A_18, %broadcast_in_dim3A_93, %dot_general3A_94 {dimension_numbers = #tpu.dot_dimension_numbers<[1], [0], [0], [1], [0, 0, 1, 1], [], []>, transpose_lhs_hint = false} : vector<32x32xf32>, vector<32x1xf32>, vector<32x1xf32> -> vector<32x1xf32>
    %mul3A_96 = arith.mulf %convert_element_type3A_78, %reshape3A_90 : vector<2048x32xf32>
    %reduce_sum3A_97 = arith.constant dense<0.000000e+00> : vector<2048xf32>
    %reduce_sum3A_98 = vector.multi_reduction <add>, %mul3A_96, %reduce_sum3A_97 [1] : vector<2048x32xf32> to vector<2048xf32>
    %reshape3A_99 = vector.shape_cast %dot_general3A_95 : vector<32x1xf32> to vector<1x32xf32>
    %mul3A_100 = vector.broadcast %reshape3A_99 : vector<1x32xf32> to vector<2048x32xf32>
    %mul3A_101 = arith.mulf %convert_element_type3A_78, %mul3A_100 : vector<2048x32xf32>
    %reduce_sum3A_102 = arith.constant dense<0.000000e+00> : vector<2048xf32>
    %reduce_sum3A_103 = vector.multi_reduction <add>, %mul3A_101, %reduce_sum3A_102 [1] : vector<2048x32xf32> to vector<2048xf32>
    %add3A_104 = arith.addf %reduce_sum3A_103, %reduce_sum3A_98 : vector<2048xf32>
    %sub3A_105 = arith.constant 1.000000e+00 : f32
    %sub3A_106 = vector.broadcast %sub3A_105 : f32 to vector<2048xf32>
    %sub3A_107 = arith.subf %add3A_104, %sub3A_106 : vector<2048xf32>
    %convert_element_type3A_108 = arith.fptosi %sub3A_107 : vector<2048xf32> to vector<2048xi32>
    %swap3A_109 = arith.constant 0 : index
    %swap3A_110 = arith.constant 1 : index
    %swap3A_111 = arith.constant 0 : index
    %swap3A_112 = vector.load %arg3[%swap3A_109, %swap3A_110, %swap3A_111] : memref<1x8x2048xi32, #tpu.memory_space<vmem>>, vector<1x1x2048xi32>
    %swap3A_113 = vector.shape_cast %swap3A_112 : vector<1x1x2048xi32> to vector<2048xi32>
    %swap3A_114 = vector.shape_cast %convert_element_type3A_108 : vector<2048xi32> to vector<1x1x2048xi32>
    tpu.vector_store %arg3[%swap3A_109, %swap3A_110, %swap3A_111], %swap3A_114 {strides = array<i32>} : memref<1x8x2048xi32, #tpu.memory_space<vmem>>, vector<1x1x2048xi32>,
    %slice3A_115 = vector.extract_strided_slice %dot_general3A_7 {offsets = [0, 32], sizes = [2048, 16], strides = [1, 1]} : vector<2048x128xf32> to vector<2048x16xf32>
    %neg3A_116 = arith.constant 0.000000e+00 : f32
    %neg3A_117 = vector.broadcast %neg3A_116 : f32 to vector<2048x16xf32>
    %neg3A_118 = arith.subf %neg3A_117, %slice3A_115 : vector<2048x16xf32>
    %concatenate3A_119 = tpu.concatenate %slice3A_115, %neg3A_118 in 1 : vector<2048x16xf32>, vector<2048x16xf32> -> vector<2048x32xf32>
    %reduce_max3A_120 = arith.constant dense<0xFF800000> : vector<2048xf32>
    %reduce_max3A_121 = vector.multi_reduction <maximumf>, %concatenate3A_119, %reduce_max3A_120 [1] : vector<2048x32xf32> to vector<2048xf32>
    %broadcast_in_dim3A_122 = vector.shape_cast %reduce_max3A_121 : vector<2048xf32> to vector<2048x1xf32>
    %eq3A_123 = vector.broadcast %broadcast_in_dim3A_122 : vector<2048x1xf32> to vector<2048x32xf32>
    %eq3A_124 = arith.cmpf oeq, %concatenate3A_119, %eq3A_123 : vector<2048x32xf32>
    %jit3A_125 = arith.constant 32 : i32
    %broadcast_in_dim3A_126 = vector.broadcast %jit3A_125 : i32 to vector<2048x32xi32>
    %select_n3A_127 = arith.select %eq3A_124, %iota3A_19, %broadcast_in_dim3A_126 : vector<2048x32xi1>, vector<2048x32xi32>
    %reduce_min3A_128 = arith.constant dense<2147483647> : vector<2048xi32>
    %reduce_min3A_129 = vector.multi_reduction <minsi>, %select_n3A_127, %reduce_min3A_128 [1] : vector<2048x32xi32> to vector<2048xi32>
    %broadcast_in_dim3A_130 = vector.shape_cast %reduce_min3A_129 : vector<2048xi32> to vector<2048x1xi32>
    %eq3A_131 = vector.broadcast %broadcast_in_dim3A_130 : vector<2048x1xi32> to vector<2048x32xi32>
    %eq3A_132 = arith.cmpi eq, %eq3A_131, %iota3A_19 : vector<2048x32xi32>
    %convert_element_type3A_133 = arith.extui %eq3A_132 : vector<2048x32xi1> to vector<2048x32xi32>
    %convert_element_type3A_134 = arith.sitofp %convert_element_type3A_133 : vector<2048x32xi32> to vector<2048x32xf32>
    %reshape3A_135 = vector.shape_cast %convert_element_type3A_134 : vector<2048x32xf32> to vector<16x128x32xf32>
    "tpu.trace_start"() <{level = 10 : i32, message = "ij,bjc->bic"}> : () -> ()
    %dot_general3A_136 = arith.constant dense<0.000000e+00> : vector<16x32x128xf32>
    %dot_general3A_137 = tpu.matmul %reshape3A_135, %convert_element_type3A_9, %dot_general3A_136 {dimension_numbers = #tpu.dot_dimension_numbers<[1], [1], [0, 2], [0], [0, 0, 0, 2, 1, 0], [], []>, transpose_lhs_hint = false} : vector<16x128x32xf32>, vector<128x128xf32>, vector<16x32x128xf32> -> vector<16x32x128xf32>
    %transpose3A_138 = tpu.transpose %dot_general3A_137, [0, 2, 1] : vector<16x32x128xf32> -> vector<16x128x32xf32>
    "tpu.trace_stop"() : () -> ()
    %slice3A_139 = vector.extract_strided_slice %transpose3A_138 {offsets = [0, 127, 0], sizes = [16, 1, 32], strides = [1, 1, 1]} : vector<16x128x32xf32> to vector<16x1x32xf32>
    %squeeze3A_140 = vector.shape_cast %slice3A_139 : vector<16x1x32xf32> to vector<16x32xf32>
    %dot_general3A_141 = arith.constant dense<0.000000e+00> : vector<16x32xf32>
    %dot_general3A_142 = tpu.matmul %convert_element_type3A_13, %squeeze3A_140, %dot_general3A_141 {dimension_numbers = #tpu.dot_dimension_numbers<[1], [0], [0], [1], [0, 0, 1, 1], [], []>, transpose_lhs_hint = false} : vector<16x16xf32>, vector<16x32xf32>, vector<16x32xf32> -> vector<16x32xf32>
    %broadcast_in_dim3A_143 = vector.shape_cast %dot_general3A_142 : vector<16x32xf32> to vector<16x1x32xf32>
    %add3A_144 = vector.broadcast %broadcast_in_dim3A_143 : vector<16x1x32xf32> to vector<16x128x32xf32>
    %add3A_145 = arith.addf %transpose3A_138, %add3A_144 : vector<16x128x32xf32>
    %reshape3A_146 = vector.shape_cast %add3A_145 : vector<16x128x32xf32> to vector<2048x32xf32>
    %reduce_sum3A_147 = arith.constant dense<0.000000e+00> : vector<32xf32>
    %reduce_sum3A_148 = vector.multi_reduction <add>, %convert_element_type3A_134, %reduce_sum3A_147 [0] : vector<2048x32xf32> to vector<32xf32>
    %broadcast_in_dim3A_149 = vector.shape_cast %reduce_sum3A_148 : vector<32xf32> to vector<32x1xf32>
    %dot_general3A_150 = arith.constant dense<0.000000e+00> : vector<32x1xf32>
    %dot_general3A_151 = tpu.matmul %convert_element_type3A_18, %broadcast_in_dim3A_149, %dot_general3A_150 {dimension_numbers = #tpu.dot_dimension_numbers<[1], [0], [0], [1], [0, 0, 1, 1], [], []>, transpose_lhs_hint = false} : vector<32x32xf32>, vector<32x1xf32>, vector<32x1xf32> -> vector<32x1xf32>
    %mul3A_152 = arith.mulf %convert_element_type3A_134, %reshape3A_146 : vector<2048x32xf32>
    %reduce_sum3A_153 = arith.constant dense<0.000000e+00> : vector<2048xf32>
    %reduce_sum3A_154 = vector.multi_reduction <add>, %mul3A_152, %reduce_sum3A_153 [1] : vector<2048x32xf32> to vector<2048xf32>
    %reshape3A_155 = vector.shape_cast %dot_general3A_151 : vector<32x1xf32> to vector<1x32xf32>
    %mul3A_156 = vector.broadcast %reshape3A_155 : vector<1x32xf32> to vector<2048x32xf32>
    %mul3A_157 = arith.mulf %convert_element_type3A_134, %mul3A_156 : vector<2048x32xf32>
    %reduce_sum3A_158 = arith.constant dense<0.000000e+00> : vector<2048xf32>
    %reduce_sum3A_159 = vector.multi_reduction <add>, %mul3A_157, %reduce_sum3A_158 [1] : vector<2048x32xf32> to vector<2048xf32>
    %add3A_160 = arith.addf %reduce_sum3A_159, %reduce_sum3A_154 : vector<2048xf32>
    %sub3A_161 = arith.constant 1.000000e+00 : f32
    %sub3A_162 = vector.broadcast %sub3A_161 : f32 to vector<2048xf32>
    %sub3A_163 = arith.subf %add3A_160, %sub3A_162 : vector<2048xf32>
    %convert_element_type3A_164 = arith.fptosi %sub3A_163 : vector<2048xf32> to vector<2048xi32>
    %swap3A_165 = arith.constant 0 : index
    %swap3A_166 = arith.constant 2 : index
    %swap3A_167 = arith.constant 0 : index
    %swap3A_168 = vector.load %arg3[%swap3A_165, %swap3A_166, %swap3A_167] : memref<1x8x2048xi32, #tpu.memory_space<vmem>>, vector<1x1x2048xi32>
    %swap3A_169 = vector.shape_cast %swap3A_168 : vector<1x1x2048xi32> to vector<2048xi32>
    %swap3A_170 = vector.shape_cast %convert_element_type3A_164 : vector<2048xi32> to vector<1x1x2048xi32>
    tpu.vector_store %arg3[%swap3A_165, %swap3A_166, %swap3A_167], %swap3A_170 {strides = array<i32>} : memref<1x8x2048xi32, #tpu.memory_space<vmem>>, vector<1x1x2048xi32>,
    %slice3A_171 = vector.extract_strided_slice %dot_general3A_7 {offsets = [0, 48], sizes = [2048, 16], strides = [1, 1]} : vector<2048x128xf32> to vector<2048x16xf32>
    %neg3A_172 = arith.constant 0.000000e+00 : f32
    %neg3A_173 = vector.broadcast %neg3A_172 : f32 to vector<2048x16xf32>
    %neg3A_174 = arith.subf %neg3A_173, %slice3A_171 : vector<2048x16xf32>
    %concatenate3A_175 = tpu.concatenate %slice3A_171, %neg3A_174 in 1 : vector<2048x16xf32>, vector<2048x16xf32> -> vector<2048x32xf32>
    %reduce_max3A_176 = arith.constant dense<0xFF800000> : vector<2048xf32>
    %reduce_max3A_177 = vector.multi_reduction <maximumf>, %concatenate3A_175, %reduce_max3A_176 [1] : vector<2048x32xf32> to vector<2048xf32>
    %broadcast_in_dim3A_178 = vector.shape_cast %reduce_max3A_177 : vector<2048xf32> to vector<2048x1xf32>
    %eq3A_179 = vector.broadcast %broadcast_in_dim3A_178 : vector<2048x1xf32> to vector<2048x32xf32>
    %eq3A_180 = arith.cmpf oeq, %concatenate3A_175, %eq3A_179 : vector<2048x32xf32>
    %jit3A_181 = arith.constant 32 : i32
    %broadcast_in_dim3A_182 = vector.broadcast %jit3A_181 : i32 to vector<2048x32xi32>
    %select_n3A_183 = arith.select %eq3A_180, %iota3A_19, %broadcast_in_dim3A_182 : vector<2048x32xi1>, vector<2048x32xi32>
    %reduce_min3A_184 = arith.constant dense<2147483647> : vector<2048xi32>
    %reduce_min3A_185 = vector.multi_reduction <minsi>, %select_n3A_183, %reduce_min3A_184 [1] : vector<2048x32xi32> to vector<2048xi32>
    %broadcast_in_dim3A_186 = vector.shape_cast %reduce_min3A_185 : vector<2048xi32> to vector<2048x1xi32>
    %eq3A_187 = vector.broadcast %broadcast_in_dim3A_186 : vector<2048x1xi32> to vector<2048x32xi32>
    %eq3A_188 = arith.cmpi eq, %eq3A_187, %iota3A_19 : vector<2048x32xi32>
    %convert_element_type3A_189 = arith.extui %eq3A_188 : vector<2048x32xi1> to vector<2048x32xi32>
    %convert_element_type3A_190 = arith.sitofp %convert_element_type3A_189 : vector<2048x32xi32> to vector<2048x32xf32>
    %reshape3A_191 = vector.shape_cast %convert_element_type3A_190 : vector<2048x32xf32> to vector<16x128x32xf32>
    "tpu.trace_start"() <{level = 10 : i32, message = "ij,bjc->bic"}> : () -> ()
    %dot_general3A_192 = arith.constant dense<0.000000e+00> : vector<16x32x128xf32>
    %dot_general3A_193 = tpu.matmul %reshape3A_191, %convert_element_type3A_9, %dot_general3A_192 {dimension_numbers = #tpu.dot_dimension_numbers<[1], [1], [0, 2], [0], [0, 0, 0, 2, 1, 0], [], []>, transpose_lhs_hint = false} : vector<16x128x32xf32>, vector<128x128xf32>, vector<16x32x128xf32> -> vector<16x32x128xf32>
    %transpose3A_194 = tpu.transpose %dot_general3A_193, [0, 2, 1] : vector<16x32x128xf32> -> vector<16x128x32xf32>
    "tpu.trace_stop"() : () -> ()
    %slice3A_195 = vector.extract_strided_slice %transpose3A_194 {offsets = [0, 127, 0], sizes = [16, 1, 32], strides = [1, 1, 1]} : vector<16x128x32xf32> to vector<16x1x32xf32>
    %squeeze3A_196 = vector.shape_cast %slice3A_195 : vector<16x1x32xf32> to vector<16x32xf32>
    %dot_general3A_197 = arith.constant dense<0.000000e+00> : vector<16x32xf32>
    %dot_general3A_198 = tpu.matmul %convert_element_type3A_13, %squeeze3A_196, %dot_general3A_197 {dimension_numbers = #tpu.dot_dimension_numbers<[1], [0], [0], [1], [0, 0, 1, 1], [], []>, transpose_lhs_hint = false} : vector<16x16xf32>, vector<16x32xf32>, vector<16x32xf32> -> vector<16x32xf32>
    %broadcast_in_dim3A_199 = vector.shape_cast %dot_general3A_198 : vector<16x32xf32> to vector<16x1x32xf32>
    %add3A_200 = vector.broadcast %broadcast_in_dim3A_199 : vector<16x1x32xf32> to vector<16x128x32xf32>
    %add3A_201 = arith.addf %transpose3A_194, %add3A_200 : vector<16x128x32xf32>
    %reshape3A_202 = vector.shape_cast %add3A_201 : vector<16x128x32xf32> to vector<2048x32xf32>
    %reduce_sum3A_203 = arith.constant dense<0.000000e+00> : vector<32xf32>
    %reduce_sum3A_204 = vector.multi_reduction <add>, %convert_element_type3A_190, %reduce_sum3A_203 [0] : vector<2048x32xf32> to vector<32xf32>
    %broadcast_in_dim3A_205 = vector.shape_cast %reduce_sum3A_204 : vector<32xf32> to vector<32x1xf32>
    %dot_general3A_206 = arith.constant dense<0.000000e+00> : vector<32x1xf32>
    %dot_general3A_207 = tpu.matmul %convert_element_type3A_18, %broadcast_in_dim3A_205, %dot_general3A_206 {dimension_numbers = #tpu.dot_dimension_numbers<[1], [0], [0], [1], [0, 0, 1, 1], [], []>, transpose_lhs_hint = false} : vector<32x32xf32>, vector<32x1xf32>, vector<32x1xf32> -> vector<32x1xf32>
    %mul3A_208 = arith.mulf %convert_element_type3A_190, %reshape3A_202 : vector<2048x32xf32>
    %reduce_sum3A_209 = arith.constant dense<0.000000e+00> : vector<2048xf32>
    %reduce_sum3A_210 = vector.multi_reduction <add>, %mul3A_208, %reduce_sum3A_209 [1] : vector<2048x32xf32> to vector<2048xf32>
    %reshape3A_211 = vector.shape_cast %dot_general3A_207 : vector<32x1xf32> to vector<1x32xf32>
    %mul3A_212 = vector.broadcast %reshape3A_211 : vector<1x32xf32> to vector<2048x32xf32>
    %mul3A_213 = arith.mulf %convert_element_type3A_190, %mul3A_212 : vector<2048x32xf32>
    %reduce_sum3A_214 = arith.constant dense<0.000000e+00> : vector<2048xf32>
    %reduce_sum3A_215 = vector.multi_reduction <add>, %mul3A_213, %reduce_sum3A_214 [1] : vector<2048x32xf32> to vector<2048xf32>
    %add3A_216 = arith.addf %reduce_sum3A_215, %reduce_sum3A_210 : vector<2048xf32>
    %sub3A_217 = arith.constant 1.000000e+00 : f32
    %sub3A_218 = vector.broadcast %sub3A_217 : f32 to vector<2048xf32>
    %sub3A_219 = arith.subf %add3A_216, %sub3A_218 : vector<2048xf32>
    %convert_element_type3A_220 = arith.fptosi %sub3A_219 : vector<2048xf32> to vector<2048xi32>
    %swap3A_221 = arith.constant 0 : index
    %swap3A_222 = arith.constant 3 : index
    %swap3A_223 = arith.constant 0 : index
    %swap3A_224 = vector.load %arg3[%swap3A_221, %swap3A_222, %swap3A_223] : memref<1x8x2048xi32, #tpu.memory_space<vmem>>, vector<1x1x2048xi32>
    %swap3A_225 = vector.shape_cast %swap3A_224 : vector<1x1x2048xi32> to vector<2048xi32>
    %swap3A_226 = vector.shape_cast %convert_element_type3A_220 : vector<2048xi32> to vector<1x1x2048xi32>
    tpu.vector_store %arg3[%swap3A_221, %swap3A_222, %swap3A_223], %swap3A_226 {strides = array<i32>} : memref<1x8x2048xi32, #tpu.memory_space<vmem>>, vector<1x1x2048xi32>,
    %slice3A_227 = vector.extract_strided_slice %dot_general3A_7 {offsets = [0, 64], sizes = [2048, 16], strides = [1, 1]} : vector<2048x128xf32> to vector<2048x16xf32>
    %neg3A_228 = arith.constant 0.000000e+00 : f32
    %neg3A_229 = vector.broadcast %neg3A_228 : f32 to vector<2048x16xf32>
    %neg3A_230 = arith.subf %neg3A_229, %slice3A_227 : vector<2048x16xf32>
    %concatenate3A_231 = tpu.concatenate %slice3A_227, %neg3A_230 in 1 : vector<2048x16xf32>, vector<2048x16xf32> -> vector<2048x32xf32>
    %reduce_max3A_232 = arith.constant dense<0xFF800000> : vector<2048xf32>
    %reduce_max3A_233 = vector.multi_reduction <maximumf>, %concatenate3A_231, %reduce_max3A_232 [1] : vector<2048x32xf32> to vector<2048xf32>
    %broadcast_in_dim3A_234 = vector.shape_cast %reduce_max3A_233 : vector<2048xf32> to vector<2048x1xf32>
    %eq3A_235 = vector.broadcast %broadcast_in_dim3A_234 : vector<2048x1xf32> to vector<2048x32xf32>
    %eq3A_236 = arith.cmpf oeq, %concatenate3A_231, %eq3A_235 : vector<2048x32xf32>
    %jit3A_237 = arith.constant 32 : i32
    %broadcast_in_dim3A_238 = vector.broadcast %jit3A_237 : i32 to vector<2048x32xi32>
    %select_n3A_239 = arith.select %eq3A_236, %iota3A_19, %broadcast_in_dim3A_238 : vector<2048x32xi1>, vector<2048x32xi32>
    %reduce_min3A_240 = arith.constant dense<2147483647> : vector<2048xi32>
    %reduce_min3A_241 = vector.multi_reduction <minsi>, %select_n3A_239, %reduce_min3A_240 [1] : vector<2048x32xi32> to vector<2048xi32>
    %broadcast_in_dim3A_242 = vector.shape_cast %reduce_min3A_241 : vector<2048xi32> to vector<2048x1xi32>
    %eq3A_243 = vector.broadcast %broadcast_in_dim3A_242 : vector<2048x1xi32> to vector<2048x32xi32>
    %eq3A_244 = arith.cmpi eq, %eq3A_243, %iota3A_19 : vector<2048x32xi32>
    %convert_element_type3A_245 = arith.extui %eq3A_244 : vector<2048x32xi1> to vector<2048x32xi32>
    %convert_element_type3A_246 = arith.sitofp %convert_element_type3A_245 : vector<2048x32xi32> to vector<2048x32xf32>
    %reshape3A_247 = vector.shape_cast %convert_element_type3A_246 : vector<2048x32xf32> to vector<16x128x32xf32>
    "tpu.trace_start"() <{level = 10 : i32, message = "ij,bjc->bic"}> : () -> ()
    %dot_general3A_248 = arith.constant dense<0.000000e+00> : vector<16x32x128xf32>
    %dot_general3A_249 = tpu.matmul %reshape3A_247, %convert_element_type3A_9, %dot_general3A_248 {dimension_numbers = #tpu.dot_dimension_numbers<[1], [1], [0, 2], [0], [0, 0, 0, 2, 1, 0], [], []>, transpose_lhs_hint = false} : vector<16x128x32xf32>, vector<128x128xf32>, vector<16x32x128xf32> -> vector<16x32x128xf32>
    %transpose3A_250 = tpu.transpose %dot_general3A_249, [0, 2, 1] : vector<16x32x128xf32> -> vector<16x128x32xf32>
    "tpu.trace_stop"() : () -> ()
    %slice3A_251 = vector.extract_strided_slice %transpose3A_250 {offsets = [0, 127, 0], sizes = [16, 1, 32], strides = [1, 1, 1]} : vector<16x128x32xf32> to vector<16x1x32xf32>
    %squeeze3A_252 = vector.shape_cast %slice3A_251 : vector<16x1x32xf32> to vector<16x32xf32>
    %dot_general3A_253 = arith.constant dense<0.000000e+00> : vector<16x32xf32>
    %dot_general3A_254 = tpu.matmul %convert_element_type3A_13, %squeeze3A_252, %dot_general3A_253 {dimension_numbers = #tpu.dot_dimension_numbers<[1], [0], [0], [1], [0, 0, 1, 1], [], []>, transpose_lhs_hint = false} : vector<16x16xf32>, vector<16x32xf32>, vector<16x32xf32> -> vector<16x32xf32>
    %broadcast_in_dim3A_255 = vector.shape_cast %dot_general3A_254 : vector<16x32xf32> to vector<16x1x32xf32>
    %add3A_256 = vector.broadcast %broadcast_in_dim3A_255 : vector<16x1x32xf32> to vector<16x128x32xf32>
    %add3A_257 = arith.addf %transpose3A_250, %add3A_256 : vector<16x128x32xf32>
    %reshape3A_258 = vector.shape_cast %add3A_257 : vector<16x128x32xf32> to vector<2048x32xf32>
    %reduce_sum3A_259 = arith.constant dense<0.000000e+00> : vector<32xf32>
    %reduce_sum3A_260 = vector.multi_reduction <add>, %convert_element_type3A_246, %reduce_sum3A_259 [0] : vector<2048x32xf32> to vector<32xf32>
    %broadcast_in_dim3A_261 = vector.shape_cast %reduce_sum3A_260 : vector<32xf32> to vector<32x1xf32>
    %dot_general3A_262 = arith.constant dense<0.000000e+00> : vector<32x1xf32>
    %dot_general3A_263 = tpu.matmul %convert_element_type3A_18, %broadcast_in_dim3A_261, %dot_general3A_262 {dimension_numbers = #tpu.dot_dimension_numbers<[1], [0], [0], [1], [0, 0, 1, 1], [], []>, transpose_lhs_hint = false} : vector<32x32xf32>, vector<32x1xf32>, vector<32x1xf32> -> vector<32x1xf32>
    %mul3A_264 = arith.mulf %convert_element_type3A_246, %reshape3A_258 : vector<2048x32xf32>
    %reduce_sum3A_265 = arith.constant dense<0.000000e+00> : vector<2048xf32>
    %reduce_sum3A_266 = vector.multi_reduction <add>, %mul3A_264, %reduce_sum3A_265 [1] : vector<2048x32xf32> to vector<2048xf32>
    %reshape3A_267 = vector.shape_cast %dot_general3A_263 : vector<32x1xf32> to vector<1x32xf32>
    %mul3A_268 = vector.broadcast %reshape3A_267 : vector<1x32xf32> to vector<2048x32xf32>
    %mul3A_269 = arith.mulf %convert_element_type3A_246, %mul3A_268 : vector<2048x32xf32>
    %reduce_sum3A_270 = arith.constant dense<0.000000e+00> : vector<2048xf32>
    %reduce_sum3A_271 = vector.multi_reduction <add>, %mul3A_269, %reduce_sum3A_270 [1] : vector<2048x32xf32> to vector<2048xf32>
    %add3A_272 = arith.addf %reduce_sum3A_271, %reduce_sum3A_266 : vector<2048xf32>
    %sub3A_273 = arith.constant 1.000000e+00 : f32
    %sub3A_274 = vector.broadcast %sub3A_273 : f32 to vector<2048xf32>
    %sub3A_275 = arith.subf %add3A_272, %sub3A_274 : vector<2048xf32>
    %convert_element_type3A_276 = arith.fptosi %sub3A_275 : vector<2048xf32> to vector<2048xi32>
    %swap3A_277 = arith.constant 0 : index
    %swap3A_278 = arith.constant 4 : index
    %swap3A_279 = arith.constant 0 : index
    %swap3A_280 = vector.load %arg3[%swap3A_277, %swap3A_278, %swap3A_279] : memref<1x8x2048xi32, #tpu.memory_space<vmem>>, vector<1x1x2048xi32>
    %swap3A_281 = vector.shape_cast %swap3A_280 : vector<1x1x2048xi32> to vector<2048xi32>
    %swap3A_282 = vector.shape_cast %convert_element_type3A_276 : vector<2048xi32> to vector<1x1x2048xi32>
    tpu.vector_store %arg3[%swap3A_277, %swap3A_278, %swap3A_279], %swap3A_282 {strides = array<i32>} : memref<1x8x2048xi32, #tpu.memory_space<vmem>>, vector<1x1x2048xi32>,
    %slice3A_283 = vector.extract_strided_slice %dot_general3A_7 {offsets = [0, 80], sizes = [2048, 16], strides = [1, 1]} : vector<2048x128xf32> to vector<2048x16xf32>
    %neg3A_284 = arith.constant 0.000000e+00 : f32
    %neg3A_285 = vector.broadcast %neg3A_284 : f32 to vector<2048x16xf32>
    %neg3A_286 = arith.subf %neg3A_285, %slice3A_283 : vector<2048x16xf32>
    %concatenate3A_287 = tpu.concatenate %slice3A_283, %neg3A_286 in 1 : vector<2048x16xf32>, vector<2048x16xf32> -> vector<2048x32xf32>
    %reduce_max3A_288 = arith.constant dense<0xFF800000> : vector<2048xf32>
    %reduce_max3A_289 = vector.multi_reduction <maximumf>, %concatenate3A_287, %reduce_max3A_288 [1] : vector<2048x32xf32> to vector<2048xf32>
    %broadcast_in_dim3A_290 = vector.shape_cast %reduce_max3A_289 : vector<2048xf32> to vector<2048x1xf32>
    %eq3A_291 = vector.broadcast %broadcast_in_dim3A_290 : vector<2048x1xf32> to vector<2048x32xf32>
    %eq3A_292 = arith.cmpf oeq, %concatenate3A_287, %eq3A_291 : vector<2048x32xf32>
    %jit3A_293 = arith.constant 32 : i32
    %broadcast_in_dim3A_294 = vector.broadcast %jit3A_293 : i32 to vector<2048x32xi32>
    %select_n3A_295 = arith.select %eq3A_292, %iota3A_19, %broadcast_in_dim3A_294 : vector<2048x32xi1>, vector<2048x32xi32>
    %reduce_min3A_296 = arith.constant dense<2147483647> : vector<2048xi32>
    %reduce_min3A_297 = vector.multi_reduction <minsi>, %select_n3A_295, %reduce_min3A_296 [1] : vector<2048x32xi32> to vector<2048xi32>
    %broadcast_in_dim3A_298 = vector.shape_cast %reduce_min3A_297 : vector<2048xi32> to vector<2048x1xi32>
    %eq3A_299 = vector.broadcast %broadcast_in_dim3A_298 : vector<2048x1xi32> to vector<2048x32xi32>
    %eq3A_300 = arith.cmpi eq, %eq3A_299, %iota3A_19 : vector<2048x32xi32>
    %convert_element_type3A_301 = arith.extui %eq3A_300 : vector<2048x32xi1> to vector<2048x32xi32>
    %convert_element_type3A_302 = arith.sitofp %convert_element_type3A_301 : vector<2048x32xi32> to vector<2048x32xf32>
    %reshape3A_303 = vector.shape_cast %convert_element_type3A_302 : vector<2048x32xf32> to vector<16x128x32xf32>
    "tpu.trace_start"() <{level = 10 : i32, message = "ij,bjc->bic"}> : () -> ()
    %dot_general3A_304 = arith.constant dense<0.000000e+00> : vector<16x32x128xf32>
    %dot_general3A_305 = tpu.matmul %reshape3A_303, %convert_element_type3A_9, %dot_general3A_304 {dimension_numbers = #tpu.dot_dimension_numbers<[1], [1], [0, 2], [0], [0, 0, 0, 2, 1, 0], [], []>, transpose_lhs_hint = false} : vector<16x128x32xf32>, vector<128x128xf32>, vector<16x32x128xf32> -> vector<16x32x128xf32>
    %transpose3A_306 = tpu.transpose %dot_general3A_305, [0, 2, 1] : vector<16x32x128xf32> -> vector<16x128x32xf32>
    "tpu.trace_stop"() : () -> ()
    %slice3A_307 = vector.extract_strided_slice %transpose3A_306 {offsets = [0, 127, 0], sizes = [16, 1, 32], strides = [1, 1, 1]} : vector<16x128x32xf32> to vector<16x1x32xf32>
    %squeeze3A_308 = vector.shape_cast %slice3A_307 : vector<16x1x32xf32> to vector<16x32xf32>
    %dot_general3A_309 = arith.constant dense<0.000000e+00> : vector<16x32xf32>
    %dot_general3A_310 = tpu.matmul %convert_element_type3A_13, %squeeze3A_308, %dot_general3A_309 {dimension_numbers = #tpu.dot_dimension_numbers<[1], [0], [0], [1], [0, 0, 1, 1], [], []>, transpose_lhs_hint = false} : vector<16x16xf32>, vector<16x32xf32>, vector<16x32xf32> -> vector<16x32xf32>
    %broadcast_in_dim3A_311 = vector.shape_cast %dot_general3A_310 : vector<16x32xf32> to vector<16x1x32xf32>
    %add3A_312 = vector.broadcast %broadcast_in_dim3A_311 : vector<16x1x32xf32> to vector<16x128x32xf32>
    %add3A_313 = arith.addf %transpose3A_306, %add3A_312 : vector<16x128x32xf32>
    %reshape3A_314 = vector.shape_cast %add3A_313 : vector<16x128x32xf32> to vector<2048x32xf32>
    %reduce_sum3A_315 = arith.constant dense<0.000000e+00> : vector<32xf32>
    %reduce_sum3A_316 = vector.multi_reduction <add>, %convert_element_type3A_302, %reduce_sum3A_315 [0] : vector<2048x32xf32> to vector<32xf32>
    %broadcast_in_dim3A_317 = vector.shape_cast %reduce_sum3A_316 : vector<32xf32> to vector<32x1xf32>
    %dot_general3A_318 = arith.constant dense<0.000000e+00> : vector<32x1xf32>
    %dot_general3A_319 = tpu.matmul %convert_element_type3A_18, %broadcast_in_dim3A_317, %dot_general3A_318 {dimension_numbers = #tpu.dot_dimension_numbers<[1], [0], [0], [1], [0, 0, 1, 1], [], []>, transpose_lhs_hint = false} : vector<32x32xf32>, vector<32x1xf32>, vector<32x1xf32> -> vector<32x1xf32>
    %mul3A_320 = arith.mulf %convert_element_type3A_302, %reshape3A_314 : vector<2048x32xf32>
    %reduce_sum3A_321 = arith.constant dense<0.000000e+00> : vector<2048xf32>
    %reduce_sum3A_322 = vector.multi_reduction <add>, %mul3A_320, %reduce_sum3A_321 [1] : vector<2048x32xf32> to vector<2048xf32>
    %reshape3A_323 = vector.shape_cast %dot_general3A_319 : vector<32x1xf32> to vector<1x32xf32>
    %mul3A_324 = vector.broadcast %reshape3A_323 : vector<1x32xf32> to vector<2048x32xf32>
    %mul3A_325 = arith.mulf %convert_element_type3A_302, %mul3A_324 : vector<2048x32xf32>
    %reduce_sum3A_326 = arith.constant dense<0.000000e+00> : vector<2048xf32>
    %reduce_sum3A_327 = vector.multi_reduction <add>, %mul3A_325, %reduce_sum3A_326 [1] : vector<2048x32xf32> to vector<2048xf32>
    %add3A_328 = arith.addf %reduce_sum3A_327, %reduce_sum3A_322 : vector<2048xf32>
    %sub3A_329 = arith.constant 1.000000e+00 : f32
    %sub3A_330 = vector.broadcast %sub3A_329 : f32 to vector<2048xf32>
    %sub3A_331 = arith.subf %add3A_328, %sub3A_330 : vector<2048xf32>
    %convert_element_type3A_332 = arith.fptosi %sub3A_331 : vector<2048xf32> to vector<2048xi32>
    %swap3A_333 = arith.constant 0 : index
    %swap3A_334 = arith.constant 5 : index
    %swap3A_335 = arith.constant 0 : index
    %swap3A_336 = vector.load %arg3[%swap3A_333, %swap3A_334, %swap3A_335] : memref<1x8x2048xi32, #tpu.memory_space<vmem>>, vector<1x1x2048xi32>
    %swap3A_337 = vector.shape_cast %swap3A_336 : vector<1x1x2048xi32> to vector<2048xi32>
    %swap3A_338 = vector.shape_cast %convert_element_type3A_332 : vector<2048xi32> to vector<1x1x2048xi32>
    tpu.vector_store %arg3[%swap3A_333, %swap3A_334, %swap3A_335], %swap3A_338 {strides = array<i32>} : memref<1x8x2048xi32, #tpu.memory_space<vmem>>, vector<1x1x2048xi32>,
    %slice3A_339 = vector.extract_strided_slice %dot_general3A_7 {offsets = [0, 96], sizes = [2048, 16], strides = [1, 1]} : vector<2048x128xf32> to vector<2048x16xf32>
    %neg3A_340 = arith.constant 0.000000e+00 : f32
    %neg3A_341 = vector.broadcast %neg3A_340 : f32 to vector<2048x16xf32>
    %neg3A_342 = arith.subf %neg3A_341, %slice3A_339 : vector<2048x16xf32>
    %concatenate3A_343 = tpu.concatenate %slice3A_339, %neg3A_342 in 1 : vector<2048x16xf32>, vector<2048x16xf32> -> vector<2048x32xf32>
    %reduce_max3A_344 = arith.constant dense<0xFF800000> : vector<2048xf32>
    %reduce_max3A_345 = vector.multi_reduction <maximumf>, %concatenate3A_343, %reduce_max3A_344 [1] : vector<2048x32xf32> to vector<2048xf32>
    %broadcast_in_dim3A_346 = vector.shape_cast %reduce_max3A_345 : vector<2048xf32> to vector<2048x1xf32>
    %eq3A_347 = vector.broadcast %broadcast_in_dim3A_346 : vector<2048x1xf32> to vector<2048x32xf32>
    %eq3A_348 = arith.cmpf oeq, %concatenate3A_343, %eq3A_347 : vector<2048x32xf32>
    %jit3A_349 = arith.constant 32 : i32
    %broadcast_in_dim3A_350 = vector.broadcast %jit3A_349 : i32 to vector<2048x32xi32>
    %select_n3A_351 = arith.select %eq3A_348, %iota3A_19, %broadcast_in_dim3A_350 : vector<2048x32xi1>, vector<2048x32xi32>
    %reduce_min3A_352 = arith.constant dense<2147483647> : vector<2048xi32>
    %reduce_min3A_353 = vector.multi_reduction <minsi>, %select_n3A_351, %reduce_min3A_352 [1] : vector<2048x32xi32> to vector<2048xi32>
    %broadcast_in_dim3A_354 = vector.shape_cast %reduce_min3A_353 : vector<2048xi32> to vector<2048x1xi32>
    %eq3A_355 = vector.broadcast %broadcast_in_dim3A_354 : vector<2048x1xi32> to vector<2048x32xi32>
    %eq3A_356 = arith.cmpi eq, %eq3A_355, %iota3A_19 : vector<2048x32xi32>
    %convert_element_type3A_357 = arith.extui %eq3A_356 : vector<2048x32xi1> to vector<2048x32xi32>
    %convert_element_type3A_358 = arith.sitofp %convert_element_type3A_357 : vector<2048x32xi32> to vector<2048x32xf32>
    %reshape3A_359 = vector.shape_cast %convert_element_type3A_358 : vector<2048x32xf32> to vector<16x128x32xf32>
    "tpu.trace_start"() <{level = 10 : i32, message = "ij,bjc->bic"}> : () -> ()
    %dot_general3A_360 = arith.constant dense<0.000000e+00> : vector<16x32x128xf32>
    %dot_general3A_361 = tpu.matmul %reshape3A_359, %convert_element_type3A_9, %dot_general3A_360 {dimension_numbers = #tpu.dot_dimension_numbers<[1], [1], [0, 2], [0], [0, 0, 0, 2, 1, 0], [], []>, transpose_lhs_hint = false} : vector<16x128x32xf32>, vector<128x128xf32>, vector<16x32x128xf32> -> vector<16x32x128xf32>
    %transpose3A_362 = tpu.transpose %dot_general3A_361, [0, 2, 1] : vector<16x32x128xf32> -> vector<16x128x32xf32>
    "tpu.trace_stop"() : () -> ()
    %slice3A_363 = vector.extract_strided_slice %transpose3A_362 {offsets = [0, 127, 0], sizes = [16, 1, 32], strides = [1, 1, 1]} : vector<16x128x32xf32> to vector<16x1x32xf32>
    %squeeze3A_364 = vector.shape_cast %slice3A_363 : vector<16x1x32xf32> to vector<16x32xf32>
    %dot_general3A_365 = arith.constant dense<0.000000e+00> : vector<16x32xf32>
    %dot_general3A_366 = tpu.matmul %convert_element_type3A_13, %squeeze3A_364, %dot_general3A_365 {dimension_numbers = #tpu.dot_dimension_numbers<[1], [0], [0], [1], [0, 0, 1, 1], [], []>, transpose_lhs_hint = false} : vector<16x16xf32>, vector<16x32xf32>, vector<16x32xf32> -> vector<16x32xf32>
    %broadcast_in_dim3A_367 = vector.shape_cast %dot_general3A_366 : vector<16x32xf32> to vector<16x1x32xf32>
    %add3A_368 = vector.broadcast %broadcast_in_dim3A_367 : vector<16x1x32xf32> to vector<16x128x32xf32>
    %add3A_369 = arith.addf %transpose3A_362, %add3A_368 : vector<16x128x32xf32>
    %reshape3A_370 = vector.shape_cast %add3A_369 : vector<16x128x32xf32> to vector<2048x32xf32>
    %reduce_sum3A_371 = arith.constant dense<0.000000e+00> : vector<32xf32>
    %reduce_sum3A_372 = vector.multi_reduction <add>, %convert_element_type3A_358, %reduce_sum3A_371 [0] : vector<2048x32xf32> to vector<32xf32>
    %broadcast_in_dim3A_373 = vector.shape_cast %reduce_sum3A_372 : vector<32xf32> to vector<32x1xf32>
    %dot_general3A_374 = arith.constant dense<0.000000e+00> : vector<32x1xf32>
    %dot_general3A_375 = tpu.matmul %convert_element_type3A_18, %broadcast_in_dim3A_373, %dot_general3A_374 {dimension_numbers = #tpu.dot_dimension_numbers<[1], [0], [0], [1], [0, 0, 1, 1], [], []>, transpose_lhs_hint = false} : vector<32x32xf32>, vector<32x1xf32>, vector<32x1xf32> -> vector<32x1xf32>
    %mul3A_376 = arith.mulf %convert_element_type3A_358, %reshape3A_370 : vector<2048x32xf32>
    %reduce_sum3A_377 = arith.constant dense<0.000000e+00> : vector<2048xf32>
    %reduce_sum3A_378 = vector.multi_reduction <add>, %mul3A_376, %reduce_sum3A_377 [1] : vector<2048x32xf32> to vector<2048xf32>
    %reshape3A_379 = vector.shape_cast %dot_general3A_375 : vector<32x1xf32> to vector<1x32xf32>
    %mul3A_380 = vector.broadcast %reshape3A_379 : vector<1x32xf32> to vector<2048x32xf32>
    %mul3A_381 = arith.mulf %convert_element_type3A_358, %mul3A_380 : vector<2048x32xf32>
    %reduce_sum3A_382 = arith.constant dense<0.000000e+00> : vector<2048xf32>
    %reduce_sum3A_383 = vector.multi_reduction <add>, %mul3A_381, %reduce_sum3A_382 [1] : vector<2048x32xf32> to vector<2048xf32>
    %add3A_384 = arith.addf %reduce_sum3A_383, %reduce_sum3A_378 : vector<2048xf32>
    %sub3A_385 = arith.constant 1.000000e+00 : f32
    %sub3A_386 = vector.broadcast %sub3A_385 : f32 to vector<2048xf32>
    %sub3A_387 = arith.subf %add3A_384, %sub3A_386 : vector<2048xf32>
    %convert_element_type3A_388 = arith.fptosi %sub3A_387 : vector<2048xf32> to vector<2048xi32>
    %swap3A_389 = arith.constant 0 : index
    %swap3A_390 = arith.constant 6 : index
    %swap3A_391 = arith.constant 0 : index
    %swap3A_392 = vector.load %arg3[%swap3A_389, %swap3A_390, %swap3A_391] : memref<1x8x2048xi32, #tpu.memory_space<vmem>>, vector<1x1x2048xi32>
    %swap3A_393 = vector.shape_cast %swap3A_392 : vector<1x1x2048xi32> to vector<2048xi32>
    %swap3A_394 = vector.shape_cast %convert_element_type3A_388 : vector<2048xi32> to vector<1x1x2048xi32>
    tpu.vector_store %arg3[%swap3A_389, %swap3A_390, %swap3A_391], %swap3A_394 {strides = array<i32>} : memref<1x8x2048xi32, #tpu.memory_space<vmem>>, vector<1x1x2048xi32>,
    %slice3A_395 = vector.extract_strided_slice %dot_general3A_7 {offsets = [0, 112], sizes = [2048, 16], strides = [1, 1]} : vector<2048x128xf32> to vector<2048x16xf32>
    %neg3A_396 = arith.constant 0.000000e+00 : f32
    %neg3A_397 = vector.broadcast %neg3A_396 : f32 to vector<2048x16xf32>
    %neg3A_398 = arith.subf %neg3A_397, %slice3A_395 : vector<2048x16xf32>
    %concatenate3A_399 = tpu.concatenate %slice3A_395, %neg3A_398 in 1 : vector<2048x16xf32>, vector<2048x16xf32> -> vector<2048x32xf32>
    %reduce_max3A_400 = arith.constant dense<0xFF800000> : vector<2048xf32>
    %reduce_max3A_401 = vector.multi_reduction <maximumf>, %concatenate3A_399, %reduce_max3A_400 [1] : vector<2048x32xf32> to vector<2048xf32>
    %broadcast_in_dim3A_402 = vector.shape_cast %reduce_max3A_401 : vector<2048xf32> to vector<2048x1xf32>
    %eq3A_403 = vector.broadcast %broadcast_in_dim3A_402 : vector<2048x1xf32> to vector<2048x32xf32>
    %eq3A_404 = arith.cmpf oeq, %concatenate3A_399, %eq3A_403 : vector<2048x32xf32>
    %jit3A_405 = arith.constant 32 : i32
    %broadcast_in_dim3A_406 = vector.broadcast %jit3A_405 : i32 to vector<2048x32xi32>
    %select_n3A_407 = arith.select %eq3A_404, %iota3A_19, %broadcast_in_dim3A_406 : vector<2048x32xi1>, vector<2048x32xi32>
    %reduce_min3A_408 = arith.constant dense<2147483647> : vector<2048xi32>
    %reduce_min3A_409 = vector.multi_reduction <minsi>, %select_n3A_407, %reduce_min3A_408 [1] : vector<2048x32xi32> to vector<2048xi32>
    %broadcast_in_dim3A_410 = vector.shape_cast %reduce_min3A_409 : vector<2048xi32> to vector<2048x1xi32>
    %eq3A_411 = vector.broadcast %broadcast_in_dim3A_410 : vector<2048x1xi32> to vector<2048x32xi32>
    %eq3A_412 = arith.cmpi eq, %eq3A_411, %iota3A_19 : vector<2048x32xi32>
    %convert_element_type3A_413 = arith.extui %eq3A_412 : vector<2048x32xi1> to vector<2048x32xi32>
    %convert_element_type3A_414 = arith.sitofp %convert_element_type3A_413 : vector<2048x32xi32> to vector<2048x32xf32>
    %reshape3A_415 = vector.shape_cast %convert_element_type3A_414 : vector<2048x32xf32> to vector<16x128x32xf32>
    "tpu.trace_start"() <{level = 10 : i32, message = "ij,bjc->bic"}> : () -> ()
    %dot_general3A_416 = arith.constant dense<0.000000e+00> : vector<16x32x128xf32>
    %dot_general3A_417 = tpu.matmul %reshape3A_415, %convert_element_type3A_9, %dot_general3A_416 {dimension_numbers = #tpu.dot_dimension_numbers<[1], [1], [0, 2], [0], [0, 0, 0, 2, 1, 0], [], []>, transpose_lhs_hint = false} : vector<16x128x32xf32>, vector<128x128xf32>, vector<16x32x128xf32> -> vector<16x32x128xf32>
    %transpose3A_418 = tpu.transpose %dot_general3A_417, [0, 2, 1] : vector<16x32x128xf32> -> vector<16x128x32xf32>
    "tpu.trace_stop"() : () -> ()
    %slice3A_419 = vector.extract_strided_slice %transpose3A_418 {offsets = [0, 127, 0], sizes = [16, 1, 32], strides = [1, 1, 1]} : vector<16x128x32xf32> to vector<16x1x32xf32>
    %squeeze3A_420 = vector.shape_cast %slice3A_419 : vector<16x1x32xf32> to vector<16x32xf32>
    %dot_general3A_421 = arith.constant dense<0.000000e+00> : vector<16x32xf32>
    %dot_general3A_422 = tpu.matmul %convert_element_type3A_13, %squeeze3A_420, %dot_general3A_421 {dimension_numbers = #tpu.dot_dimension_numbers<[1], [0], [0], [1], [0, 0, 1, 1], [], []>, transpose_lhs_hint = false} : vector<16x16xf32>, vector<16x32xf32>, vector<16x32xf32> -> vector<16x32xf32>
    %broadcast_in_dim3A_423 = vector.shape_cast %dot_general3A_422 : vector<16x32xf32> to vector<16x1x32xf32>
    %add3A_424 = vector.broadcast %broadcast_in_dim3A_423 : vector<16x1x32xf32> to vector<16x128x32xf32>
    %add3A_425 = arith.addf %transpose3A_418, %add3A_424 : vector<16x128x32xf32>
    %reshape3A_426 = vector.shape_cast %add3A_425 : vector<16x128x32xf32> to vector<2048x32xf32>
    %reduce_sum3A_427 = arith.constant dense<0.000000e+00> : vector<32xf32>
    %reduce_sum3A_428 = vector.multi_reduction <add>, %convert_element_type3A_414, %reduce_sum3A_427 [0] : vector<2048x32xf32> to vector<32xf32>
    %broadcast_in_dim3A_429 = vector.shape_cast %reduce_sum3A_428 : vector<32xf32> to vector<32x1xf32>
    %dot_general3A_430 = arith.constant dense<0.000000e+00> : vector<32x1xf32>
    %dot_general3A_431 = tpu.matmul %convert_element_type3A_18, %broadcast_in_dim3A_429, %dot_general3A_430 {dimension_numbers = #tpu.dot_dimension_numbers<[1], [0], [0], [1], [0, 0, 1, 1], [], []>, transpose_lhs_hint = false} : vector<32x32xf32>, vector<32x1xf32>, vector<32x1xf32> -> vector<32x1xf32>
    %mul3A_432 = arith.mulf %convert_element_type3A_414, %reshape3A_426 : vector<2048x32xf32>
    %reduce_sum3A_433 = arith.constant dense<0.000000e+00> : vector<2048xf32>
    %reduce_sum3A_434 = vector.multi_reduction <add>, %mul3A_432, %reduce_sum3A_433 [1] : vector<2048x32xf32> to vector<2048xf32>
    %reshape3A_435 = vector.shape_cast %dot_general3A_431 : vector<32x1xf32> to vector<1x32xf32>
    %mul3A_436 = vector.broadcast %reshape3A_435 : vector<1x32xf32> to vector<2048x32xf32>
    %mul3A_437 = arith.mulf %convert_element_type3A_414, %mul3A_436 : vector<2048x32xf32>
    %reduce_sum3A_438 = arith.constant dense<0.000000e+00> : vector<2048xf32>
    %reduce_sum3A_439 = vector.multi_reduction <add>, %mul3A_437, %reduce_sum3A_438 [1] : vector<2048x32xf32> to vector<2048xf32>
    %add3A_440 = arith.addf %reduce_sum3A_439, %reduce_sum3A_434 : vector<2048xf32>
    %sub3A_441 = arith.constant 1.000000e+00 : f32
    %sub3A_442 = vector.broadcast %sub3A_441 : f32 to vector<2048xf32>
    %sub3A_443 = arith.subf %add3A_440, %sub3A_442 : vector<2048xf32>
    %convert_element_type3A_444 = arith.fptosi %sub3A_443 : vector<2048xf32> to vector<2048xi32>
    %swap3A_445 = arith.constant 0 : index
    %swap3A_446 = arith.constant 7 : index
    %swap3A_447 = arith.constant 0 : index
    %swap3A_448 = vector.load %arg3[%swap3A_445, %swap3A_446, %swap3A_447] : memref<1x8x2048xi32, #tpu.memory_space<vmem>>, vector<1x1x2048xi32>
    %swap3A_449 = vector.shape_cast %swap3A_448 : vector<1x1x2048xi32> to vector<2048xi32>
    %swap3A_450 = vector.shape_cast %convert_element_type3A_444 : vector<2048xi32> to vector<1x1x2048xi32>
    tpu.vector_store %arg3[%swap3A_445, %swap3A_446, %swap3A_447], %swap3A_450 {strides = array<i32>} : memref<1x8x2048xi32, #tpu.memory_space<vmem>>, vector<1x1x2048xi32>,
    return
  }
  func.func @transform_0(%arg0: i32) -> (i32, i32, i32) {
    %c0_i32 = arith.constant 0 : i32
    %c0_i32_0 = arith.constant 0 : i32
    %c0_i32_1 = arith.constant 0 : i32
    return %arg0, %c0_i32, %c0_i32_0 : i32, i32, i32
  }
  func.func @transform_1(%arg0: i32) -> (i32, i32) {
    %c0_i32 = arith.constant 0 : i32
    %c0_i32_0 = arith.constant 0 : i32
    %c0_i32_1 = arith.constant 0 : i32
    return %c0_i32, %c0_i32_0 : i32, i32
  }
  func.func @transform_2(%arg0: i32) -> (i32, i32, i32) {
    %c0_i32 = arith.constant 0 : i32
    %c0_i32_0 = arith.constant 0 : i32
    %c0_i32_1 = arith.constant 0 : i32
    return %arg0, %c0_i32, %c0_i32_0 : i32, i32, i32
  }
}

module attributes {stable_mosaic.version = 14 : i64} {
  func.func @_attn_kernel(%arg0: i32, %arg1: i32, %arg2: memref<1x1x1024x64xf32, #tpu.memory_space<vmem>>, %arg3: memref<1x1x1024x64xf32, #tpu.memory_space<vmem>>, %arg4: memref<1x1x1024x64xf32, #tpu.memory_space<vmem>>, %arg5: memref<1x1x1024x64xf32, #tpu.memory_space<vmem>>, %arg6: memref<1x1x16x64xi32, #tpu.memory_space<vmem>>, %arg7: memref<1x1x16x64xi32, #tpu.memory_space<vmem>>, %arg8: memref<1x1x1024x64xf32, #tpu.memory_space<vmem>>, %arg9: memref<1x1x16x64xf32, #tpu.memory_space<vmem>>) attributes {dimension_semantics = [#tpu.dimension_semantics<arbitrary>, #tpu.dimension_semantics<arbitrary>], iteration_bounds = array<i64: 16, 16>, scalar_prefetch = 0 : i64, scratch_operands = 0 : i64, tpu.core_type = #tpu.core_type<tc>, window_params = [{transform_indices = @transform_0, window_bounds = array<i64: 1, 1, 1024, 64>}, {transform_indices = @transform_1, window_bounds = array<i64: 1, 1, 1024, 64>}, {transform_indices = @transform_2, window_bounds = array<i64: 1, 1, 1024, 64>}, {transform_indices = @transform_3, window_bounds = array<i64: 1, 1, 1024, 64>}, {transform_indices = @transform_4, window_bounds = array<i64: 1, 1, 16, 64>}, {transform_indices = @transform_5, window_bounds = array<i64: 1, 1, 16, 64>}, {transform_indices = @transform_6, window_bounds = array<i64: 1, 1, 1024, 64>}, {transform_indices = @transform_7, window_bounds = array<i64: 1, 1, 16, 64>}]} {
    %get3A = arith.constant 0 : index
    %get3A_0 = arith.constant 0 : index
    %get3A_1 = arith.constant 0 : index
    %get3A_2 = arith.constant 0 : index
    %get3A_3 = vector.load %arg2[%get3A, %get3A_0, %get3A_1, %get3A_2] : memref<1x1x1024x64xf32, #tpu.memory_space<vmem>>, vector<1x1x1024x64xf32>
    %get3A_4 = vector.shape_cast %get3A_3 : vector<1x1x1024x64xf32> to vector<1024x64xf32>
    %reshape3A = vector.shape_cast %get3A_4 : vector<1024x64xf32> to vector<16x64x64xf32>
    %get3A_5 = arith.constant 0 : index
    %get3A_6 = arith.constant 0 : index
    %get3A_7 = arith.constant 0 : index
    %get3A_8 = arith.constant 0 : index
    %get3A_9 = vector.load %arg4[%get3A_5, %get3A_6, %get3A_7, %get3A_8] : memref<1x1x1024x64xf32, #tpu.memory_space<vmem>>, vector<1x1x1024x64xf32>
    %get3A_10 = vector.shape_cast %get3A_9 : vector<1x1x1024x64xf32> to vector<1024x64xf32>
    %reshape3A_11 = vector.shape_cast %get3A_10 : vector<1024x64xf32> to vector<16x64x64xf32>
    %get3A_12 = arith.constant 0 : index
    %get3A_13 = arith.constant 0 : index
    %get3A_14 = arith.constant 0 : index
    %get3A_15 = arith.constant 0 : index
    %get3A_16 = vector.load %arg6[%get3A_12, %get3A_13, %get3A_14, %get3A_15] : memref<1x1x16x64xi32, #tpu.memory_space<vmem>>, vector<1x1x16x64xi32>
    %get3A_17 = vector.shape_cast %get3A_16 : vector<1x1x16x64xi32> to vector<16x64xi32>
    %get3A_18 = arith.constant 0 : index
    %get3A_19 = arith.constant 0 : index
    %get3A_20 = arith.constant 0 : index
    %get3A_21 = arith.constant 0 : index
    %get3A_22 = vector.load %arg3[%get3A_18, %get3A_19, %get3A_20, %get3A_21] : memref<1x1x1024x64xf32, #tpu.memory_space<vmem>>, vector<1x1x1024x64xf32>
    %get3A_23 = vector.shape_cast %get3A_22 : vector<1x1x1024x64xf32> to vector<1024x64xf32>
    %slice3A = vector.extract_strided_slice %get3A_23 {offsets = [960, 0], sizes = [64, 64], strides = [1, 1]} : vector<1024x64xf32> to vector<64x64xf32>
    %get3A_24 = arith.constant 0 : index
    %get3A_25 = arith.constant 0 : index
    %get3A_26 = arith.constant 0 : index
    %get3A_27 = arith.constant 0 : index
    %get3A_28 = vector.load %arg5[%get3A_24, %get3A_25, %get3A_26, %get3A_27] : memref<1x1x1024x64xf32, #tpu.memory_space<vmem>>, vector<1x1x1024x64xf32>
    %get3A_29 = vector.shape_cast %get3A_28 : vector<1x1x1024x64xf32> to vector<1024x64xf32>
    %slice3A_30 = vector.extract_strided_slice %get3A_29 {offsets = [960, 0], sizes = [64, 64], strides = [1, 1]} : vector<1024x64xf32> to vector<64x64xf32>
    %get3A_31 = arith.constant 0 : index
    %get3A_32 = arith.constant 0 : index
    %get3A_33 = arith.constant 15 : index
    %get3A_34 = arith.constant 0 : index
    %get3A_35 = vector.load %arg7[%get3A_31, %get3A_32, %get3A_33, %get3A_34] : memref<1x1x16x64xi32, #tpu.memory_space<vmem>>, vector<1x1x1x64xi32>
    %get3A_36 = vector.shape_cast %get3A_35 : vector<1x1x1x64xi32> to vector<64xi32>
    %broadcast_in_dim3A = vector.shape_cast %slice3A : vector<64x64xf32> to vector<1x64x64xf32>
    %slice3A_37 = vector.extract_strided_slice %reshape3A {offsets = [0, 0, 0], sizes = [15, 64, 64], strides = [1, 1, 1]} : vector<16x64x64xf32> to vector<15x64x64xf32>
    %concatenate3A = tpu.concatenate %broadcast_in_dim3A, %slice3A_37 in 0 : vector<1x64x64xf32>, vector<15x64x64xf32> -> vector<16x64x64xf32>
    %broadcast_in_dim3A_38 = vector.shape_cast %slice3A_30 : vector<64x64xf32> to vector<1x64x64xf32>
    %slice3A_39 = vector.extract_strided_slice %reshape3A_11 {offsets = [0, 0, 0], sizes = [15, 64, 64], strides = [1, 1, 1]} : vector<16x64x64xf32> to vector<15x64x64xf32>
    %concatenate3A_40 = tpu.concatenate %broadcast_in_dim3A_38, %slice3A_39 in 0 : vector<1x64x64xf32>, vector<15x64x64xf32> -> vector<16x64x64xf32>
    %reshape3A_41 = vector.shape_cast %get3A_36 : vector<64xi32> to vector<1x64xi32>
    %slice3A_42 = vector.extract_strided_slice %get3A_17 {offsets = [0, 0], sizes = [15, 64], strides = [1, 1]} : vector<16x64xi32> to vector<15x64xi32>
    %concatenate3A_43 = tpu.concatenate %reshape3A_41, %slice3A_42 in 0 : vector<1x64xi32>, vector<15x64xi32> -> vector<16x64xi32>
    %mul3A = arith.mulf %reshape3A, %reshape3A : vector<16x64x64xf32>
    %reduce_sum3A = arith.constant dense<0.000000e+00> : vector<16x64xf32>
    %reduce_sum3A_44 = vector.multi_reduction <add>, %mul3A, %reduce_sum3A [2] : vector<16x64x64xf32> to vector<16x64xf32>
    %broadcast_in_dim3A_45 = vector.shape_cast %reduce_sum3A_44 : vector<16x64xf32> to vector<16x64x1xf32>
    %sqrt3A = math.sqrt %broadcast_in_dim3A_45 : vector<16x64x1xf32>
    %max3A = arith.constant 9.99999996E-13 : f32
    %max3A_46 = vector.broadcast %max3A : f32 to vector<16x64x1xf32>
    %max3A_47 = arith.maximumf %sqrt3A, %max3A_46 : vector<16x64x1xf32>
    %div3A = vector.broadcast %max3A_47 : vector<16x64x1xf32> to vector<16x64x64xf32>
    %div3A_48 = arith.divf %reshape3A, %div3A : vector<16x64x64xf32>
    %mul3A_49 = arith.mulf %concatenate3A, %concatenate3A : vector<16x64x64xf32>
    %reduce_sum3A_50 = arith.constant dense<0.000000e+00> : vector<16x64xf32>
    %reduce_sum3A_51 = vector.multi_reduction <add>, %mul3A_49, %reduce_sum3A_50 [2] : vector<16x64x64xf32> to vector<16x64xf32>
    %broadcast_in_dim3A_52 = vector.shape_cast %reduce_sum3A_51 : vector<16x64xf32> to vector<16x64x1xf32>
    %sqrt3A_53 = math.sqrt %broadcast_in_dim3A_52 : vector<16x64x1xf32>
    %max3A_54 = arith.constant 9.99999996E-13 : f32
    %max3A_55 = vector.broadcast %max3A_54 : f32 to vector<16x64x1xf32>
    %max3A_56 = arith.maximumf %sqrt3A_53, %max3A_55 : vector<16x64x1xf32>
    %div3A_57 = vector.broadcast %max3A_56 : vector<16x64x1xf32> to vector<16x64x64xf32>
    %div3A_58 = arith.divf %concatenate3A, %div3A_57 : vector<16x64x64xf32>
    %concatenate3A_59 = tpu.concatenate %div3A_48, %div3A_58 in 1 : vector<16x64x64xf32>, vector<16x64x64xf32> -> vector<16x128x64xf32>
    %concatenate3A_60 = tpu.concatenate %reshape3A_11, %concatenate3A_40 in 1 : vector<16x64x64xf32>, vector<16x64x64xf32> -> vector<16x128x64xf32>
    %concatenate3A_61 = tpu.concatenate %get3A_17, %concatenate3A_43 in 1 : vector<16x64xi32>, vector<16x64xi32> -> vector<16x128xi32>
    "tpu.trace_start"() <{level = 10 : i32, message = "cie,cje->cij"}> : () -> ()
    %dot_general3A = arith.constant dense<0.000000e+00> : vector<16x64x128xf32>
    %dot_general3A_62 = tpu.matmul %reshape3A, %concatenate3A_59, %dot_general3A {dimension_numbers = #tpu.dot_dimension_numbers<[2], [2], [1], [1], [0, 0, 0, 1, 1, 1], [0], [0]>, transpose_lhs_hint = false} : vector<16x64x64xf32>, vector<16x128x64xf32>, vector<16x64x128xf32> -> vector<16x64x128xf32>
    "tpu.trace_stop"() : () -> ()
    %mul3A_63 = arith.constant 1.250000e-01 : f32
    %mul3A_64 = vector.broadcast %mul3A_63 : f32 to vector<16x64x128xf32>
    %mul3A_65 = arith.mulf %dot_general3A_62, %mul3A_64 : vector<16x64x128xf32>
    %broadcast_in_dim3A_66 = vector.shape_cast %get3A_17 : vector<16x64xi32> to vector<16x64x1xi32>
    %broadcast_in_dim3A_67 = vector.shape_cast %concatenate3A_61 : vector<16x128xi32> to vector<16x1x128xi32>
    %eq3A = vector.broadcast %broadcast_in_dim3A_66 : vector<16x64x1xi32> to vector<16x64x128xi32>
    %eq3A_68 = vector.broadcast %broadcast_in_dim3A_67 : vector<16x1x128xi32> to vector<16x64x128xi32>
    %eq3A_69 = arith.cmpi eq, %eq3A, %eq3A_68 : vector<16x64x128xi32>
    %jit3A = arith.constant -5.000000e+04 : f32
    %broadcast_in_dim3A_70 = vector.broadcast %jit3A : f32 to vector<16x64x128xf32>
    %select_n3A = arith.select %eq3A_69, %broadcast_in_dim3A_70, %mul3A_65 : vector<16x64x128xi1>, vector<16x64x128xf32>
    %reduce_max3A = arith.constant dense<0xFF800000> : vector<16x64xf32>
    %reduce_max3A_71 = vector.multi_reduction <maximumf>, %select_n3A, %reduce_max3A [2] : vector<16x64x128xf32> to vector<16x64xf32>
    %broadcast_in_dim3A_72 = vector.shape_cast %reduce_max3A_71 : vector<16x64xf32> to vector<16x64x1xf32>
    %sub3A = vector.broadcast %broadcast_in_dim3A_72 : vector<16x64x1xf32> to vector<16x64x128xf32>
    %sub3A_73 = arith.subf %select_n3A, %sub3A : vector<16x64x128xf32>
    %exp3A = math.exp %sub3A_73 : vector<16x64x128xf32>
    %reduce_sum3A_74 = arith.constant dense<0.000000e+00> : vector<16x64xf32>
    %reduce_sum3A_75 = vector.multi_reduction <add>, %exp3A, %reduce_sum3A_74 [2] : vector<16x64x128xf32> to vector<16x64xf32>
    %broadcast_in_dim3A_76 = vector.shape_cast %reduce_sum3A_75 : vector<16x64xf32> to vector<16x64x1xf32>
    %log3A = math.log %broadcast_in_dim3A_76 : vector<16x64x1xf32>
    %add3A = arith.addf %broadcast_in_dim3A_72, %log3A : vector<16x64x1xf32>
    %div3A_77 = vector.broadcast %broadcast_in_dim3A_76 : vector<16x64x1xf32> to vector<16x64x128xf32>
    %div3A_78 = arith.divf %exp3A, %div3A_77 : vector<16x64x128xf32>
    "tpu.trace_start"() <{level = 10 : i32, message = "cij,cje->cie"}> : () -> ()
    %dot_general3A_79 = arith.constant dense<0.000000e+00> : vector<16x64x64xf32>
    %dot_general3A_80 = tpu.matmul %div3A_78, %concatenate3A_60, %dot_general3A_79 {dimension_numbers = #tpu.dot_dimension_numbers<[2], [1], [1], [2], [0, 0, 0, 1, 1, 2], [0], [0]>, transpose_lhs_hint = false} : vector<16x64x128xf32>, vector<16x128x64xf32>, vector<16x64x64xf32> -> vector<16x64x64xf32>
    "tpu.trace_stop"() : () -> ()
    %reshape3A_81 = vector.shape_cast %dot_general3A_80 : vector<16x64x64xf32> to vector<1024x64xf32>
    %swap3A = arith.constant 0 : index
    %swap3A_82 = arith.constant 0 : index
    %swap3A_83 = arith.constant 0 : index
    %swap3A_84 = arith.constant 0 : index
    %swap3A_85 = vector.load %arg8[%swap3A, %swap3A_82, %swap3A_83, %swap3A_84] : memref<1x1x1024x64xf32, #tpu.memory_space<vmem>>, vector<1x1x1024x64xf32>
    %swap3A_86 = vector.shape_cast %swap3A_85 : vector<1x1x1024x64xf32> to vector<1024x64xf32>
    %swap3A_87 = vector.shape_cast %reshape3A_81 : vector<1024x64xf32> to vector<1x1x1024x64xf32>
    tpu.vector_store %arg8[%swap3A, %swap3A_82, %swap3A_83, %swap3A_84], %swap3A_87 {strides = array<i32>} : memref<1x1x1024x64xf32, #tpu.memory_space<vmem>>, vector<1x1x1024x64xf32>,
    %reshape3A_88 = vector.shape_cast %add3A : vector<16x64x1xf32> to vector<16x64xf32>
    %swap3A_89 = arith.constant 0 : index
    %swap3A_90 = arith.constant 0 : index
    %swap3A_91 = arith.constant 0 : index
    %swap3A_92 = arith.constant 0 : index
    %swap3A_93 = vector.load %arg9[%swap3A_89, %swap3A_90, %swap3A_91, %swap3A_92] : memref<1x1x16x64xf32, #tpu.memory_space<vmem>>, vector<1x1x16x64xf32>
    %swap3A_94 = vector.shape_cast %swap3A_93 : vector<1x1x16x64xf32> to vector<16x64xf32>
    %swap3A_95 = vector.shape_cast %reshape3A_88 : vector<16x64xf32> to vector<1x1x16x64xf32>
    tpu.vector_store %arg9[%swap3A_89, %swap3A_90, %swap3A_91, %swap3A_92], %swap3A_95 {strides = array<i32>} : memref<1x1x16x64xf32, #tpu.memory_space<vmem>>, vector<1x1x16x64xf32>,
    return
  }
  func.func @transform_0(%arg0: i32, %arg1: i32) -> (i32, i32, i32, i32) {
    %c0_i32 = arith.constant 0 : i32
    %c0_i32_0 = arith.constant 0 : i32
    %c0_i32_1 = arith.constant 0 : i32
    return %arg0, %arg1, %c0_i32, %c0_i32_0 : i32, i32, i32, i32
  }
  func.func @transform_1(%arg0: i32, %arg1: i32) -> (i32, i32, i32, i32) {
    %add3A = arith.constant 16 : i32
    %add3A_0 = arith.addi %arg1, %add3A : i32
    %sub3A = arith.constant 1 : i32
    %sub3A_1 = arith.subi %add3A_0, %sub3A : i32
    %jit3A = arith.constant 16 : i32
    %eq3A = arith.constant 0 : i32
    %eq3A_2 = arith.cmpi eq, %jit3A, %eq3A : i32
    %jit3A_3 = arith.constant 1 : i32
    %select_n3A = arith.select %eq3A_2, %jit3A_3, %jit3A : i32
    %rem3A = arith.remsi %sub3A_1, %select_n3A : i32
    %ne3A = arith.constant 0 : i32
    %ne3A_4 = arith.cmpi ne, %rem3A, %ne3A : i32
    %lt3A = arith.constant 0 : i32
    %lt3A_5 = arith.cmpi slt, %rem3A, %lt3A : i32
    %lt3A_6 = arith.constant 0 : i32
    %lt3A_7 = arith.cmpi slt, %select_n3A, %lt3A_6 : i32
    %ne3A_8 = arith.xori %lt3A_5, %lt3A_7 : i1
    %and3A = arith.andi %ne3A_8, %ne3A_4 : i1
    %add3A_9 = arith.addi %rem3A, %select_n3A : i32
    %select_n3A_10 = arith.select %and3A, %add3A_9, %rem3A : i32
    %c0_i32 = arith.constant 0 : i32
    %c0_i32_11 = arith.constant 0 : i32
    %c0_i32_12 = arith.constant 0 : i32
    return %arg0, %select_n3A_10, %c0_i32, %c0_i32_11 : i32, i32, i32, i32
  }
  func.func @transform_2(%arg0: i32, %arg1: i32) -> (i32, i32, i32, i32) {
    %c0_i32 = arith.constant 0 : i32
    %c0_i32_0 = arith.constant 0 : i32
    %c0_i32_1 = arith.constant 0 : i32
    return %arg0, %arg1, %c0_i32, %c0_i32_0 : i32, i32, i32, i32
  }
  func.func @transform_3(%arg0: i32, %arg1: i32) -> (i32, i32, i32, i32) {
    %add3A = arith.constant 16 : i32
    %add3A_0 = arith.addi %arg1, %add3A : i32
    %sub3A = arith.constant 1 : i32
    %sub3A_1 = arith.subi %add3A_0, %sub3A : i32
    %jit3A = arith.constant 16 : i32
    %eq3A = arith.constant 0 : i32
    %eq3A_2 = arith.cmpi eq, %jit3A, %eq3A : i32
    %jit3A_3 = arith.constant 1 : i32
    %select_n3A = arith.select %eq3A_2, %jit3A_3, %jit3A : i32
    %rem3A = arith.remsi %sub3A_1, %select_n3A : i32
    %ne3A = arith.constant 0 : i32
    %ne3A_4 = arith.cmpi ne, %rem3A, %ne3A : i32
    %lt3A = arith.constant 0 : i32
    %lt3A_5 = arith.cmpi slt, %rem3A, %lt3A : i32
    %lt3A_6 = arith.constant 0 : i32
    %lt3A_7 = arith.cmpi slt, %select_n3A, %lt3A_6 : i32
    %ne3A_8 = arith.xori %lt3A_5, %lt3A_7 : i1
    %and3A = arith.andi %ne3A_8, %ne3A_4 : i1
    %add3A_9 = arith.addi %rem3A, %select_n3A : i32
    %select_n3A_10 = arith.select %and3A, %add3A_9, %rem3A : i32
    %c0_i32 = arith.constant 0 : i32
    %c0_i32_11 = arith.constant 0 : i32
    %c0_i32_12 = arith.constant 0 : i32
    return %arg0, %select_n3A_10, %c0_i32, %c0_i32_11 : i32, i32, i32, i32
  }
  func.func @transform_4(%arg0: i32, %arg1: i32) -> (i32, i32, i32, i32) {
    %c0_i32 = arith.constant 0 : i32
    %c0_i32_0 = arith.constant 0 : i32
    %c0_i32_1 = arith.constant 0 : i32
    return %arg0, %arg1, %c0_i32, %c0_i32_0 : i32, i32, i32, i32
  }
  func.func @transform_5(%arg0: i32, %arg1: i32) -> (i32, i32, i32, i32) {
    %add3A = arith.constant 16 : i32
    %add3A_0 = arith.addi %arg1, %add3A : i32
    %sub3A = arith.constant 1 : i32
    %sub3A_1 = arith.subi %add3A_0, %sub3A : i32
    %jit3A = arith.constant 16 : i32
    %eq3A = arith.constant 0 : i32
    %eq3A_2 = arith.cmpi eq, %jit3A, %eq3A : i32
    %jit3A_3 = arith.constant 1 : i32
    %select_n3A = arith.select %eq3A_2, %jit3A_3, %jit3A : i32
    %rem3A = arith.remsi %sub3A_1, %select_n3A : i32
    %ne3A = arith.constant 0 : i32
    %ne3A_4 = arith.cmpi ne, %rem3A, %ne3A : i32
    %lt3A = arith.constant 0 : i32
    %lt3A_5 = arith.cmpi slt, %rem3A, %lt3A : i32
    %lt3A_6 = arith.constant 0 : i32
    %lt3A_7 = arith.cmpi slt, %select_n3A, %lt3A_6 : i32
    %ne3A_8 = arith.xori %lt3A_5, %lt3A_7 : i1
    %and3A = arith.andi %ne3A_8, %ne3A_4 : i1
    %add3A_9 = arith.addi %rem3A, %select_n3A : i32
    %select_n3A_10 = arith.select %and3A, %add3A_9, %rem3A : i32
    %c0_i32 = arith.constant 0 : i32
    %c0_i32_11 = arith.constant 0 : i32
    %c0_i32_12 = arith.constant 0 : i32
    return %arg0, %select_n3A_10, %c0_i32, %c0_i32_11 : i32, i32, i32, i32
  }
  func.func @transform_6(%arg0: i32, %arg1: i32) -> (i32, i32, i32, i32) {
    %c0_i32 = arith.constant 0 : i32
    %c0_i32_0 = arith.constant 0 : i32
    %c0_i32_1 = arith.constant 0 : i32
    return %arg0, %arg1, %c0_i32, %c0_i32_0 : i32, i32, i32, i32
  }
  func.func @transform_7(%arg0: i32, %arg1: i32) -> (i32, i32, i32, i32) {
    %c0_i32 = arith.constant 0 : i32
    %c0_i32_0 = arith.constant 0 : i32
    %c0_i32_1 = arith.constant 0 : i32
    return %arg0, %arg1, %c0_i32, %c0_i32_0 : i32, i32, i32, i32
  }
}

module attributes {stable_mosaic.version = 14 : i64} {
  func.func @_combine_kernel(%arg0: i32, %arg1: memref<1x8x2048x64xf32, #tpu.memory_space<vmem>>, %arg2: memref<1x8x2048xf32, #tpu.memory_space<vmem>>, %arg3: memref<1x2048x64xf32, #tpu.memory_space<vmem>>) attributes {dimension_semantics = [#tpu.dimension_semantics<arbitrary>], iteration_bounds = array<i64: 16>, scalar_prefetch = 0 : i64, scratch_operands = 0 : i64, tpu.core_type = #tpu.core_type<tc>, window_params = [{transform_indices = @transform_0, window_bounds = array<i64: 1, 8, 2048, 64>}, {transform_indices = @transform_1, window_bounds = array<i64: 1, 8, 2048>}, {transform_indices = @transform_2, window_bounds = array<i64: 1, 2048, 64>}]} {
    %get3A = arith.constant 0 : index
    %get3A_0 = arith.constant 0 : index
    %get3A_1 = arith.constant 0 : index
    %get3A_2 = vector.load %arg2[%get3A, %get3A_0, %get3A_1] : memref<1x8x2048xf32, #tpu.memory_space<vmem>>, vector<1x8x2048xf32>
    %get3A_3 = vector.shape_cast %get3A_2 : vector<1x8x2048xf32> to vector<8x2048xf32>
    %reduce_max3A = arith.constant dense<0xFF800000> : vector<2048xf32>
    %reduce_max3A_4 = vector.multi_reduction <maximumf>, %get3A_3, %reduce_max3A [0] : vector<8x2048xf32> to vector<2048xf32>
    %broadcast_in_dim3A = vector.shape_cast %reduce_max3A_4 : vector<2048xf32> to vector<1x2048xf32>
    %sub3A = vector.broadcast %broadcast_in_dim3A : vector<1x2048xf32> to vector<8x2048xf32>
    %sub3A_5 = arith.subf %get3A_3, %sub3A : vector<8x2048xf32>
    %exp3A = math.exp %sub3A_5 : vector<8x2048xf32>
    %reduce_sum3A = arith.constant dense<0.000000e+00> : vector<2048xf32>
    %reduce_sum3A_6 = vector.multi_reduction <add>, %exp3A, %reduce_sum3A [0] : vector<8x2048xf32> to vector<2048xf32>
    %broadcast_in_dim3A_7 = vector.shape_cast %reduce_sum3A_6 : vector<2048xf32> to vector<1x2048xf32>
    %div3A = vector.broadcast %broadcast_in_dim3A_7 : vector<1x2048xf32> to vector<8x2048xf32>
    %div3A_8 = arith.divf %exp3A, %div3A : vector<8x2048xf32>
    %get3A_9 = arith.constant 0 : index
    %get3A_10 = arith.constant 0 : index
    %get3A_11 = arith.constant 0 : index
    %get3A_12 = arith.constant 0 : index
    %get3A_13 = vector.load %arg1[%get3A_9, %get3A_10, %get3A_11, %get3A_12] : memref<1x8x2048x64xf32, #tpu.memory_space<vmem>>, vector<1x8x2048x64xf32>
    %get3A_14 = vector.shape_cast %get3A_13 : vector<1x8x2048x64xf32> to vector<8x2048x64xf32>
    %broadcast_in_dim3A_15 = vector.shape_cast %div3A_8 : vector<8x2048xf32> to vector<8x2048x1xf32>
    %mul3A = vector.broadcast %broadcast_in_dim3A_15 : vector<8x2048x1xf32> to vector<8x2048x64xf32>
    %mul3A_16 = arith.mulf %get3A_14, %mul3A : vector<8x2048x64xf32>
    %reduce_sum3A_17 = arith.constant dense<0.000000e+00> : vector<2048x64xf32>
    %reduce_sum3A_18 = vector.multi_reduction <add>, %mul3A_16, %reduce_sum3A_17 [0] : vector<8x2048x64xf32> to vector<2048x64xf32>
    %swap3A = arith.constant 0 : index
    %swap3A_19 = arith.constant 0 : index
    %swap3A_20 = arith.constant 0 : index
    %swap3A_21 = vector.load %arg3[%swap3A, %swap3A_19, %swap3A_20] : memref<1x2048x64xf32, #tpu.memory_space<vmem>>, vector<1x2048x64xf32>
    %swap3A_22 = vector.shape_cast %swap3A_21 : vector<1x2048x64xf32> to vector<2048x64xf32>
    %swap3A_23 = vector.shape_cast %reduce_sum3A_18 : vector<2048x64xf32> to vector<1x2048x64xf32>
    tpu.vector_store %arg3[%swap3A, %swap3A_19, %swap3A_20], %swap3A_23 {strides = array<i32>} : memref<1x2048x64xf32, #tpu.memory_space<vmem>>, vector<1x2048x64xf32>,
    return
  }
  func.func @transform_0(%arg0: i32) -> (i32, i32, i32, i32) {
    %c0_i32 = arith.constant 0 : i32
    %c0_i32_0 = arith.constant 0 : i32
    %c0_i32_1 = arith.constant 0 : i32
    %c0_i32_2 = arith.constant 0 : i32
    return %arg0, %c0_i32, %c0_i32_0, %c0_i32_1 : i32, i32, i32, i32
  }
  func.func @transform_1(%arg0: i32) -> (i32, i32, i32) {
    %c0_i32 = arith.constant 0 : i32
    %c0_i32_0 = arith.constant 0 : i32
    %c0_i32_1 = arith.constant 0 : i32
    return %arg0, %c0_i32, %c0_i32_0 : i32, i32, i32
  }
  func.func @transform_2(%arg0: i32) -> (i32, i32, i32) {
    %c0_i32 = arith.constant 0 : i32
    %c0_i32_0 = arith.constant 0 : i32
    %c0_i32_1 = arith.constant 0 : i32
    return %arg0, %c0_i32, %c0_i32_0 : i32, i32, i32
  }
}

</mosaic_0001>

<sc_bundles>
// kernel: kernel.10.cloned.1.call-start
scs
__scs_entry_jumppad:
0x0: {  	(pc) =	sbr.rel $0x88, $3  }
0x1: {  	(tag) =	ssettag $0x0;
	lr =	simm.s32 $0x1  }
0x2: {  	[smem:$0x3F9E] =	sst lr;
	_ =	strace $0xD0000000  }
0x3: {  	_ = 	snop  }
0x4: {  	_ = 	snop  }
0x5: {  	_ = 	snop  }
0x6: {  	_ = 	snop  }
0x7: {  	_ = 	snop  }
__scs_overlays_trampoline_lowered:
0x8: {  	[smem:$0x3FAD] =	sst s0  }
0x9: {  	[smem:$0x3FAE] =	sst s1  }
0xa: {  	[smem:$0x3FAF] =	sst s2  }
0xb: {  	[smem:$0x3FB0] =	sst s3  }
0xc: {  	[smem:$0x3FB1] =	sst s4  }
0xd: {  	[smem:$0x3FB2] =	sst s5  }
0xe: {  	[smem:$0x3FB3] =	sst s6  }
0xf: {  	[smem:$0x3FB4] =	sst s7  }
0x10: {  	[smem:$0x3FB5] =	sst s8  }
0x11: {  	[smem:$0x3FB6] =	sst s9;
	s0 =	simm.s32 @!p0 $0x0  }
0x12: {  	s1 =	sld [smem:$0x3F9C];
	s0 =	simm.s32 @p0 $0x1  }
0x13: {  	[smem:$0x3FB7] =	sst s0;
	s0 =	simm.s32 @!p1 $0x0  }
0x14: {  	s2 =	sld [smem:$0x3F9B];
	s0 =	simm.s32 @p1 $0x1  }
0x15: {  	[smem:$0x3FB8] =	sst s0;
	s0 =	simm.s32 @!p2 $0x0  }
0x16: {  	s3 =	sld [smem:$0x3FDB];
	s0 =	simm.s32 @p2 $0x1  }
0x17: {  	s4 =	simm.s32 $0x1BF5;
	[smem:$0x3FBA] =	sst s0  }
0x18: {  	s0 =	sld [smem:$0x3F9D];
	_ =	swait.ge [sflag:s4], $0x0  }
0x19: {  	s7 =	sld [smem:$0x3F9E]  }
0x1a: {  	s8 =	sadd.s32 $0xFFFFE003, lr  }
0x1b: {  	s9 =	sadd.s32 $0xFFFFFEF7, lr;
	s5 =	simm.s32 $0xFFFFFFFF;
	p2 =	slt.u32 s8, $0xFFFFF086  }
0x1c: {  	p1 =	slt.u32 s9, $0xF7A;
	s5 =	simm.s32 @!p2 $0x0  }
0x1d: {  	s5 =	simm.s32 @p1 $0x1;
	p0 =	seq.s32 s7, s2  }
0x1e: {  	s7 =	smul.u32 @!p0 $0xF7A, s2;
	p2 =	seq.s32 @!p0 s5, $0x0  }
0x1f: {  	s9 =	smul.u32 $0xF7A, s1;
	s8 =	simm.s32 @!p0 $0x1BF5;
	p2 =	por !p2, p0  }
0x20: {  	[sflag:s8] =	ssyncset.s32 @!p0 $0xFFFFF086;
	s6 =	sadd.s32 @!p0 s3, s7;
	s7 =	simm.s32 @!p0 $0x108  }
0x21: {  	s3 =	sadd.s32 s3, s9;
	s6 =	sadd.s32 @!p0 $0x88, s6;
	s7 =	simm.s32 @p2 $0x1082  }
0x22: {  	[simem:s7], [sflag:s8] =	dma.local @!p0 [hbm:s6], $0xF7A  }
0x23: {  	s9 =	sor.u32 $0xD0000000, s2;
	s6 =	simm.s32 $0x108;
	_ =	swait.ge @!p0 [sflag:s8], $0x0  }
0x24: {  	s3 =	sadd.s32 $0x88, s3;
	s6 =	simm.s32 @!p1 $0x1082;
	[sflag:s4] =	ssyncset.s32 $0xFFFFF086  }
0x25: {  	[simem:s6], [sflag:s4] =	dma.local [hbm:s3], $0xF7A  }
0x26: {  	[smem:$0x3F9E] =	sst s1;
	(tag) =	ssettag s2;
	_ =	strace s9  }
0x27: {  	s1 =	sld [smem:$0x3FAE]  }
0x28: {  	s2 =	sld [smem:$0x3FAF]  }
0x29: {  	s4 =	sld [smem:$0x3FB1]  }
0x2a: {  	p0 =	seq.s32 s5, $0x0;
	s5 =	sld [smem:$0x3FB2]  }
0x2b: {  	s6 =	sld [smem:$0x3FB3]  }
0x2c: {  	s7 =	sld [smem:$0x3FB4]  }
0x2d: {  	s3 =	simm.s32 $0x108;
	s8 =	sld [smem:$0x3FB5]  }
0x2e: {  	s3 =	simm.s32 @!p0 $0x1082;
	s9 =	sld [smem:$0x3FB6]  }
0x2f: {  	lr =	sadd.s32 s0, s3;
	s0 =	sld [smem:$0x3FAD]  }
0x30: {  	s3 =	sld [smem:$0x3FB0]  }
0x31: {  	[smem:$0x3FB9] =	sst s10  }
0x32: {  	s10 =	sld [smem:$0x3FB7];
	_ =	sdelay $0x3  }
0x33: {  	p0 =	seq.s32 s10, $0x1;
	s10 =	sld [smem:$0x3FB9];
	_ =	sdelay $0x3  }
0x34: {  	[smem:$0x3FB9] =	sst s10  }
0x35: {  	s10 =	sld [smem:$0x3FB8];
	_ =	sdelay $0x3  }
0x36: {  	p1 =	seq.s32 s10, $0x1;
	s10 =	sld [smem:$0x3FB9];
	_ =	sdelay $0x3  }
0x37: {  	[smem:$0x3FB9] =	sst s10  }
0x38: {  	s10 =	sld [smem:$0x3FBA]  }
0x39: {  	_ = 	snop;
	(pc) =	sbr.ind lr, $3  }
0x3a: {  	_ = 	snop  }
0x3b: {  	_ = 	snop  }
0x3c: {  	p2 =	seq.s32 s10, $0x1;
	s10 =	sld [smem:$0x3FB9]  }
0x3d: {  	_ =	shalt  }
0x3e: {  	_ =	shalt  }
0x3f: {  	_ =	shalt  }
0x40: {  	_ =	shalt  }
0x41: {  	_ =	shalt  }
0x42: {  	_ =	shalt  }
0x43: {  	_ =	shalt  }
0x44: {  	_ =	shalt  }
0x45: {  	_ =	shalt  }
0x46: {  	_ =	shalt  }
0x47: {  	_ =	shalt  }
0x48: {  	_ =	shalt  }
0x49: {  	_ =	shalt  }
0x4a: {  	_ =	shalt  }
0x4b: {  	_ =	shalt  }
0x4c: {  	_ =	shalt  }
0x4d: {  	_ =	shalt  }
0x4e: {  	_ =	shalt  }
0x4f: {  	_ =	shalt  }
0x50: {  	_ =	shalt  }
0x51: {  	_ =	shalt  }
0x52: {  	_ =	shalt  }
0x53: {  	_ =	shalt  }
0x54: {  	_ =	shalt  }
0x55: {  	_ =	shalt  }
0x56: {  	_ =	shalt  }
0x57: {  	_ =	shalt  }
0x58: {  	_ =	shalt  }
0x59: {  	_ =	shalt  }
0x5a: {  	_ =	shalt  }
0x5b: {  	_ =	shalt  }
0x5c: {  	_ =	shalt  }
0x5d: {  	_ =	shalt  }
0x5e: {  	_ =	shalt  }
0x5f: {  	_ =	shalt  }
0x60: {  	_ =	shalt  }
0x61: {  	_ =	shalt  }
0x62: {  	_ =	shalt  }
0x63: {  	_ =	shalt  }
0x64: {  	_ =	shalt  }
0x65: {  	_ =	shalt  }
0x66: {  	_ =	shalt  }
0x67: {  	_ =	shalt  }
0x68: {  	_ =	shalt  }
0x69: {  	_ =	shalt  }
0x6a: {  	_ =	shalt  }
0x6b: {  	_ =	shalt  }
0x6c: {  	_ =	shalt  }
0x6d: {  	_ =	shalt  }
0x6e: {  	_ =	shalt  }
0x6f: {  	_ =	shalt  }
0x70: {  	_ =	shalt  }
0x71: {  	_ =	shalt  }
0x72: {  	_ =	shalt  }
0x73: {  	_ =	shalt  }
0x74: {  	_ =	shalt  }
0x75: {  	_ =	shalt  }
0x76: {  	_ =	shalt  }
0x77: {  	_ =	shalt  }
0x78: {  	_ =	shalt  }
0x79: {  	_ =	shalt  }
0x7a: {  	_ =	shalt  }
0x7b: {  	_ =	shalt  }
0x7c: {  	_ =	shalt  }
0x7d: {  	_ =	shalt  }
0x7e: {  	_ =	shalt  }
0x7f: {  	_ =	shalt  }
0x80: {  	_ =	shalt  }
0x81: {  	_ =	shalt  }
0x82: {  	_ =	shalt  }
0x83: {  	_ =	shalt  }
0x84: {  	_ =	shalt  }
0x85: {  	_ =	shalt  }
0x86: {  	_ =	shalt  }
0x87: {  	_ =	shalt  }
.Lfunc_end0:
.L_simem_size_0:
called_computation.1_lowered:
.L_overlay_start_0:
0x88: {  	s2 =	sld [smem:$0x3FD9]  }
0x89: {  	s3 =	sld [smem:$0x3FFE];
	_ =	sdelay $0x1  }
0x8a: {  	s1 =	srdreg.scid  }
0x8b: {  	s0 =	sand.u32 $0x1, s1  }
0x8c: {  	s17 =	sshll.u32 s0, $0xA;
	s2 =	sadd.s32 s3, s2  }
0x8d: {  	s2 =	sadd.s32 s2, s17  }
0x8e: {  	[smem:$0x3FC5] =	sst s2  }
0x8f: {  	_ = 	snop  }
0x90: {  	s2 =	sld [smem:$0x3FD0];
	(tm) =	ssettm $0x1  }
0x91: {  	s18 =	sld [smem:$0x3FFB];
	_ =	sdelay $0x3  }
0x92: {  	_ =	strace s18  }
0x93: {  	s3 =	sld [smem:$0x3FFC];
	_ =	sdelay $0x3  }
0x94: {  	_ =	strace s3  }
0x95: {  	s3 =	sld [smem:$0x3FFD];
	_ =	sdelay $0x3  }
0x96: {  	_ =	strace s3  }
0x97: {  	_ =	strace $0x8FFFFFFF  }
0x98: {  	s19 =	sld [smem:$0x3FDB];
	_ =	sdelay $0x1  }
0x99: {  	s4 =	simm.s32 $_scs_section_size  }
0x9a: {  	s5 =	simm.s32 $_size__tile_overlayer_lowered;
	s6 =	simm.s32 $_tile_overlayer_lowered  }
0x9b: {  	s22 =	simm.s32 $0x1BFF;
	s21 =	sshll.u32 s6, $0x1;
	s3 =	sadd.s32 s4, s19  }
0x9c: {  	s7 =	simm.s32 $0x0;
	s20 =	sshll.u32 s5, $0x1;
	s5 =	sadd.s32 s21, s3  }
0x9d: {  	[timem:s7], [sflag:s22] =	dma.local [hbm:s5], s20  }
0x9e: {  	_ =	swait.ge [sflag:s22], s20  }
0x9f: {  	s4 =	ssub.s32 $0x0, s20;
	[sflag:s22] =	ssyncset.done $0x0  }
0xa0: {  	[sflag:s22] =	ssyncadd.s32 s4;
	_ =	sdelay $0x1  }
0xa1: {  	s23 =	simm.s32 $0x1B8B  }
0xa2: {  	_ =	swait.ge [sflag:s23], $0x1  }
0xa3: {  	[sflag:s23] =	ssyncset.done $0x0  }
0xa4: {  	s25 =	simm.s32 $0x1B8E;
	s24 =	sld [smem:$0x3FFE];
	[sflag:s23] =	ssyncadd.s32 $0xFFFFFFFF  }
0xa5: {  	s26 =	simm.s32 $execute0_lowered;
	[smem:$0x3FD2] =	sst s25  }
0xa6: {  	s5 =	sshll.u32 s26, $0x1;
	_ =	strace $0x80000049;
	[dreg:$0x1] =	wrdreg $0xFFFFFFFF  }
0xa7: {  	s28 =	simm.s32 $_size_execute0_lowered;
	s3 =	sadd.s32 s3, s5;
	[dreg:$0x0] =	wrdreg $0x0  }
0xa8: {  	s5 =	sshll.u32 s28, $0x1;
	[dreg:$0x2] =	wrdreg s3  }
0xa9: {  	[dreg:$0x3] =	wrdreg s5  }
0xaa: {  	[dreg:$0x4] =	wrdreg $0xC0  }
0xab: {  	_ =	task [dreg:s7], $0x5FFFF  }
0xac: {  	[dreg:$0x1] =	wrdreg $0xFFFFFFFF  }
0xad: {  	[dreg:$0x0] =	wrdreg $0x60  }
0xae: {  	[dreg:$0x2] =	wrdreg s24  }
0xaf: {  	[dreg:$0x3] =	wrdreg s2  }
0xb0: {  	[dreg:$0x4] =	wrdreg $0x9  }
0xb1: {  	_ =	task.clear_ibuf [dreg:s7], $0x5FFFF;
	_ =	strace $0x90000049  }
0xb2: {  	s29 =	simm.s32 $0x9;
	_ =	strace $0x8000004B  }
0xb3: {  	_ =	swait.ge [sflag:s29], $0x1  }
0xb4: {  	[sflag:s29] =	ssyncadd.s32 $0xFFFFFFFF  }
0xb5: {  	_ =	strace $0x9000004B  }
0xb6: {  	_ =	sfence  }
0xb7: {  	s30 =	sld [smem:$0x0];
	_ =	sdelay $0x2  }
0xb8: {  	s31 =	sshll.u32 s1, $0xD;
	s1 =	sshrl.u32 s1, $0x2  }
0xb9: {  	s3 =	sand.u32 $0x4000, s31;
	s1 =	sadd.s32 s1, s30  }
0xba: {  	s0 =	sor.u32 s3, s0;
	s1 =	sshll.u32 s1, $0x11  }
0xbb: {  	s0 =	sor.u32 s1, s0  }
0xbc: {  	s0 =	sadd.s32 $0x8F2B, s0  }
0xbd: {  	[sflag:s0] =	ssyncadd.remote.s32 $0x1  }
0xbe: {  	_ =	sfence.sel $0xFFFF  }
0xbf: {  	[dreg:$0x0] =	wrdreg $0xFFFFFFFF;
	(pc) =	sbr.abs _section_cstart, $3  }
0xc0: {  	[dreg:$0x1] =	wrdreg $0xFFFFFFFF  }
0xc1: {  	_ =	task.clear_ibuf [dreg:s7], $0x2FFFF;
	_ =	strace $0x9FFFFFFF  }
0xc2: {  	(tm) =	ssettm $0x7FFFFFFF  }
0xc3: {  	_ =	shalt  }
tec
execute0_lowered:
.L_overlay_start_1:
0x0: {  	(tag) =	ssettag $0x1  }
0x1: {  	s0 =	rddreg [dreg:$0x0]  }
0x2: {  	s15 =	rddreg [dreg:$0x1];
	s1 =	simm.s32 $0x0;
	s4 =	srdreg.scid  }
0x3: {  	s2 =	stileid.u32;
	s22 =	simm.s32 $0x2;
	s24 =	simm.s32 $0x1800  }
0x4: {  	[smem:$0x7FF] =	sst s1;
	s14 =	sadd.s32 $0x1A00, s0;
	s3 =	sadd.s32 $0x409A00, s0  }
0x5: {  	s16 =	sand.u32 $0x1, s4;
	s5 =	sshll.u32 s2, $0x1;
	s4 =	sadd.s32 $0x11A00, s0  }
0x6: {  	s0 =	sadd.s32 $0x9A00, s0;
	s19 =	sshll.u32 s2, $0x11;
	_ =	strace $0x8000004A  }
0x7: {  	s6 =	ssub.s32 $0x2, s16;
	s5 =	sor.u32 s16, s5;
	s20 =	sshll.u32 s16, $0x10  }
0x8: {  	s31 =	sadd.s32 s19, s4;
	s7 =	sshrl.u32 s6, $0x1;
	s23 =	sshll.u32 s5, $0xD  }
0x9: {  	s25 =	sshll.u32 s5, $0xA;
	s21 =	sor.u32 s20, s19;
	s17 =	ssub.s32 s6, s7  }
0xa: {  	s26 =	sor.u32 $0x800, s23;
	s5 =	sadd.s32 s14, s25;
	s30 =	sadd.s32 s15, s25  }
0xb: {  	s7 =	sadd.s32 s0, s25;
	s28 =	sor.u32 $0x1000, s23;
	s29 =	sor.u32 $0x1800, s23  }
0xc: {  	s19 =	sor.u32 $0x4000, s21;
	v0 =	vmov s23;
	s23 =	simm.s32 $0x1000;
	[dreg:$0x3] =	wrdreg s5  }
0xd: {  	s25 =	simm.s32 $0x80;
	[dreg:$0x4] =	wrdreg s30;
	s10 =	sshrl.u32 s26, $0x3  }
0xe: {  	s13 =	sshrl.u32 s28, $0x3;
	s18 =	sshrl.u32 s29, $0x3;
	s17 =	smax.u32 s17, $0x1  }
0xf: {  	v1 =	vmov s26;
	v2 =	vmov s28;
	v3 =	vmov s29;
	s26 =	simm.s32 $0x2000;
	s28 =	simm.s32 $0x1;
	s29 =	simm.s32 $0x0  }
0x10: {  	s8 =	sadd.s32 s14, s10;
	s9 =	sadd.s32 s15, s10;
	s10 =	sadd.s32 s0, s10  }
0x11: {  	s11 =	sadd.s32 s14, s13;
	s12 =	sadd.s32 s15, s13;
	s14 =	sadd.s32 s14, s18  }
0x12: {  	s15 =	sadd.s32 s15, s18;
	s16 =	sadd.s32 s0, s18;
	s18 =	sadd.s32 s20, s31  }
0x13: {  	s13 =	sadd.s32 s0, s13;
	s20 =	sor.u32 $0x8000, s21;
	s21 =	sadd.s32 $0xC000, s18  }
.LBB2_1:
0x14: {  	s0 =	rddreg [dreg:$0x3]  }
0x15: {  	[tilespmem:s1], [sflag:$0x2] =	stream.linear.gather [hbm4b:s0+s1], $0x800, $0x38;
	[tilespmem:$0x4000] =	vst v63  }
0x16: {  	_ =	swait.ge [sflag:s22], $0x800  }
0x17: {  	[sflag:s22] =	ssyncset.done $0x0  }
0x18: {  	s6 =	rddreg [dreg:$0x4];
	[sflag:s22] =	ssyncadd.s32 $0xFFFFF800  }
0x19: {  	[tilespmem:s23], [sflag:$0x2] =	stream.linear.gather [hbm4b:s6+s1], $0x800, $0x38;
	[tilespmem:$0x4000] =	vst v63  }
0x1a: {  	_ =	swait.ge [sflag:s22], $0x800  }
0x1b: {  	[sflag:s22] =	ssyncset.done $0x0  }
0x1c: {  	s30 =	simm.s32 $0x0;
	[sflag:s22] =	ssyncadd.s32 $0xFFFFF800  }
0x1d: {  	v4 =	vld [tilespmem:s30+$0x0];
	_ =	sdelay $0x6  }
0x1e: {  	v5 =	vadd.s32 v0, v4  }
0x1f: {  	s31 =	simm.s32 $0x10;
	s0 =	simm.s32 $0x80;
	v4 =	vld.idx.msk [tilespmem:v4+s23+$0x0], $0xffff;
	[tilespmem:s30+$0x800] =	vst v5  }
.LBB2_2:
0x20: {  	p0 =	sne.s32 s0, $0x1FC0;
	v5 =	vld [tilespmem:s31+$0x0];
	_ =	sdelay $0x3  }
.Ltmp0:
0x21: {  	(pc) =	sbr.rel @p0 .LBB2_2-.Ltmp0, $3  }
0x22: {  	[tilespmem:s30+$0x1800] =	vst v4;
	s30 =	smov.u32 s31;
	_ =	sdelay $0x1  }
0x23: {  	v6 =	vadd.s32 v0, v5  }
0x24: {  	s31 =	sshra.s32 s0, $0x2;
	s0 =	sadd.s32 $0x40, s0;
	v4 =	vld.idx.msk [tilespmem:v5+s23+$0x0], $0xffff;
	[tilespmem:s30+$0x800] =	vst v6  }
0x25: {  	v5 =	vld [tilespmem:s31+$0x0];
	_ =	sdelay $0x6  }
0x26: {  	[tilespmem:s30+$0x1800] =	vst v4  }
0x27: {  	v4 =	vld.idx.msk [tilespmem:v5+s23+$0x0], $0xffff;
	_ =	sdelay $0x2  }
0x28: {  	v5 =	vadd.s32 v0, v5  }
0x29: {  	[tilespmem:s31+$0x800] =	vst v5  }
0x2a: {  	s0 =	simm.s32 $0x0;
	[tilespmem:s31+$0x1800] =	vst v4  }
0x2b: {  	[hbm4b:s7+s0] =	stream.linear.scatter [tilespmem:s24], [sflag:$0x2], $0x800, $0x38;
	[tilespmem:$0x4000] =	vst v63  }
0x2c: {  	_ =	swait.ge [sflag:s22], $0x800  }
0x2d: {  	[sflag:s22] =	ssyncset.done $0x0  }
0x2e: {  	s6 =	simm.s32 $0x800;
	[sflag:s22] =	ssyncadd.s32 $0xFFFFF800  }
0x2f: {  	[tilespmem:s26], [sflag:$0x1] =	stream.indirect.gather [hbm4b:s3+s25], $0x40, s6, s25, $0xb8;
	[tilespmem:$0x4000] =	vst v63  }
0x30: {  	_ =	swait.ge [sflag:s28], $0x2000  }
0x31: {  	[sflag:s28] =	ssyncset.done $0x0  }
0x32: {  	[sflag:s28] =	ssyncadd.s32 $0xFFFFE000  }
0x33: {  	[hbm4b:s18+s1] =	stream.linear.scatter [tilespmem:s26], [sflag:$0x2], $0x2000, $0x38;
	[tilespmem:$0x4000] =	vst v63  }
0x34: {  	s30 =	sadd.s32 $0x400, s18;
	_ =	swait.ge [sflag:s22], $0x2000  }
0x35: {  	s31 =	simm.s32 $0x80;
	s0 =	simm.s32 $0x400;
	[sflag:s22] =	ssyncset.done $0x0  }
.LBB2_4:
0x36: {  	s31 =	sadd.s32 $0x800, s31  }
0x37: {  	[sflag:s22] =	ssyncadd.s32 $0xFFFFE000;
	s2 =	smov.u32 s0;
	s5 =	sadd.s32 $0x200, s0  }
0x38: {  	[tilespmem:s26], [sflag:$0x1] =	stream.indirect.gather [hbm4b:s3+s25], $0x40, s31, s25, $0xb8;
	[tilespmem:$0x4000] =	vst v63  }
0x39: {  	p0 =	sne.s32 s0, $0x1E00;
	_ =	swait.ge [sflag:s28], $0x2000  }
.Ltmp1:
0x3a: {  	[sflag:s28] =	ssyncset.done $0x0;
	(pc) =	sbr.rel @p0 .LBB2_4-.Ltmp1, $4  }
0x3b: {  	[sflag:s28] =	ssyncadd.s32 $0xFFFFE000  }
0x3c: {  	[hbm4b:s30+s1] =	stream.linear.scatter [tilespmem:s26], [sflag:$0x2], $0x2000, $0x38;
	[tilespmem:$0x4000] =	vst v63  }
0x3d: {  	s31 =	sshra.s32 s2, $0x2;
	_ =	swait.ge [sflag:s22], $0x2000  }
0x3e: {  	s0 =	smov.u32 s5;
	s30 =	sadd.s32 $0x400, s30;
	[sflag:s22] =	ssyncset.done $0x0  }
0x3f: {  	s0 =	sadd.s32 $0x800, s31;
	[sflag:s22] =	ssyncadd.s32 $0xFFFFE000  }
0x40: {  	[tilespmem:s26], [sflag:$0x1] =	stream.indirect.gather [hbm4b:s3+s25], $0x40, s0, s25, $0xb8;
	[tilespmem:$0x4000] =	vst v63  }
0x41: {  	_ =	swait.ge [sflag:s28], $0x2000  }
0x42: {  	[sflag:s28] =	ssyncset.done $0x0  }
0x43: {  	[sflag:s28] =	ssyncadd.s32 $0xFFFFE000  }
0x44: {  	[hbm4b:s30+s1] =	stream.linear.scatter [tilespmem:s26], [sflag:$0x2], $0x2000, $0x38;
	[tilespmem:$0x4000] =	vst v63  }
0x45: {  	_ =	swait.ge [sflag:s22], $0x2000  }
0x46: {  	[sflag:s22] =	ssyncset.done $0x0  }
0x47: {  	s6 =	simm.s32 $0x0;
	[sflag:s22] =	ssyncadd.s32 $0xFFFFE000  }
0x48: {  	[tilespmem:s6], [sflag:$0x2] =	stream.linear.gather [hbm4b:s8+s6], $0x800, $0x38;
	[tilespmem:$0x4000] =	vst v63  }
0x49: {  	_ =	swait.ge [sflag:s22], $0x800  }
0x4a: {  	[sflag:s22] =	ssyncset.done $0x0  }
0x4b: {  	[sflag:s22] =	ssyncadd.s32 $0xFFFFF800  }
0x4c: {  	[tilespmem:s23], [sflag:$0x2] =	stream.linear.gather [hbm4b:s9+s6], $0x800, $0x38;
	[tilespmem:$0x4000] =	vst v63  }
0x4d: {  	_ =	swait.ge [sflag:s22], $0x800  }
0x4e: {  	[sflag:s22] =	ssyncset.done $0x0  }
0x4f: {  	s30 =	simm.s32 $0x0;
	[sflag:s22] =	ssyncadd.s32 $0xFFFFF800  }
0x50: {  	v4 =	vld [tilespmem:s30+$0x0];
	_ =	sdelay $0x6  }
0x51: {  	v5 =	vadd.s32 v1, v4  }
0x52: {  	s31 =	simm.s32 $0x10;
	s0 =	simm.s32 $0x80;
	v4 =	vld.idx.msk [tilespmem:v4+s23+$0x0], $0xffff;
	[tilespmem:s30+$0x800] =	vst v5  }
.LBB2_6:
0x53: {  	p0 =	sne.s32 s0, $0x1FC0;
	v5 =	vld [tilespmem:s31+$0x0];
	_ =	sdelay $0x3  }
.Ltmp2:
0x54: {  	(pc) =	sbr.rel @p0 .LBB2_6-.Ltmp2, $3  }
0x55: {  	[tilespmem:s30+$0x1800] =	vst v4;
	s30 =	smov.u32 s31;
	_ =	sdelay $0x1  }
0x56: {  	v6 =	vadd.s32 v1, v5  }
0x57: {  	s31 =	sshra.s32 s0, $0x2;
	s0 =	sadd.s32 $0x40, s0;
	v4 =	vld.idx.msk [tilespmem:v5+s23+$0x0], $0xffff;
	[tilespmem:s30+$0x800] =	vst v6  }
0x58: {  	v5 =	vld [tilespmem:s31+$0x0];
	_ =	sdelay $0x6  }
0x59: {  	[tilespmem:s30+$0x1800] =	vst v4  }
0x5a: {  	v4 =	vld.idx.msk [tilespmem:v5+s23+$0x0], $0xffff;
	_ =	sdelay $0x2  }
0x5b: {  	v5 =	vadd.s32 v1, v5  }
0x5c: {  	[tilespmem:s31+$0x800] =	vst v5  }
0x5d: {  	s0 =	simm.s32 $0x0;
	[tilespmem:s31+$0x1800] =	vst v4  }
0x5e: {  	[hbm4b:s10+s0] =	stream.linear.scatter [tilespmem:s24], [sflag:$0x2], $0x800, $0x38;
	[tilespmem:$0x4000] =	vst v63  }
0x5f: {  	_ =	swait.ge [sflag:s22], $0x800  }
0x60: {  	[sflag:s22] =	ssyncset.done $0x0  }
0x61: {  	s5 =	simm.s32 $0x800;
	[sflag:s22] =	ssyncadd.s32 $0xFFFFF800  }
0x62: {  	[tilespmem:s26], [sflag:$0x1] =	stream.indirect.gather [hbm4b:s3+s25], $0x40, s5, s25, $0xb8;
	[tilespmem:$0x4000] =	vst v63  }
0x63: {  	_ =	swait.ge [sflag:s28], $0x2000  }
0x64: {  	s6 =	sand.u32 $0x1FFF7C00, s19;
	[sflag:s28] =	ssyncset.done $0x0  }
0x65: {  	s0 =	sadd.s32 s4, s6;
	[sflag:s28] =	ssyncadd.s32 $0xFFFFE000  }
0x66: {  	[hbm4b:s0+s1] =	stream.linear.scatter [tilespmem:s26], [sflag:$0x2], $0x2000, $0x38;
	[tilespmem:$0x4000] =	vst v63  }
0x67: {  	s30 =	sadd.s32 $0x400, s19;
	_ =	swait.ge [sflag:s22], $0x2000  }
0x68: {  	s31 =	simm.s32 $0x80;
	s0 =	simm.s32 $0x400;
	[sflag:s22] =	ssyncset.done $0x0  }
.LBB2_8:
0x69: {  	s2 =	sadd.s32 $0x800, s31  }
0x6a: {  	[sflag:s22] =	ssyncadd.s32 $0xFFFFE000;
	s5 =	smov.u32 s0;
	s6 =	sadd.s32 $0x200, s0  }
0x6b: {  	[tilespmem:s26], [sflag:$0x1] =	stream.indirect.gather [hbm4b:s3+s25], $0x40, s2, s25, $0xb8;
	[tilespmem:$0x4000] =	vst v63  }
0x6c: {  	p0 =	sne.s32 s0, $0x1E00;
	_ =	swait.ge [sflag:s28], $0x2000  }
.Ltmp3:
0x6d: {  	s0 =	sand.u32 $0x1FFF7C00, s30;
	[sflag:s28] =	ssyncset.done $0x0;
	(pc) =	sbr.rel @p0 .LBB2_8-.Ltmp3, $4  }
0x6e: {  	s0 =	sadd.s32 s4, s0;
	[sflag:s28] =	ssyncadd.s32 $0xFFFFE000  }
0x6f: {  	[hbm4b:s0+s1] =	stream.linear.scatter [tilespmem:s26], [sflag:$0x2], $0x2000, $0x38;
	[tilespmem:$0x4000] =	vst v63  }
0x70: {  	s30 =	sadd.s32 $0x400, s30;
	_ =	swait.ge [sflag:s22], $0x2000  }
0x71: {  	s31 =	sshra.s32 s5, $0x2;
	s0 =	smov.u32 s6;
	[sflag:s22] =	ssyncset.done $0x0  }
0x72: {  	s0 =	sadd.s32 $0x800, s31;
	[sflag:s22] =	ssyncadd.s32 $0xFFFFE000  }
0x73: {  	[tilespmem:s26], [sflag:$0x1] =	stream.indirect.gather [hbm4b:s3+s25], $0x40, s0, s25, $0xb8;
	[tilespmem:$0x4000] =	vst v63  }
0x74: {  	_ =	swait.ge [sflag:s28], $0x2000  }
0x75: {  	s5 =	sand.u32 $0x1FFF7C00, s30;
	[sflag:s28] =	ssyncset.done $0x0  }
0x76: {  	s0 =	sadd.s32 s4, s5;
	[sflag:s28] =	ssyncadd.s32 $0xFFFFE000  }
0x77: {  	[hbm4b:s0+s1] =	stream.linear.scatter [tilespmem:s26], [sflag:$0x2], $0x2000, $0x38;
	[tilespmem:$0x4000] =	vst v63  }
0x78: {  	_ =	swait.ge [sflag:s22], $0x2000  }
0x79: {  	[sflag:s22] =	ssyncset.done $0x0  }
0x7a: {  	s6 =	simm.s32 $0x0;
	[sflag:s22] =	ssyncadd.s32 $0xFFFFE000  }
0x7b: {  	[tilespmem:s6], [sflag:$0x2] =	stream.linear.gather [hbm4b:s11+s6], $0x800, $0x38;
	[tilespmem:$0x4000] =	vst v63  }
0x7c: {  	_ =	swait.ge [sflag:s22], $0x800  }
0x7d: {  	[sflag:s22] =	ssyncset.done $0x0  }
0x7e: {  	[sflag:s22] =	ssyncadd.s32 $0xFFFFF800  }
0x7f: {  	[tilespmem:s23], [sflag:$0x2] =	stream.linear.gather [hbm4b:s12+s6], $0x800, $0x38;
	[tilespmem:$0x4000] =	vst v63  }
0x80: {  	_ =	swait.ge [sflag:s22], $0x800  }
0x81: {  	[sflag:s22] =	ssyncset.done $0x0  }
0x82: {  	s30 =	simm.s32 $0x0;
	[sflag:s22] =	ssyncadd.s32 $0xFFFFF800  }
0x83: {  	v4 =	vld [tilespmem:s30+$0x0];
	_ =	sdelay $0x6  }
0x84: {  	v5 =	vadd.s32 v2, v4  }
0x85: {  	s31 =	simm.s32 $0x10;
	s0 =	simm.s32 $0x80;
	v4 =	vld.idx.msk [tilespmem:v4+s23+$0x0], $0xffff;
	[tilespmem:s30+$0x800] =	vst v5  }
.LBB2_10:
0x86: {  	p0 =	sne.s32 s0, $0x1FC0;
	v5 =	vld [tilespmem:s31+$0x0];
	_ =	sdelay $0x3  }
.Ltmp4:
0x87: {  	(pc) =	sbr.rel @p0 .LBB2_10-.Ltmp4, $3  }
0x88: {  	[tilespmem:s30+$0x1800] =	vst v4;
	s30 =	smov.u32 s31;
	_ =	sdelay $0x1  }
0x89: {  	v6 =	vadd.s32 v2, v5  }
0x8a: {  	s31 =	sshra.s32 s0, $0x2;
	s0 =	sadd.s32 $0x40, s0;
	v4 =	vld.idx.msk [tilespmem:v5+s23+$0x0], $0xffff;
	[tilespmem:s30+$0x800] =	vst v6  }
0x8b: {  	v5 =	vld [tilespmem:s31+$0x0];
	_ =	sdelay $0x6  }
0x8c: {  	[tilespmem:s30+$0x1800] =	vst v4  }
0x8d: {  	v4 =	vld.idx.msk [tilespmem:v5+s23+$0x0], $0xffff;
	_ =	sdelay $0x2  }
0x8e: {  	v5 =	vadd.s32 v2, v5  }
0x8f: {  	[tilespmem:s31+$0x800] =	vst v5  }
0x90: {  	s0 =	simm.s32 $0x0;
	[tilespmem:s31+$0x1800] =	vst v4  }
0x91: {  	[hbm4b:s13+s0] =	stream.linear.scatter [tilespmem:s24], [sflag:$0x2], $0x800, $0x38;
	[tilespmem:$0x4000] =	vst v63  }
0x92: {  	_ =	swait.ge [sflag:s22], $0x800  }
0x93: {  	[sflag:s22] =	ssyncset.done $0x0  }
0x94: {  	s5 =	simm.s32 $0x800;
	[sflag:s22] =	ssyncadd.s32 $0xFFFFF800  }
0x95: {  	[tilespmem:s26], [sflag:$0x1] =	stream.indirect.gather [hbm4b:s3+s25], $0x40, s5, s25, $0xb8;
	[tilespmem:$0x4000] =	vst v63  }
0x96: {  	_ =	swait.ge [sflag:s28], $0x2000  }
0x97: {  	s6 =	sand.u32 $0x1FFFBC00, s20;
	[sflag:s28] =	ssyncset.done $0x0  }
0x98: {  	s0 =	sadd.s32 s4, s6;
	[sflag:s28] =	ssyncadd.s32 $0xFFFFE000  }
0x99: {  	[hbm4b:s0+s1] =	stream.linear.scatter [tilespmem:s26], [sflag:$0x2], $0x2000, $0x38;
	[tilespmem:$0x4000] =	vst v63  }
0x9a: {  	s30 =	sadd.s32 $0x400, s20;
	_ =	swait.ge [sflag:s22], $0x2000  }
0x9b: {  	s31 =	simm.s32 $0x80;
	s0 =	simm.s32 $0x400;
	[sflag:s22] =	ssyncset.done $0x0  }
.LBB2_12:
0x9c: {  	s2 =	sadd.s32 $0x800, s31  }
0x9d: {  	[sflag:s22] =	ssyncadd.s32 $0xFFFFE000;
	s5 =	smov.u32 s0;
	s6 =	sadd.s32 $0x200, s0  }
0x9e: {  	[tilespmem:s26], [sflag:$0x1] =	stream.indirect.gather [hbm4b:s3+s25], $0x40, s2, s25, $0xb8;
	[tilespmem:$0x4000] =	vst v63  }
0x9f: {  	p0 =	sne.s32 s0, $0x1E00;
	_ =	swait.ge [sflag:s28], $0x2000  }
.Ltmp5:
0xa0: {  	s0 =	sand.u32 $0x1FFFBC00, s30;
	[sflag:s28] =	ssyncset.done $0x0;
	(pc) =	sbr.rel @p0 .LBB2_12-.Ltmp5, $4  }
0xa1: {  	s0 =	sadd.s32 s4, s0;
	[sflag:s28] =	ssyncadd.s32 $0xFFFFE000  }
0xa2: {  	[hbm4b:s0+s1] =	stream.linear.scatter [tilespmem:s26], [sflag:$0x2], $0x2000, $0x38;
	[tilespmem:$0x4000] =	vst v63  }
0xa3: {  	s30 =	sadd.s32 $0x400, s30;
	_ =	swait.ge [sflag:s22], $0x2000  }
0xa4: {  	s31 =	sshra.s32 s5, $0x2;
	s0 =	smov.u32 s6;
	[sflag:s22] =	ssyncset.done $0x0  }
0xa5: {  	s0 =	sadd.s32 $0x800, s31;
	[sflag:s22] =	ssyncadd.s32 $0xFFFFE000  }
0xa6: {  	[tilespmem:s26], [sflag:$0x1] =	stream.indirect.gather [hbm4b:s3+s25], $0x40, s0, s25, $0xb8;
	[tilespmem:$0x4000] =	vst v63  }
0xa7: {  	_ =	swait.ge [sflag:s28], $0x2000  }
0xa8: {  	s5 =	sand.u32 $0x1FFFBC00, s30;
	[sflag:s28] =	ssyncset.done $0x0  }
0xa9: {  	s0 =	sadd.s32 s4, s5;
	[sflag:s28] =	ssyncadd.s32 $0xFFFFE000  }
0xaa: {  	[hbm4b:s0+s1] =	stream.linear.scatter [tilespmem:s26], [sflag:$0x2], $0x2000, $0x38;
	[tilespmem:$0x4000] =	vst v63  }
0xab: {  	_ =	swait.ge [sflag:s22], $0x2000  }
0xac: {  	[sflag:s22] =	ssyncset.done $0x0  }
0xad: {  	s6 =	simm.s32 $0x0;
	[sflag:s22] =	ssyncadd.s32 $0xFFFFE000  }
0xae: {  	[tilespmem:s6], [sflag:$0x2] =	stream.linear.gather [hbm4b:s14+s6], $0x800, $0x38;
	[tilespmem:$0x4000] =	vst v63  }
0xaf: {  	_ =	swait.ge [sflag:s22], $0x800  }
0xb0: {  	[sflag:s22] =	ssyncset.done $0x0  }
0xb1: {  	[sflag:s22] =	ssyncadd.s32 $0xFFFFF800  }
0xb2: {  	[tilespmem:s23], [sflag:$0x2] =	stream.linear.gather [hbm4b:s15+s6], $0x800, $0x38;
	[tilespmem:$0x4000] =	vst v63  }
0xb3: {  	_ =	swait.ge [sflag:s22], $0x800  }
0xb4: {  	[sflag:s22] =	ssyncset.done $0x0  }
0xb5: {  	s30 =	simm.s32 $0x0;
	[sflag:s22] =	ssyncadd.s32 $0xFFFFF800  }
0xb6: {  	v4 =	vld [tilespmem:s30+$0x0];
	_ =	sdelay $0x6  }
0xb7: {  	v5 =	vadd.s32 v3, v4  }
0xb8: {  	s31 =	simm.s32 $0x10;
	s0 =	simm.s32 $0x80;
	v4 =	vld.idx.msk [tilespmem:v4+s23+$0x0], $0xffff;
	[tilespmem:s30+$0x800] =	vst v5  }
.LBB2_14:
0xb9: {  	p0 =	sne.s32 s0, $0x1FC0;
	v5 =	vld [tilespmem:s31+$0x0];
	_ =	sdelay $0x3  }
.Ltmp6:
0xba: {  	(pc) =	sbr.rel @p0 .LBB2_14-.Ltmp6, $3  }
0xbb: {  	[tilespmem:s30+$0x1800] =	vst v4;
	s30 =	smov.u32 s31;
	_ =	sdelay $0x1  }
0xbc: {  	v6 =	vadd.s32 v3, v5  }
0xbd: {  	s31 =	sshra.s32 s0, $0x2;
	s0 =	sadd.s32 $0x40, s0;
	v4 =	vld.idx.msk [tilespmem:v5+s23+$0x0], $0xffff;
	[tilespmem:s30+$0x800] =	vst v6  }
0xbe: {  	v5 =	vld [tilespmem:s31+$0x0];
	_ =	sdelay $0x6  }
0xbf: {  	[tilespmem:s30+$0x1800] =	vst v4  }
0xc0: {  	v4 =	vld.idx.msk [tilespmem:v5+s23+$0x0], $0xffff;
	_ =	sdelay $0x2  }
0xc1: {  	v5 =	vadd.s32 v3, v5  }
0xc2: {  	[tilespmem:s31+$0x800] =	vst v5  }
0xc3: {  	s0 =	simm.s32 $0x0;
	[tilespmem:s31+$0x1800] =	vst v4  }
0xc4: {  	[hbm4b:s16+s0] =	stream.linear.scatter [tilespmem:s24], [sflag:$0x2], $0x800, $0x38;
	[tilespmem:$0x4000] =	vst v63  }
0xc5: {  	_ =	swait.ge [sflag:s22], $0x800  }
0xc6: {  	[sflag:s22] =	ssyncset.done $0x0  }
0xc7: {  	s6 =	simm.s32 $0x800;
	[sflag:s22] =	ssyncadd.s32 $0xFFFFF800  }
0xc8: {  	[tilespmem:s26], [sflag:$0x1] =	stream.indirect.gather [hbm4b:s3+s25], $0x40, s6, s25, $0xb8;
	[tilespmem:$0x4000] =	vst v63  }
0xc9: {  	_ =	swait.ge [sflag:s28], $0x2000  }
0xca: {  	[sflag:s28] =	ssyncset.done $0x0  }
0xcb: {  	[sflag:s28] =	ssyncadd.s32 $0xFFFFE000  }
0xcc: {  	[hbm4b:s21+s1] =	stream.linear.scatter [tilespmem:s26], [sflag:$0x2], $0x2000, $0x38;
	[tilespmem:$0x4000] =	vst v63  }
0xcd: {  	s30 =	sadd.s32 $0x400, s21;
	_ =	swait.ge [sflag:s22], $0x2000  }
0xce: {  	s31 =	simm.s32 $0x80;
	s0 =	simm.s32 $0x400;
	[sflag:s22] =	ssyncset.done $0x0  }
.LBB2_16:
0xcf: {  	s2 =	sadd.s32 $0x800, s31  }
0xd0: {  	[sflag:s22] =	ssyncadd.s32 $0xFFFFE000;
	s5 =	smov.u32 s0;
	s6 =	sadd.s32 $0x200, s0  }
0xd1: {  	[tilespmem:s26], [sflag:$0x1] =	stream.indirect.gather [hbm4b:s3+s25], $0x40, s2, s25, $0xb8;
	[tilespmem:$0x4000] =	vst v63  }
0xd2: {  	p0 =	sne.s32 s0, $0x1E00;
	_ =	swait.ge [sflag:s28], $0x2000  }
.Ltmp7:
0xd3: {  	[sflag:s28] =	ssyncset.done $0x0;
	(pc) =	sbr.rel @p0 .LBB2_16-.Ltmp7, $4  }
0xd4: {  	[sflag:s28] =	ssyncadd.s32 $0xFFFFE000  }
0xd5: {  	[hbm4b:s30+s1] =	stream.linear.scatter [tilespmem:s26], [sflag:$0x2], $0x2000, $0x38;
	[tilespmem:$0x4000] =	vst v63  }
0xd6: {  	s31 =	sshra.s32 s5, $0x2;
	_ =	swait.ge [sflag:s22], $0x2000  }
0xd7: {  	s0 =	smov.u32 s6;
	s30 =	sadd.s32 $0x400, s30;
	[sflag:s22] =	ssyncset.done $0x0  }
0xd8: {  	s0 =	sadd.s32 $0x800, s31;
	[sflag:s22] =	ssyncadd.s32 $0xFFFFE000  }
0xd9: {  	[tilespmem:s26], [sflag:$0x1] =	stream.indirect.gather [hbm4b:s3+s25], $0x40, s0, s25, $0xb8;
	[tilespmem:$0x4000] =	vst v63  }
0xda: {  	s29 =	sadd.s32 $0x1, s29;
	_ =	swait.ge [sflag:s28], $0x2000  }
0xdb: {  	p0 =	sne.s32 s29, s17;
	[sflag:s28] =	ssyncset.done $0x0  }
.Ltmp8:
0xdc: {  	[sflag:s28] =	ssyncadd.s32 $0xFFFFE000;
	(pc) =	sbr.rel @p0 .LBB2_1-.Ltmp8, $4  }
0xdd: {  	[hbm4b:s30+s1] =	stream.linear.scatter [tilespmem:s26], [sflag:$0x2], $0x2000, $0x38;
	[tilespmem:$0x4000] =	vst v63  }
0xde: {  	_ =	swait.ge [sflag:s22], $0x2000  }
0xdf: {  	[sflag:s22] =	ssyncset.done $0x0  }
0xe0: {  	[sflag:s22] =	ssyncadd.s32 $0xFFFFE000  }
0xe1: {  	_ =	sfence.sel $0x180000  }
0xe2: {  	[bflag:$0x0] =	sbarrier.arrive $0xFFFF  }
0xe3: {  	_ =	strace $0x9000004A  }
0xe4: {  	s0 =	stileid.u32;
	[bflag:$0x2] =	sbarrier.arrive $0xFFFF  }
0xe5: {  	p0 =	sne.s32 s0, $0x0;
	s0 =	rddreg [dreg:$0x2]  }
0xe6: {  	s0 =	sadd.s32 @!p0 $0x100000, s0  }
0xe7: {  	[sflag:s0] =	ssyncadd.tile.s32 @!p0 $0x1;
	_ =	shalt  }
.Lfunc_end2:
_tile_overlayer_lowered:
.L_overlay_start_2:
0xe8: {  	(tag) =	ssettag $0x2  }
0xe9: {  	s0 =	rddreg [dreg:$0x0];
	s2 =	stileid.u32  }
0xea: {  	s1 =	rddreg [dreg:$0x1];
	p0 =	sne.s32 s2, $0x0  }
0xeb: {  	s3 =	rddreg [dreg:$0x2];
	[bflag:$0x3] =	sbarrier.arrive $0xFFFF;
	s2 =	simm.s32 @!p0 $0x1C02  }
0xec: {  	[timem:s3], [sflag:s2] =	dma.local @!p0 [hbm:s0], s1  }
0xed: {  	s0 =	simm.s32 @!p0 $0x2  }
0xee: {  	_ =	swait.ge @!p0 [sflag:s0], s1  }
0xef: {  	s1 =	ssub.s32 @!p0 $0x0, s1;
	[sflag:s0] =	ssyncset.done @!p0 $0x0  }
0xf0: {  	[sflag:s0] =	ssyncadd.s32 @!p0 s1  }
0xf1: {  	[bflag:$0x3] =	sbarrier.arrive $0xFFFF  }
0xf2: {  	_ =	shalt  }

// kernel: kernel.7.cloned.1.call-start
scs
__scs_entry_jumppad:
0x0: {  	(pc) =	sbr.rel $0x88, $3  }
0x1: {  	(tag) =	ssettag $0x0;
	lr =	simm.s32 $0x1  }
0x2: {  	[smem:$0x3F9E] =	sst lr;
	_ =	strace $0xD0000000  }
0x3: {  	_ = 	snop  }
0x4: {  	_ = 	snop  }
0x5: {  	_ = 	snop  }
0x6: {  	_ = 	snop  }
0x7: {  	_ = 	snop  }
__scs_overlays_trampoline_lowered:
0x8: {  	[smem:$0x3FAD] =	sst s0  }
0x9: {  	[smem:$0x3FAE] =	sst s1  }
0xa: {  	[smem:$0x3FAF] =	sst s2  }
0xb: {  	[smem:$0x3FB0] =	sst s3  }
0xc: {  	[smem:$0x3FB1] =	sst s4  }
0xd: {  	[smem:$0x3FB2] =	sst s5  }
0xe: {  	[smem:$0x3FB3] =	sst s6  }
0xf: {  	[smem:$0x3FB4] =	sst s7  }
0x10: {  	[smem:$0x3FB5] =	sst s8  }
0x11: {  	[smem:$0x3FB6] =	sst s9;
	s0 =	simm.s32 @!p0 $0x0  }
0x12: {  	s1 =	sld [smem:$0x3F9C];
	s0 =	simm.s32 @p0 $0x1  }
0x13: {  	[smem:$0x3FB7] =	sst s0;
	s0 =	simm.s32 @!p1 $0x0  }
0x14: {  	s2 =	sld [smem:$0x3F9B];
	s0 =	simm.s32 @p1 $0x1  }
0x15: {  	[smem:$0x3FB8] =	sst s0;
	s0 =	simm.s32 @!p2 $0x0  }
0x16: {  	s3 =	sld [smem:$0x3FDB];
	s0 =	simm.s32 @p2 $0x1  }
0x17: {  	s4 =	simm.s32 $0x1BF5;
	[smem:$0x3FBA] =	sst s0  }
0x18: {  	s0 =	sld [smem:$0x3F9D];
	_ =	swait.ge [sflag:s4], $0x0  }
0x19: {  	s7 =	sld [smem:$0x3F9E]  }
0x1a: {  	s8 =	sadd.s32 $0xFFFFE003, lr  }
0x1b: {  	s9 =	sadd.s32 $0xFFFFFEF7, lr;
	s5 =	simm.s32 $0xFFFFFFFF;
	p2 =	slt.u32 s8, $0xFFFFF086  }
0x1c: {  	p1 =	slt.u32 s9, $0xF7A;
	s5 =	simm.s32 @!p2 $0x0  }
0x1d: {  	s5 =	simm.s32 @p1 $0x1;
	p0 =	seq.s32 s7, s2  }
0x1e: {  	s7 =	smul.u32 @!p0 $0xF7A, s2;
	p2 =	seq.s32 @!p0 s5, $0x0  }
0x1f: {  	s9 =	smul.u32 $0xF7A, s1;
	s8 =	simm.s32 @!p0 $0x1BF5;
	p2 =	por !p2, p0  }
0x20: {  	[sflag:s8] =	ssyncset.s32 @!p0 $0xFFFFF086;
	s6 =	sadd.s32 @!p0 s3, s7;
	s7 =	simm.s32 @!p0 $0x108  }
0x21: {  	s3 =	sadd.s32 s3, s9;
	s6 =	sadd.s32 @!p0 $0x88, s6;
	s7 =	simm.s32 @p2 $0x1082  }
0x22: {  	[simem:s7], [sflag:s8] =	dma.local @!p0 [hbm:s6], $0xF7A  }
0x23: {  	s9 =	sor.u32 $0xD0000000, s2;
	s6 =	simm.s32 $0x108;
	_ =	swait.ge @!p0 [sflag:s8], $0x0  }
0x24: {  	s3 =	sadd.s32 $0x88, s3;
	s6 =	simm.s32 @!p1 $0x1082;
	[sflag:s4] =	ssyncset.s32 $0xFFFFF086  }
0x25: {  	[simem:s6], [sflag:s4] =	dma.local [hbm:s3], $0xF7A  }
0x26: {  	[smem:$0x3F9E] =	sst s1;
	(tag) =	ssettag s2;
	_ =	strace s9  }
0x27: {  	s1 =	sld [smem:$0x3FAE]  }
0x28: {  	s2 =	sld [smem:$0x3FAF]  }
0x29: {  	s4 =	sld [smem:$0x3FB1]  }
0x2a: {  	p0 =	seq.s32 s5, $0x0;
	s5 =	sld [smem:$0x3FB2]  }
0x2b: {  	s6 =	sld [smem:$0x3FB3]  }
0x2c: {  	s7 =	sld [smem:$0x3FB4]  }
0x2d: {  	s3 =	simm.s32 $0x108;
	s8 =	sld [smem:$0x3FB5]  }
0x2e: {  	s3 =	simm.s32 @!p0 $0x1082;
	s9 =	sld [smem:$0x3FB6]  }
0x2f: {  	lr =	sadd.s32 s0, s3;
	s0 =	sld [smem:$0x3FAD]  }
0x30: {  	s3 =	sld [smem:$0x3FB0]  }
0x31: {  	[smem:$0x3FB9] =	sst s10  }
0x32: {  	s10 =	sld [smem:$0x3FB7];
	_ =	sdelay $0x3  }
0x33: {  	p0 =	seq.s32 s10, $0x1;
	s10 =	sld [smem:$0x3FB9];
	_ =	sdelay $0x3  }
0x34: {  	[smem:$0x3FB9] =	sst s10  }
0x35: {  	s10 =	sld [smem:$0x3FB8];
	_ =	sdelay $0x3  }
0x36: {  	p1 =	seq.s32 s10, $0x1;
	s10 =	sld [smem:$0x3FB9];
	_ =	sdelay $0x3  }
0x37: {  	[smem:$0x3FB9] =	sst s10  }
0x38: {  	s10 =	sld [smem:$0x3FBA]  }
0x39: {  	_ = 	snop;
	(pc) =	sbr.ind lr, $3  }
0x3a: {  	_ = 	snop  }
0x3b: {  	_ = 	snop  }
0x3c: {  	p2 =	seq.s32 s10, $0x1;
	s10 =	sld [smem:$0x3FB9]  }
0x3d: {  	_ =	shalt  }
0x3e: {  	_ =	shalt  }
0x3f: {  	_ =	shalt  }
0x40: {  	_ =	shalt  }
0x41: {  	_ =	shalt  }
0x42: {  	_ =	shalt  }
0x43: {  	_ =	shalt  }
0x44: {  	_ =	shalt  }
0x45: {  	_ =	shalt  }
0x46: {  	_ =	shalt  }
0x47: {  	_ =	shalt  }
0x48: {  	_ =	shalt  }
0x49: {  	_ =	shalt  }
0x4a: {  	_ =	shalt  }
0x4b: {  	_ =	shalt  }
0x4c: {  	_ =	shalt  }
0x4d: {  	_ =	shalt  }
0x4e: {  	_ =	shalt  }
0x4f: {  	_ =	shalt  }
0x50: {  	_ =	shalt  }
0x51: {  	_ =	shalt  }
0x52: {  	_ =	shalt  }
0x53: {  	_ =	shalt  }
0x54: {  	_ =	shalt  }
0x55: {  	_ =	shalt  }
0x56: {  	_ =	shalt  }
0x57: {  	_ =	shalt  }
0x58: {  	_ =	shalt  }
0x59: {  	_ =	shalt  }
0x5a: {  	_ =	shalt  }
0x5b: {  	_ =	shalt  }
0x5c: {  	_ =	shalt  }
0x5d: {  	_ =	shalt  }
0x5e: {  	_ =	shalt  }
0x5f: {  	_ =	shalt  }
0x60: {  	_ =	shalt  }
0x61: {  	_ =	shalt  }
0x62: {  	_ =	shalt  }
0x63: {  	_ =	shalt  }
0x64: {  	_ =	shalt  }
0x65: {  	_ =	shalt  }
0x66: {  	_ =	shalt  }
0x67: {  	_ =	shalt  }
0x68: {  	_ =	shalt  }
0x69: {  	_ =	shalt  }
0x6a: {  	_ =	shalt  }
0x6b: {  	_ =	shalt  }
0x6c: {  	_ =	shalt  }
0x6d: {  	_ =	shalt  }
0x6e: {  	_ =	shalt  }
0x6f: {  	_ =	shalt  }
0x70: {  	_ =	shalt  }
0x71: {  	_ =	shalt  }
0x72: {  	_ =	shalt  }
0x73: {  	_ =	shalt  }
0x74: {  	_ =	shalt  }
0x75: {  	_ =	shalt  }
0x76: {  	_ =	shalt  }
0x77: {  	_ =	shalt  }
0x78: {  	_ =	shalt  }
0x79: {  	_ =	shalt  }
0x7a: {  	_ =	shalt  }
0x7b: {  	_ =	shalt  }
0x7c: {  	_ =	shalt  }
0x7d: {  	_ =	shalt  }
0x7e: {  	_ =	shalt  }
0x7f: {  	_ =	shalt  }
0x80: {  	_ =	shalt  }
0x81: {  	_ =	shalt  }
0x82: {  	_ =	shalt  }
0x83: {  	_ =	shalt  }
0x84: {  	_ =	shalt  }
0x85: {  	_ =	shalt  }
0x86: {  	_ =	shalt  }
0x87: {  	_ =	shalt  }
.Lfunc_end0:
.L_simem_size_0:
called_computation_lowered:
.L_overlay_start_0:
0x88: {  	s2 =	sld [smem:$0x3FD9]  }
0x89: {  	s3 =	sld [smem:$0x3FFE];
	_ =	sdelay $0x1  }
0x8a: {  	s1 =	srdreg.scid  }
0x8b: {  	s0 =	sand.u32 $0x1, s1  }
0x8c: {  	s17 =	sshll.u32 s0, $0xA;
	s2 =	sadd.s32 s3, s2  }
0x8d: {  	s2 =	sadd.s32 s2, s17  }
0x8e: {  	[smem:$0x3FC5] =	sst s2  }
0x8f: {  	_ = 	snop  }
0x90: {  	s2 =	sld [smem:$0x3FD0];
	(tm) =	ssettm $0x1  }
0x91: {  	s18 =	sld [smem:$0x3FFB];
	_ =	sdelay $0x3  }
0x92: {  	_ =	strace s18  }
0x93: {  	s3 =	sld [smem:$0x3FFC];
	_ =	sdelay $0x3  }
0x94: {  	_ =	strace s3  }
0x95: {  	s3 =	sld [smem:$0x3FFD];
	_ =	sdelay $0x3  }
0x96: {  	_ =	strace s3  }
0x97: {  	_ =	strace $0x8FFFFFFF  }
0x98: {  	s19 =	sld [smem:$0x3FDB];
	_ =	sdelay $0x1  }
0x99: {  	s4 =	simm.s32 $_scs_section_size  }
0x9a: {  	s5 =	simm.s32 $_size__tile_overlayer_lowered;
	s6 =	simm.s32 $_tile_overlayer_lowered  }
0x9b: {  	s22 =	simm.s32 $0x1BFF;
	s21 =	sshll.u32 s6, $0x1;
	s3 =	sadd.s32 s4, s19  }
0x9c: {  	s7 =	simm.s32 $0x0;
	s20 =	sshll.u32 s5, $0x1;
	s5 =	sadd.s32 s21, s3  }
0x9d: {  	[timem:s7], [sflag:s22] =	dma.local [hbm:s5], s20  }
0x9e: {  	_ =	swait.ge [sflag:s22], s20  }
0x9f: {  	s4 =	ssub.s32 $0x0, s20;
	[sflag:s22] =	ssyncset.done $0x0  }
0xa0: {  	[sflag:s22] =	ssyncadd.s32 s4;
	_ =	sdelay $0x1  }
0xa1: {  	s23 =	simm.s32 $0x1B8B  }
0xa2: {  	_ =	swait.ge [sflag:s23], $0x1  }
0xa3: {  	[sflag:s23] =	ssyncset.done $0x0  }
0xa4: {  	s25 =	simm.s32 $0x1B8E;
	s24 =	sld [smem:$0x3FFE];
	[sflag:s23] =	ssyncadd.s32 $0xFFFFFFFF  }
0xa5: {  	s26 =	simm.s32 $execute0_lowered;
	[smem:$0x3FD2] =	sst s25  }
0xa6: {  	s5 =	sshll.u32 s26, $0x1;
	_ =	strace $0x80000046;
	[dreg:$0x1] =	wrdreg $0xFFFFFFFF  }
0xa7: {  	s28 =	simm.s32 $_size_execute0_lowered;
	s3 =	sadd.s32 s3, s5;
	[dreg:$0x0] =	wrdreg $0x0  }
0xa8: {  	s5 =	sshll.u32 s28, $0x1;
	[dreg:$0x2] =	wrdreg s3  }
0xa9: {  	[dreg:$0x3] =	wrdreg s5  }
0xaa: {  	[dreg:$0x4] =	wrdreg $0xC0  }
0xab: {  	_ =	task [dreg:s7], $0x5FFFF  }
0xac: {  	[dreg:$0x1] =	wrdreg $0xFFFFFFFF  }
0xad: {  	[dreg:$0x0] =	wrdreg $0x60  }
0xae: {  	[dreg:$0x2] =	wrdreg s24  }
0xaf: {  	[dreg:$0x3] =	wrdreg s2  }
0xb0: {  	[dreg:$0x4] =	wrdreg $0x9  }
0xb1: {  	_ =	task.clear_ibuf [dreg:s7], $0x5FFFF;
	_ =	strace $0x90000046  }
0xb2: {  	s29 =	simm.s32 $0x9;
	_ =	strace $0x80000048  }
0xb3: {  	_ =	swait.ge [sflag:s29], $0x1  }
0xb4: {  	[sflag:s29] =	ssyncadd.s32 $0xFFFFFFFF  }
0xb5: {  	_ =	strace $0x90000048  }
0xb6: {  	_ =	sfence  }
0xb7: {  	s30 =	sld [smem:$0x0];
	_ =	sdelay $0x2  }
0xb8: {  	s31 =	sshll.u32 s1, $0xD;
	s1 =	sshrl.u32 s1, $0x2  }
0xb9: {  	s3 =	sand.u32 $0x4000, s31;
	s1 =	sadd.s32 s1, s30  }
0xba: {  	s0 =	sor.u32 s3, s0;
	s1 =	sshll.u32 s1, $0x11  }
0xbb: {  	s0 =	sor.u32 s1, s0  }
0xbc: {  	s0 =	sadd.s32 $0x8F2B, s0  }
0xbd: {  	[sflag:s0] =	ssyncadd.remote.s32 $0x1  }
0xbe: {  	_ =	sfence.sel $0xFFFF  }
0xbf: {  	[dreg:$0x0] =	wrdreg $0xFFFFFFFF;
	(pc) =	sbr.abs _section_cstart, $3  }
0xc0: {  	[dreg:$0x1] =	wrdreg $0xFFFFFFFF  }
0xc1: {  	_ =	task.clear_ibuf [dreg:s7], $0x2FFFF;
	_ =	strace $0x9FFFFFFF  }
0xc2: {  	(tm) =	ssettm $0x7FFFFFFF  }
0xc3: {  	_ =	shalt  }
tec
execute0_lowered:
.L_overlay_start_1:
0x0: {  	(tag) =	ssettag $0x1  }
0x1: {  	s0 =	rddreg [dreg:$0x0]  }
0x2: {  	s1 =	rddreg [dreg:$0x1];
	s2 =	simm.s32 $0x0;
	s5 =	srdreg.scid  }
0x3: {  	s18 =	stileid.u32;
	s9 =	simm.s32 $0x1;
	s30 =	simm.s32 $0x0  }
0x4: {  	[smem:$0x7FF] =	sst s2;
	s3 =	sadd.s32 $0x1A00, s0;
	s4 =	sadd.s32 $0x9A00, s0  }
0x5: {  	s17 =	sand.u32 $0x1, s5;
	s6 =	sshll.u32 s18, $0x1;
	s15 =	sadd.s32 $0x49A00, s0  }
0x6: {  	s5 =	sadd.s32 $0x251A00, s0;
	s29 =	sshll.u32 s18, $0xB;
	s24 =	sshll.u32 s18, $0x11  }
0x7: {  	_ =	strace $0x80000047;
	s8 =	sor.u32 s17, s6;
	s7 =	ssub.s32 $0x2, s17  }
0x8: {  	p1 =	seq.s32 s17, $0x1;
	s6 =	sadd.s32 $0x51A00, s0;
	s26 =	sshll.u32 s17, $0x10  }
0x9: {  	s31 =	sadd.s32 s24, s5;
	v1 =	vmov s29;
	s29 =	simm.s32 $0x2;
	p0 =	seq.s32 s8, $0x0  }
0xa: {  	s22 =	sshrl.u32 s7, $0x1;
	s14 =	sshll.u32 s8, $0xA;
	s25 =	sadd.s32 s24, s6  }
0xb: {  	p0 =	por !p0, !p1;
	s0 =	ssub.s32 s7, s22;
	s7 =	simm.s32 $0x1  }
0xc: {  	s8 =	sadd.s32 s3, s14;
	s11 =	sor.u32 $0x100, s14;
	s23 =	sadd.s32 s15, s14  }
0xd: {  	s13 =	sor.u32 $0x200, s14;
	s16 =	sor.u32 $0x300, s14;
	s17 =	sadd.s32 s26, s25  }
0xe: {  	s25 =	simm.s32 $0x80;
	p0 =	por !p0, !p0;
	[dreg:$0x3] =	wrdreg s8  }
0xf: {  	[dreg:$0x4] =	wrdreg s23;
	s12 =	sadd.s32 s3, s13;
	s13 =	sadd.s32 s15, s13  }
0x10: {  	s14 =	sadd.s32 s3, s16;
	s21 =	sadd.s32 $0xC000, s17;
	s9 =	simm.s32 @!p0 $0x0  }
0x11: {  	s23 =	simm.s32 $0x3;
	s10 =	ssub.s32 s18, s9;
	s18 =	sadd.s32 s26, s31  }
0x12: {  	s28 =	sshll.u32 s10, $0xB;
	s10 =	sadd.s32 s3, s11;
	s11 =	sadd.s32 s15, s11  }
0x13: {  	s15 =	sadd.s32 s15, s16;
	s16 =	smax.u32 s0, $0x1;
	s3 =	sor.u32 s26, s24  }
0x14: {  	s22 =	sadd.s32 $0xC000, s18;
	s24 =	simm.s32 $0x800;
	s26 =	simm.s32 $0x1800  }
0x15: {  	v2 =	vlaneseq.u32;
	s19 =	sor.u32 $0x4000, s3;
	s20 =	sor.u32 $0x8000, s3;
	v0 =	vmov s28;
	s28 =	simm.s32 $0x3800  }
.LBB2_1:
0x16: {  	s0 =	rddreg [dreg:$0x3]  }
0x17: {  	[tilespmem:s2], [sflag:$0x3] =	stream.linear.gather [hbm4b:s0+s2], $0x800, $0x38;
	[tilespmem:$0x5800] =	vst v63  }
0x18: {  	_ =	swait.ge [sflag:s23], $0x800  }
0x19: {  	[sflag:s23] =	ssyncset.done $0x0  }
0x1a: {  	[sflag:s23] =	ssyncadd.s32 $0xFFFFF800  }
0x1b: {  	s31 =	simm.s32 $0x0;
	s3 =	simm.s32 $0x0;
	s0 =	simm.s32 $0x10;
	v3 =	vld [tilespmem:s2+$0x0]  }
.LBB2_2:
0x1c: {  	p0 =	sne.s32 s0, $0x7F0;
	_ =	sdelay $0x3  }
.Ltmp0:
0x1d: {  	(pc) =	sbr.rel @p0 .LBB2_2-.Ltmp0, $4  }
0x1e: {  	_ = 	snop  }
0x1f: {  	v4 =	vor.u32 s31, v2;
	s31 =	smov.u32 s0  }
0x20: {  	s3 =	sadd.s32 $0x10, s3;
	[tilespmem:v3+s24+$0x0] =	vst.idx.msk $0xffff, v4  }
0x21: {  	s0 =	sadd.s32 $0x10, s0;
	v3 =	vld [tilespmem:s3+$0x0]  }
0x22: {  	_ =	sdelay $0x6  }
0x23: {  	v4 =	vor.u32 s31, v2  }
0x24: {  	s0 =	simm.s32 $0x0;
	s3 =	rddreg [dreg:$0x4];
	[tilespmem:v3+s24+$0x0] =	vst.idx.msk $0xffff, v4  }
0x25: {  	[hbm4b:s3+s0] =	stream.linear.scatter [tilespmem:s24], [sflag:$0x3], $0x800, $0x38;
	[tilespmem:$0x5800] =	vst v63  }
0x26: {  	_ =	swait.ge [sflag:s23], $0x800  }
0x27: {  	[sflag:s23] =	ssyncset.done $0x0  }
0x28: {  	s0 =	simm.s32 $0x0;
	[sflag:s23] =	ssyncadd.s32 $0xFFFFF800  }
0x29: {  	s3 =	simm.s32 $0x40;
	v3 =	vld [tilespmem:s0+$0x800]  }
.LBB2_4:
0x2a: {  	p0 =	sne.s32 s3, $0x1FC0  }
.Ltmp1:
0x2b: {  	_ = 	snop;
	(pc) =	sbr.rel @p0 .LBB2_4-.Ltmp1, $3  }
0x2c: {  	_ =	sdelay $0x1  }
0x2d: {  	s31 =	sshra.s32 s3, $0x2;
	s3 =	sadd.s32 $0x40, s3;
	v4 =	vadd.s32 v0, v3  }
0x2e: {  	v3 =	vld [tilespmem:s31+$0x800];
	[tilespmem:s0+$0x1000] =	vst v4;
	s0 =	smov.u32 s31  }
0x2f: {  	_ =	sdelay $0x3  }
0x30: {  	v3 =	vadd.s32 v0, v3  }
0x31: {  	s31 =	simm.s32 $0x1000;
	[tilespmem:s0+$0x1000] =	vst v3  }
0x32: {  	[tilespmem:s26], [sflag:$0x1] =	stream.indirect.gather [hbm4b:s1+s25], $0x40, s31, s25, $0xb8;
	[tilespmem:$0x5800] =	vst v63  }
0x33: {  	_ = 	snop  }
0x34: {  	[tilespmem:s28], [sflag:$0x2] =	stream.indirect.gather [hbm4b:s4+s25], $0x40, s31, s25, $0xb8;
	[tilespmem:$0x5800] =	vst v63  }
0x35: {  	_ =	swait.ge [sflag:s7], $0x2000  }
0x36: {  	[sflag:s7] =	ssyncset.done $0x0  }
0x37: {  	[sflag:s7] =	ssyncadd.s32 $0xFFFFE000  }
0x38: {  	_ =	swait.ge [sflag:s29], $0x2000  }
0x39: {  	[sflag:s29] =	ssyncset.done $0x0  }
0x3a: {  	s8 =	sadd.s32 $0x0, s18;
	[sflag:s29] =	ssyncadd.s32 $0xFFFFE000  }
0x3b: {  	[hbm4b:s8+s2] =	stream.linear.scatter [tilespmem:s26], [sflag:$0x3], $0x2000, $0x38;
	[tilespmem:$0x5800] =	vst v63  }
0x3c: {  	_ =	swait.ge [sflag:s23], $0x2000  }
0x3d: {  	[sflag:s23] =	ssyncset.done $0x0  }
0x3e: {  	s9 =	sadd.s32 $0x0, s17;
	[sflag:s23] =	ssyncadd.s32 $0xFFFFE000  }
0x3f: {  	[hbm4b:s9+s2] =	stream.linear.scatter [tilespmem:s28], [sflag:$0x3], $0x2000, $0x38;
	[tilespmem:$0x5800] =	vst v63  }
0x40: {  	_ =	swait.ge [sflag:s23], $0x2000  }
0x41: {  	s0 =	simm.s32 $0x400;
	[sflag:s23] =	ssyncset.done $0x0  }
.LBB2_6:
0x42: {  	p0 =	sne.s32 s0, $0x3C00;
	[sflag:s23] =	ssyncadd.s32 $0xFFFFE000;
	s31 =	sadd.s32 $0x80, s31  }
0x43: {  	[tilespmem:s26], [sflag:$0x1] =	stream.indirect.gather [hbm4b:s1+s25], $0x40, s31, s25, $0xb8;
	[tilespmem:$0x5800] =	vst v63  }
0x44: {  	s3 =	smov.u32 s0;
	s0 =	sadd.s32 $0x400, s0  }
0x45: {  	[tilespmem:s28], [sflag:$0x2] =	stream.indirect.gather [hbm4b:s4+s25], $0x40, s31, s25, $0xb8;
	[tilespmem:$0x5800] =	vst v63  }
0x46: {  	_ =	swait.ge [sflag:s7], $0x2000  }
0x47: {  	[sflag:s7] =	ssyncset.done $0x0  }
0x48: {  	[sflag:s7] =	ssyncadd.s32 $0xFFFFE000  }
0x49: {  	_ =	swait.ge [sflag:s29], $0x2000  }
0x4a: {  	[sflag:s29] =	ssyncset.done $0x0  }
0x4b: {  	s8 =	sadd.s32 s3, s18;
	[sflag:s29] =	ssyncadd.s32 $0xFFFFE000  }
0x4c: {  	[hbm4b:s8+s2] =	stream.linear.scatter [tilespmem:s26], [sflag:$0x3], $0x2000, $0x38;
	[tilespmem:$0x5800] =	vst v63  }
0x4d: {  	_ =	swait.ge [sflag:s23], $0x2000  }
.Ltmp2:
0x4e: {  	[sflag:s23] =	ssyncset.done $0x0;
	(pc) =	sbr.rel @p0 .LBB2_6-.Ltmp2, $4  }
0x4f: {  	s3 =	sadd.s32 s3, s17;
	[sflag:s23] =	ssyncadd.s32 $0xFFFFE000  }
0x50: {  	[hbm4b:s3+s2] =	stream.linear.scatter [tilespmem:s28], [sflag:$0x3], $0x2000, $0x38;
	[tilespmem:$0x5800] =	vst v63  }
0x51: {  	_ =	swait.ge [sflag:s23], $0x2000  }
0x52: {  	[sflag:s23] =	ssyncset.done $0x0  }
0x53: {  	[sflag:s23] =	ssyncadd.s32 $0xFFFFE000;
	s0 =	simm.s32 $0x0  }
0x54: {  	[tilespmem:s0], [sflag:$0x3] =	stream.linear.gather [hbm4b:s10+s0], $0x800, $0x38;
	[tilespmem:$0x5800] =	vst v63  }
0x55: {  	_ =	swait.ge [sflag:s23], $0x800  }
0x56: {  	[sflag:s23] =	ssyncset.done $0x0  }
0x57: {  	[sflag:s23] =	ssyncadd.s32 $0xFFFFF800  }
0x58: {  	s31 =	simm.s32 $0x10;
	s3 =	simm.s32 $0x0;
	v3 =	vld [tilespmem:s0+$0x0]  }
.LBB2_8:
0x59: {  	p0 =	sne.s32 s31, $0x7F0;
	_ =	sdelay $0x3  }
.Ltmp3:
0x5a: {  	(pc) =	sbr.rel @p0 .LBB2_8-.Ltmp3, $4  }
0x5b: {  	_ = 	snop  }
0x5c: {  	v4 =	vor.u32 s0, v2;
	s0 =	smov.u32 s31  }
0x5d: {  	s3 =	sadd.s32 $0x10, s3;
	[tilespmem:v3+s24+$0x0] =	vst.idx.msk $0xffff, v4  }
0x5e: {  	s31 =	sadd.s32 $0x10, s31;
	v3 =	vld [tilespmem:s3+$0x0]  }
0x5f: {  	_ =	sdelay $0x6  }
0x60: {  	v4 =	vor.u32 s0, v2  }
0x61: {  	s31 =	simm.s32 $0x0;
	[tilespmem:v3+s24+$0x0] =	vst.idx.msk $0xffff, v4  }
0x62: {  	[hbm4b:s11+s31] =	stream.linear.scatter [tilespmem:s24], [sflag:$0x3], $0x800, $0x38;
	[tilespmem:$0x5800] =	vst v63  }
0x63: {  	_ =	swait.ge [sflag:s23], $0x800  }
0x64: {  	[sflag:s23] =	ssyncset.done $0x0  }
0x65: {  	s0 =	simm.s32 $0x0;
	[sflag:s23] =	ssyncadd.s32 $0xFFFFF800  }
0x66: {  	s3 =	simm.s32 $0x40;
	v3 =	vld [tilespmem:s0+$0x800]  }
.LBB2_10:
0x67: {  	p0 =	sne.s32 s3, $0x1FC0  }
.Ltmp4:
0x68: {  	_ = 	snop;
	(pc) =	sbr.rel @p0 .LBB2_10-.Ltmp4, $3  }
0x69: {  	_ =	sdelay $0x1  }
0x6a: {  	s8 =	sshra.s32 s3, $0x2;
	s3 =	sadd.s32 $0x40, s3;
	v4 =	vadd.s32 v1, v3  }
0x6b: {  	v3 =	vld [tilespmem:s8+$0x800];
	[tilespmem:s0+$0x1000] =	vst v4;
	s0 =	smov.u32 s8  }
0x6c: {  	_ =	sdelay $0x3  }
0x6d: {  	v3 =	vadd.s32 v1, v3  }
0x6e: {  	s8 =	simm.s32 $0x1000;
	[tilespmem:s0+$0x1000] =	vst v3  }
0x6f: {  	[tilespmem:s26], [sflag:$0x1] =	stream.indirect.gather [hbm4b:s1+s25], $0x40, s8, s25, $0xb8;
	[tilespmem:$0x5800] =	vst v63  }
0x70: {  	_ = 	snop  }
0x71: {  	[tilespmem:s28], [sflag:$0x2] =	stream.indirect.gather [hbm4b:s4+s25], $0x40, s8, s25, $0xb8;
	[tilespmem:$0x5800] =	vst v63  }
0x72: {  	_ =	swait.ge [sflag:s7], $0x2000  }
0x73: {  	[sflag:s7] =	ssyncset.done $0x0  }
0x74: {  	[sflag:s7] =	ssyncadd.s32 $0xFFFFE000  }
0x75: {  	_ =	swait.ge [sflag:s29], $0x2000  }
0x76: {  	s9 =	sand.u32 $0x1FFF7C00, s19;
	[sflag:s29] =	ssyncset.done $0x0  }
0x77: {  	s3 =	sadd.s32 s5, s9;
	[sflag:s29] =	ssyncadd.s32 $0xFFFFE000  }
0x78: {  	[hbm4b:s3+s2] =	stream.linear.scatter [tilespmem:s26], [sflag:$0x3], $0x2000, $0x38;
	[tilespmem:$0x5800] =	vst v63  }
0x79: {  	_ =	swait.ge [sflag:s23], $0x2000  }
0x7a: {  	[sflag:s23] =	ssyncset.done $0x0  }
0x7b: {  	s0 =	sadd.s32 s6, s9;
	[sflag:s23] =	ssyncadd.s32 $0xFFFFE000  }
0x7c: {  	[hbm4b:s0+s2] =	stream.linear.scatter [tilespmem:s28], [sflag:$0x3], $0x2000, $0x38;
	[tilespmem:$0x5800] =	vst v63  }
0x7d: {  	s31 =	sadd.s32 $0x400, s19;
	_ =	swait.ge [sflag:s23], $0x2000  }
0x7e: {  	s3 =	simm.s32 $0x80;
	s0 =	simm.s32 $0x400;
	[sflag:s23] =	ssyncset.done $0x0  }
.LBB2_12:
0x7f: {  	s3 =	sadd.s32 $0x1000, s3  }
0x80: {  	[sflag:s23] =	ssyncadd.s32 $0xFFFFE000;
	s8 =	smov.u32 s0;
	s9 =	sadd.s32 $0x200, s0  }
0x81: {  	[tilespmem:s26], [sflag:$0x1] =	stream.indirect.gather [hbm4b:s1+s25], $0x40, s3, s25, $0xb8;
	[tilespmem:$0x5800] =	vst v63  }
0x82: {  	p0 =	sne.s32 s0, $0x1E00  }
0x83: {  	[tilespmem:s28], [sflag:$0x2] =	stream.indirect.gather [hbm4b:s4+s25], $0x40, s3, s25, $0xb8;
	[tilespmem:$0x5800] =	vst v63  }
0x84: {  	_ =	swait.ge [sflag:s7], $0x2000  }
0x85: {  	[sflag:s7] =	ssyncset.done $0x0  }
0x86: {  	[sflag:s7] =	ssyncadd.s32 $0xFFFFE000  }
0x87: {  	_ =	swait.ge [sflag:s29], $0x2000  }
0x88: {  	s0 =	sand.u32 $0x1FFF7C00, s31;
	[sflag:s29] =	ssyncset.done $0x0  }
0x89: {  	s3 =	sadd.s32 s5, s0;
	[sflag:s29] =	ssyncadd.s32 $0xFFFFE000  }
0x8a: {  	[hbm4b:s3+s2] =	stream.linear.scatter [tilespmem:s26], [sflag:$0x3], $0x2000, $0x38;
	[tilespmem:$0x5800] =	vst v63  }
0x8b: {  	_ =	swait.ge [sflag:s23], $0x2000  }
.Ltmp5:
0x8c: {  	[sflag:s23] =	ssyncset.done $0x0;
	(pc) =	sbr.rel @p0 .LBB2_12-.Ltmp5, $4  }
0x8d: {  	s0 =	sadd.s32 s6, s0;
	[sflag:s23] =	ssyncadd.s32 $0xFFFFE000  }
0x8e: {  	[hbm4b:s0+s2] =	stream.linear.scatter [tilespmem:s28], [sflag:$0x3], $0x2000, $0x38;
	[tilespmem:$0x5800] =	vst v63  }
0x8f: {  	s31 =	sadd.s32 $0x400, s31;
	_ =	swait.ge [sflag:s23], $0x2000  }
0x90: {  	s3 =	sshra.s32 s8, $0x2;
	s0 =	smov.u32 s9;
	[sflag:s23] =	ssyncset.done $0x0  }
0x91: {  	s0 =	sadd.s32 $0x1000, s3;
	[sflag:s23] =	ssyncadd.s32 $0xFFFFE000  }
0x92: {  	[tilespmem:s26], [sflag:$0x1] =	stream.indirect.gather [hbm4b:s1+s25], $0x40, s0, s25, $0xb8;
	[tilespmem:$0x5800] =	vst v63  }
0x93: {  	_ = 	snop  }
0x94: {  	[tilespmem:s28], [sflag:$0x2] =	stream.indirect.gather [hbm4b:s4+s25], $0x40, s0, s25, $0xb8;
	[tilespmem:$0x5800] =	vst v63  }
0x95: {  	_ =	swait.ge [sflag:s7], $0x2000  }
0x96: {  	[sflag:s7] =	ssyncset.done $0x0  }
0x97: {  	[sflag:s7] =	ssyncadd.s32 $0xFFFFE000  }
0x98: {  	_ =	swait.ge [sflag:s29], $0x2000  }
0x99: {  	s8 =	sand.u32 $0x1FFF7C00, s31;
	[sflag:s29] =	ssyncset.done $0x0  }
0x9a: {  	s9 =	sadd.s32 s5, s8;
	[sflag:s29] =	ssyncadd.s32 $0xFFFFE000  }
0x9b: {  	[hbm4b:s9+s2] =	stream.linear.scatter [tilespmem:s26], [sflag:$0x3], $0x2000, $0x38;
	[tilespmem:$0x5800] =	vst v63  }
0x9c: {  	_ =	swait.ge [sflag:s23], $0x2000  }
0x9d: {  	[sflag:s23] =	ssyncset.done $0x0  }
0x9e: {  	s0 =	sadd.s32 s6, s8;
	[sflag:s23] =	ssyncadd.s32 $0xFFFFE000  }
0x9f: {  	[hbm4b:s0+s2] =	stream.linear.scatter [tilespmem:s28], [sflag:$0x3], $0x2000, $0x38;
	[tilespmem:$0x5800] =	vst v63  }
0xa0: {  	_ =	swait.ge [sflag:s23], $0x2000  }
0xa1: {  	[sflag:s23] =	ssyncset.done $0x0  }
0xa2: {  	s0 =	simm.s32 $0x0;
	[sflag:s23] =	ssyncadd.s32 $0xFFFFE000  }
0xa3: {  	[tilespmem:s0], [sflag:$0x3] =	stream.linear.gather [hbm4b:s12+s0], $0x800, $0x38;
	[tilespmem:$0x5800] =	vst v63  }
0xa4: {  	_ =	swait.ge [sflag:s23], $0x800  }
0xa5: {  	[sflag:s23] =	ssyncset.done $0x0  }
0xa6: {  	[sflag:s23] =	ssyncadd.s32 $0xFFFFF800  }
0xa7: {  	s31 =	simm.s32 $0x10;
	s3 =	simm.s32 $0x0;
	v3 =	vld [tilespmem:s0+$0x0]  }
.LBB2_14:
0xa8: {  	p0 =	sne.s32 s31, $0x7F0;
	_ =	sdelay $0x3  }
.Ltmp6:
0xa9: {  	(pc) =	sbr.rel @p0 .LBB2_14-.Ltmp6, $4  }
0xaa: {  	_ = 	snop  }
0xab: {  	v4 =	vor.u32 s0, v2;
	s0 =	smov.u32 s31  }
0xac: {  	s3 =	sadd.s32 $0x10, s3;
	[tilespmem:v3+s24+$0x0] =	vst.idx.msk $0xffff, v4  }
0xad: {  	s31 =	sadd.s32 $0x10, s31;
	v3 =	vld [tilespmem:s3+$0x0]  }
0xae: {  	_ =	sdelay $0x6  }
0xaf: {  	v4 =	vor.u32 s0, v2  }
0xb0: {  	s31 =	simm.s32 $0x0;
	[tilespmem:v3+s24+$0x0] =	vst.idx.msk $0xffff, v4  }
0xb1: {  	[hbm4b:s13+s31] =	stream.linear.scatter [tilespmem:s24], [sflag:$0x3], $0x800, $0x38;
	[tilespmem:$0x5800] =	vst v63  }
0xb2: {  	_ =	swait.ge [sflag:s23], $0x800  }
0xb3: {  	[sflag:s23] =	ssyncset.done $0x0  }
0xb4: {  	s0 =	simm.s32 $0x0;
	[sflag:s23] =	ssyncadd.s32 $0xFFFFF800  }
0xb5: {  	s3 =	simm.s32 $0x40;
	v3 =	vld [tilespmem:s0+$0x800]  }
.LBB2_16:
0xb6: {  	p0 =	sne.s32 s3, $0x1FC0  }
.Ltmp7:
0xb7: {  	_ = 	snop;
	(pc) =	sbr.rel @p0 .LBB2_16-.Ltmp7, $3  }
0xb8: {  	_ =	sdelay $0x1  }
0xb9: {  	s8 =	sshra.s32 s3, $0x2;
	s3 =	sadd.s32 $0x40, s3;
	v4 =	vadd.s32 v1, v3  }
0xba: {  	v3 =	vld [tilespmem:s8+$0x800];
	[tilespmem:s0+$0x1000] =	vst v4;
	s0 =	smov.u32 s8  }
0xbb: {  	_ =	sdelay $0x3  }
0xbc: {  	v3 =	vadd.s32 v1, v3  }
0xbd: {  	s8 =	simm.s32 $0x1000;
	[tilespmem:s0+$0x1000] =	vst v3  }
0xbe: {  	[tilespmem:s26], [sflag:$0x1] =	stream.indirect.gather [hbm4b:s1+s25], $0x40, s8, s25, $0xb8;
	[tilespmem:$0x5800] =	vst v63  }
0xbf: {  	_ = 	snop  }
0xc0: {  	[tilespmem:s28], [sflag:$0x2] =	stream.indirect.gather [hbm4b:s4+s25], $0x40, s8, s25, $0xb8;
	[tilespmem:$0x5800] =	vst v63  }
0xc1: {  	_ =	swait.ge [sflag:s7], $0x2000  }
0xc2: {  	[sflag:s7] =	ssyncset.done $0x0  }
0xc3: {  	[sflag:s7] =	ssyncadd.s32 $0xFFFFE000  }
0xc4: {  	_ =	swait.ge [sflag:s29], $0x2000  }
0xc5: {  	s9 =	sand.u32 $0x1FFFBC00, s20;
	[sflag:s29] =	ssyncset.done $0x0  }
0xc6: {  	s3 =	sadd.s32 s5, s9;
	[sflag:s29] =	ssyncadd.s32 $0xFFFFE000  }
0xc7: {  	[hbm4b:s3+s2] =	stream.linear.scatter [tilespmem:s26], [sflag:$0x3], $0x2000, $0x38;
	[tilespmem:$0x5800] =	vst v63  }
0xc8: {  	_ =	swait.ge [sflag:s23], $0x2000  }
0xc9: {  	[sflag:s23] =	ssyncset.done $0x0  }
0xca: {  	s0 =	sadd.s32 s6, s9;
	[sflag:s23] =	ssyncadd.s32 $0xFFFFE000  }
0xcb: {  	[hbm4b:s0+s2] =	stream.linear.scatter [tilespmem:s28], [sflag:$0x3], $0x2000, $0x38;
	[tilespmem:$0x5800] =	vst v63  }
0xcc: {  	s31 =	sadd.s32 $0x400, s20;
	_ =	swait.ge [sflag:s23], $0x2000  }
0xcd: {  	s3 =	simm.s32 $0x80;
	s0 =	simm.s32 $0x400;
	[sflag:s23] =	ssyncset.done $0x0  }
.LBB2_18:
0xce: {  	s3 =	sadd.s32 $0x1000, s3  }
0xcf: {  	[sflag:s23] =	ssyncadd.s32 $0xFFFFE000;
	s8 =	smov.u32 s0;
	s9 =	sadd.s32 $0x200, s0  }
0xd0: {  	[tilespmem:s26], [sflag:$0x1] =	stream.indirect.gather [hbm4b:s1+s25], $0x40, s3, s25, $0xb8;
	[tilespmem:$0x5800] =	vst v63  }
0xd1: {  	p0 =	sne.s32 s0, $0x1E00  }
0xd2: {  	[tilespmem:s28], [sflag:$0x2] =	stream.indirect.gather [hbm4b:s4+s25], $0x40, s3, s25, $0xb8;
	[tilespmem:$0x5800] =	vst v63  }
0xd3: {  	_ =	swait.ge [sflag:s7], $0x2000  }
0xd4: {  	[sflag:s7] =	ssyncset.done $0x0  }
0xd5: {  	[sflag:s7] =	ssyncadd.s32 $0xFFFFE000  }
0xd6: {  	_ =	swait.ge [sflag:s29], $0x2000  }
0xd7: {  	s0 =	sand.u32 $0x1FFFBC00, s31;
	[sflag:s29] =	ssyncset.done $0x0  }
0xd8: {  	s3 =	sadd.s32 s5, s0;
	[sflag:s29] =	ssyncadd.s32 $0xFFFFE000  }
0xd9: {  	[hbm4b:s3+s2] =	stream.linear.scatter [tilespmem:s26], [sflag:$0x3], $0x2000, $0x38;
	[tilespmem:$0x5800] =	vst v63  }
0xda: {  	_ =	swait.ge [sflag:s23], $0x2000  }
.Ltmp8:
0xdb: {  	[sflag:s23] =	ssyncset.done $0x0;
	(pc) =	sbr.rel @p0 .LBB2_18-.Ltmp8, $4  }
0xdc: {  	s0 =	sadd.s32 s6, s0;
	[sflag:s23] =	ssyncadd.s32 $0xFFFFE000  }
0xdd: {  	[hbm4b:s0+s2] =	stream.linear.scatter [tilespmem:s28], [sflag:$0x3], $0x2000, $0x38;
	[tilespmem:$0x5800] =	vst v63  }
0xde: {  	s31 =	sadd.s32 $0x400, s31;
	_ =	swait.ge [sflag:s23], $0x2000  }
0xdf: {  	s3 =	sshra.s32 s8, $0x2;
	s0 =	smov.u32 s9;
	[sflag:s23] =	ssyncset.done $0x0  }
0xe0: {  	s0 =	sadd.s32 $0x1000, s3;
	[sflag:s23] =	ssyncadd.s32 $0xFFFFE000  }
0xe1: {  	[tilespmem:s26], [sflag:$0x1] =	stream.indirect.gather [hbm4b:s1+s25], $0x40, s0, s25, $0xb8;
	[tilespmem:$0x5800] =	vst v63  }
0xe2: {  	_ = 	snop  }
0xe3: {  	[tilespmem:s28], [sflag:$0x2] =	stream.indirect.gather [hbm4b:s4+s25], $0x40, s0, s25, $0xb8;
	[tilespmem:$0x5800] =	vst v63  }
0xe4: {  	_ =	swait.ge [sflag:s7], $0x2000  }
0xe5: {  	[sflag:s7] =	ssyncset.done $0x0  }
0xe6: {  	[sflag:s7] =	ssyncadd.s32 $0xFFFFE000  }
0xe7: {  	_ =	swait.ge [sflag:s29], $0x2000  }
0xe8: {  	s8 =	sand.u32 $0x1FFFBC00, s31;
	[sflag:s29] =	ssyncset.done $0x0  }
0xe9: {  	s9 =	sadd.s32 s5, s8;
	[sflag:s29] =	ssyncadd.s32 $0xFFFFE000  }
0xea: {  	[hbm4b:s9+s2] =	stream.linear.scatter [tilespmem:s26], [sflag:$0x3], $0x2000, $0x38;
	[tilespmem:$0x5800] =	vst v63  }
0xeb: {  	_ =	swait.ge [sflag:s23], $0x2000  }
0xec: {  	[sflag:s23] =	ssyncset.done $0x0  }
0xed: {  	s0 =	sadd.s32 s6, s8;
	[sflag:s23] =	ssyncadd.s32 $0xFFFFE000  }
0xee: {  	[hbm4b:s0+s2] =	stream.linear.scatter [tilespmem:s28], [sflag:$0x3], $0x2000, $0x38;
	[tilespmem:$0x5800] =	vst v63  }
0xef: {  	_ =	swait.ge [sflag:s23], $0x2000  }
0xf0: {  	[sflag:s23] =	ssyncset.done $0x0  }
0xf1: {  	s0 =	simm.s32 $0x0;
	[sflag:s23] =	ssyncadd.s32 $0xFFFFE000  }
0xf2: {  	[tilespmem:s0], [sflag:$0x3] =	stream.linear.gather [hbm4b:s14+s0], $0x800, $0x38;
	[tilespmem:$0x5800] =	vst v63  }
0xf3: {  	_ =	swait.ge [sflag:s23], $0x800  }
0xf4: {  	[sflag:s23] =	ssyncset.done $0x0  }
0xf5: {  	[sflag:s23] =	ssyncadd.s32 $0xFFFFF800  }
0xf6: {  	s31 =	simm.s32 $0x10;
	s3 =	simm.s32 $0x0;
	v3 =	vld [tilespmem:s0+$0x0]  }
.LBB2_20:
0xf7: {  	p0 =	sne.s32 s31, $0x7F0;
	_ =	sdelay $0x3  }
.Ltmp9:
0xf8: {  	(pc) =	sbr.rel @p0 .LBB2_20-.Ltmp9, $4  }
0xf9: {  	_ = 	snop  }
0xfa: {  	v4 =	vor.u32 s0, v2;
	s0 =	smov.u32 s31  }
0xfb: {  	s3 =	sadd.s32 $0x10, s3;
	[tilespmem:v3+s24+$0x0] =	vst.idx.msk $0xffff, v4  }
0xfc: {  	s31 =	sadd.s32 $0x10, s31;
	v3 =	vld [tilespmem:s3+$0x0]  }
0xfd: {  	_ =	sdelay $0x6  }
0xfe: {  	v4 =	vor.u32 s0, v2  }
0xff: {  	s31 =	simm.s32 $0x0;
	[tilespmem:v3+s24+$0x0] =	vst.idx.msk $0xffff, v4  }
0x100: {  	[hbm4b:s15+s31] =	stream.linear.scatter [tilespmem:s24], [sflag:$0x3], $0x800, $0x38;
	[tilespmem:$0x5800] =	vst v63  }
0x101: {  	_ =	swait.ge [sflag:s23], $0x800  }
0x102: {  	[sflag:s23] =	ssyncset.done $0x0  }
0x103: {  	s0 =	simm.s32 $0x0;
	[sflag:s23] =	ssyncadd.s32 $0xFFFFF800  }
0x104: {  	s3 =	simm.s32 $0x40;
	v3 =	vld [tilespmem:s0+$0x800]  }
.LBB2_22:
0x105: {  	p0 =	sne.s32 s3, $0x1FC0  }
.Ltmp10:
0x106: {  	_ = 	snop;
	(pc) =	sbr.rel @p0 .LBB2_22-.Ltmp10, $3  }
0x107: {  	_ =	sdelay $0x1  }
0x108: {  	s8 =	sshra.s32 s3, $0x2;
	s3 =	sadd.s32 $0x40, s3;
	v4 =	vadd.s32 v1, v3  }
0x109: {  	v3 =	vld [tilespmem:s8+$0x800];
	[tilespmem:s0+$0x1000] =	vst v4;
	s0 =	smov.u32 s8  }
0x10a: {  	_ =	sdelay $0x3  }
0x10b: {  	v3 =	vadd.s32 v1, v3  }
0x10c: {  	s31 =	simm.s32 $0x1000;
	[tilespmem:s0+$0x1000] =	vst v3  }
0x10d: {  	[tilespmem:s26], [sflag:$0x1] =	stream.indirect.gather [hbm4b:s1+s25], $0x40, s31, s25, $0xb8;
	[tilespmem:$0x5800] =	vst v63  }
0x10e: {  	_ = 	snop  }
0x10f: {  	[tilespmem:s28], [sflag:$0x2] =	stream.indirect.gather [hbm4b:s4+s25], $0x40, s31, s25, $0xb8;
	[tilespmem:$0x5800] =	vst v63  }
0x110: {  	_ =	swait.ge [sflag:s7], $0x2000  }
0x111: {  	[sflag:s7] =	ssyncset.done $0x0  }
0x112: {  	[sflag:s7] =	ssyncadd.s32 $0xFFFFE000  }
0x113: {  	_ =	swait.ge [sflag:s29], $0x2000  }
0x114: {  	[sflag:s29] =	ssyncset.done $0x0  }
0x115: {  	s8 =	sadd.s32 $0x0, s22;
	[sflag:s29] =	ssyncadd.s32 $0xFFFFE000  }
0x116: {  	[hbm4b:s8+s2] =	stream.linear.scatter [tilespmem:s26], [sflag:$0x3], $0x2000, $0x38;
	[tilespmem:$0x5800] =	vst v63  }
0x117: {  	_ =	swait.ge [sflag:s23], $0x2000  }
0x118: {  	[sflag:s23] =	ssyncset.done $0x0  }
0x119: {  	s9 =	sadd.s32 $0x0, s21;
	[sflag:s23] =	ssyncadd.s32 $0xFFFFE000  }
0x11a: {  	[hbm4b:s9+s2] =	stream.linear.scatter [tilespmem:s28], [sflag:$0x3], $0x2000, $0x38;
	[tilespmem:$0x5800] =	vst v63  }
0x11b: {  	_ =	swait.ge [sflag:s23], $0x2000  }
0x11c: {  	s0 =	simm.s32 $0x400;
	[sflag:s23] =	ssyncset.done $0x0  }
.LBB2_24:
0x11d: {  	p0 =	sne.s32 s0, $0x3C00;
	[sflag:s23] =	ssyncadd.s32 $0xFFFFE000;
	s31 =	sadd.s32 $0x80, s31  }
0x11e: {  	[tilespmem:s26], [sflag:$0x1] =	stream.indirect.gather [hbm4b:s1+s25], $0x40, s31, s25, $0xb8;
	[tilespmem:$0x5800] =	vst v63  }
0x11f: {  	s3 =	smov.u32 s0;
	s0 =	sadd.s32 $0x400, s0  }
0x120: {  	[tilespmem:s28], [sflag:$0x2] =	stream.indirect.gather [hbm4b:s4+s25], $0x40, s31, s25, $0xb8;
	[tilespmem:$0x5800] =	vst v63  }
0x121: {  	_ =	swait.ge [sflag:s7], $0x2000  }
0x122: {  	[sflag:s7] =	ssyncset.done $0x0  }
0x123: {  	[sflag:s7] =	ssyncadd.s32 $0xFFFFE000  }
0x124: {  	_ =	swait.ge [sflag:s29], $0x2000  }
0x125: {  	[sflag:s29] =	ssyncset.done $0x0  }
0x126: {  	s8 =	sadd.s32 s3, s22;
	[sflag:s29] =	ssyncadd.s32 $0xFFFFE000  }
0x127: {  	[hbm4b:s8+s2] =	stream.linear.scatter [tilespmem:s26], [sflag:$0x3], $0x2000, $0x38;
	[tilespmem:$0x5800] =	vst v63  }
0x128: {  	_ =	swait.ge [sflag:s23], $0x2000  }
.Ltmp11:
0x129: {  	[sflag:s23] =	ssyncset.done $0x0;
	(pc) =	sbr.rel @p0 .LBB2_24-.Ltmp11, $4  }
0x12a: {  	s3 =	sadd.s32 s3, s21;
	[sflag:s23] =	ssyncadd.s32 $0xFFFFE000  }
0x12b: {  	[hbm4b:s3+s2] =	stream.linear.scatter [tilespmem:s28], [sflag:$0x3], $0x2000, $0x38;
	[tilespmem:$0x5800] =	vst v63  }
0x12c: {  	_ =	swait.ge [sflag:s23], $0x2000  }
0x12d: {  	[sflag:s23] =	ssyncset.done $0x0  }
0x12e: {  	s30 =	sadd.s32 $0x1, s30  }
0x12f: {  	p0 =	sne.s32 s30, s16  }
.Ltmp12:
0x130: {  	_ = 	snop;
	(pc) =	sbr.rel @p0 .LBB2_1-.Ltmp12, $2  }
0x131: {  	_ =	sdelay $0x2  }
0x132: {  	[sflag:s23] =	ssyncadd.s32 $0xFFFFE000  }
0x133: {  	_ =	sfence.sel $0x180000  }
0x134: {  	[bflag:$0x0] =	sbarrier.arrive $0xFFFF  }
0x135: {  	_ =	strace $0x90000047  }
0x136: {  	s0 =	stileid.u32;
	[bflag:$0x2] =	sbarrier.arrive $0xFFFF  }
0x137: {  	p0 =	sne.s32 s0, $0x0;
	s0 =	rddreg [dreg:$0x2]  }
0x138: {  	s0 =	sadd.s32 @!p0 $0x100000, s0  }
0x139: {  	[sflag:s0] =	ssyncadd.tile.s32 @!p0 $0x1;
	_ =	shalt  }
.Lfunc_end2:
_tile_overlayer_lowered:
.L_overlay_start_2:
0x13a: {  	(tag) =	ssettag $0x2  }
0x13b: {  	s0 =	rddreg [dreg:$0x0];
	s2 =	stileid.u32  }
0x13c: {  	s1 =	rddreg [dreg:$0x1];
	p0 =	sne.s32 s2, $0x0  }
0x13d: {  	s3 =	rddreg [dreg:$0x2];
	[bflag:$0x3] =	sbarrier.arrive $0xFFFF;
	s2 =	simm.s32 @!p0 $0x1C03  }
0x13e: {  	[timem:s3], [sflag:s2] =	dma.local @!p0 [hbm:s0], s1  }
0x13f: {  	s0 =	simm.s32 @!p0 $0x3  }
0x140: {  	_ =	swait.ge @!p0 [sflag:s0], s1  }
0x141: {  	s1 =	ssub.s32 @!p0 $0x0, s1;
	[sflag:s0] =	ssyncset.done @!p0 $0x0  }
0x142: {  	[sflag:s0] =	ssyncadd.s32 @!p0 s1  }
0x143: {  	[bflag:$0x3] =	sbarrier.arrive $0xFFFF  }
0x144: {  	_ =	shalt  }

</sc_bundles>
